<compile_context>
chip_gen: v7x
topology: tpu7x:2x2x1
jax: 0.10.2.dev20260603
libtpu: 0.0.44.dev20260713+nightly
codegen_flags: <defaults>
</compile_context>

<pallas_src>
import functools

import jax
import jax.numpy as jnp
from jax import lax
from jax.experimental import pallas as pl
from jax.experimental.pallas import tpu as pltpu
from jax.experimental.pallas import tpu_sc as plsc

KSEL = 256
BOX_HALF = 16.0
ROWS_PER_STEP = 4
LANES = 16
NSC = 2



def _matvec_body(x_ref, w_ref, b_ref, o_ref):
    wv = w_ref[...]
    bs = b_ref[0, 0]
    for r in range(x_ref.shape[0]):
        z = jnp.dot(wv, x_ref[r], preferred_element_type=jnp.float32)
        o_ref[r] = jax.nn.sigmoid(z + bs)


def _matvec(x, w, b):
    BV, C, HW = x.shape
    R = ROWS_PER_STEP
    return pl.pallas_call(
        _matvec_body,
        grid=(BV // R,),
        in_specs=[
            pl.BlockSpec((R, C, HW), lambda i: (i, 0, 0)),
            pl.BlockSpec((1, C), lambda i: (0, 0)),
            pl.BlockSpec(memory_space=pltpu.SMEM),
        ],
        out_specs=pl.BlockSpec((R, 1, HW), lambda i: (i, 0, 0)),
        out_shape=jax.ShapeDtypeStruct((BV, 1, HW), jnp.float32),
    )(x, w.reshape(1, C), b.reshape(1, 1))



def _gather16(x, idx):
    dnums = lax.GatherDimensionNumbers(
        offset_dims=(), collapsed_slice_dims=(0,), start_index_map=(0,))
    return lax.gather(x, idx[:, None], dnums, (1,),
                      mode=lax.GatherScatterMode.PROMISE_IN_BOUNDS)

def _sc_select_body(scores_hbm, oval_hbm, oidx_hbm,
                    row_v, hist_v, oval_v, oidx_v):
    wid = lax.axis_index("s") * NSC + lax.axis_index("c")
    pltpu.sync_copy(scores_hbm.at[wid], row_v)

    n = row_v.shape[0]
    nstep = n // LANES
    lane = lax.iota(jnp.int32, LANES)
    ones = jnp.ones((LANES,), jnp.int32)
    zeros = jnp.zeros((LANES,), jnp.int32)

    def splat(s):
        return lax.broadcast_in_dim(s, (LANES,), ())

    prefix = zeros
    need = splat(jnp.int32(KSEL))
    for r in range(8):
        sh = 28 - 4 * r
        for bin_ in range(LANES):
            hist_v[pl.ds(bin_ * LANES, LANES)] = zeros

        def hist_step(jj, carry, prefix=prefix, sh=sh, r=r):
            for u in range(4):
                j = jj * 4 + u
                key = plsc.bitcast(row_v[pl.ds(j * LANES, LANES)], jnp.int32)
                digit = lax.shift_right_logical(key, sh) & 15
                slot = lane * LANES + digit
                if r == 0:
                    plsc.addupdate_scatter(hist_v, [slot], ones)
                else:
                    cand = (lax.shift_right_logical(key, sh + 4)
                            == lax.shift_right_logical(prefix, sh + 4))
                    plsc.addupdate_scatter(hist_v, [slot], ones, mask=cand)
            return carry

        lax.fori_loop(0, nstep // 4, hist_step, 0)

        binv = zeros
        for l in range(LANES):
            binv = binv + hist_v[pl.ds(l * LANES, LANES)]
        revc = lax.rev(binv, (0,))
        rc = plsc.cumsum(revc)
        rc_prev = rc - revc
        ge = rc >= need
        d = plsc.all_reduce_population_count(ge) - 1
        i0 = 15 - d
        above = _gather16(rc_prev, i0)
        need = need - above
        prefix = prefix | lax.shift_left(d, sh)

    tkey = prefix
    m = need

    def comp_step(jj, carry):
        cgt, ceq = carry
        for u in range(2):
            j = jj * 2 + u
            v = row_v[pl.ds(j * LANES, LANES)]
            key = plsc.bitcast(v, jnp.int32)
            idxv = splat(j * LANES) + lane
            gt = key > tkey
            pgt = plsc.cumsum(jnp.where(gt, 1, 0))
            pos_gt = jnp.where(gt, cgt + pgt - 1, 0)
            plsc.store_scatter(oval_v, [pos_gt], v, mask=gt)
            plsc.store_scatter(oidx_v, [pos_gt], idxv, mask=gt)
            eq = key == tkey
            peq = plsc.cumsum(jnp.where(eq, 1, 0))
            take = eq & (ceq + peq - 1 < m)
            pos_eq = jnp.where(take, splat(jnp.int32(KSEL)) - m + ceq + peq - 1, 0)
            plsc.store_scatter(oval_v, [pos_eq], v, mask=take)
            plsc.store_scatter(oidx_v, [pos_eq], idxv, mask=take)
            cgt = cgt + plsc.all_reduce_population_count(gt)
            ceq = ceq + plsc.all_reduce_population_count(eq)
        return cgt, ceq

    lax.fori_loop(0, nstep // 2, comp_step, (zeros, zeros))

    pltpu.sync_copy(oval_v, oval_hbm.at[wid])
    pltpu.sync_copy(oidx_v, oidx_hbm.at[wid])


def _sc_select(scores):
    BV, HW = scores.shape
    mesh = plsc.VectorSubcoreMesh(core_axis_name="c", subcore_axis_name="s")
    run = functools.partial(
        pl.kernel,
        mesh=mesh,
        compiler_params=pltpu.CompilerParams(needs_layout_passes=False),
        out_type=[
            jax.ShapeDtypeStruct((BV, KSEL), jnp.float32),
            jax.ShapeDtypeStruct((BV, KSEL), jnp.int32),
        ],
        scratch_types=[
            pltpu.VMEM((HW,), jnp.float32),
            pltpu.VMEM((LANES * LANES,), jnp.int32),
            pltpu.VMEM((KSEL,), jnp.float32),
            pltpu.VMEM((KSEL,), jnp.int32),
        ],
    )(_sc_select_body)
    return run(scores)



def _rank_body(v_ref, i_ref, sy_ref, sx_ref,
               tv_ref, x1_ref, y1_ref, x2_ref, y2_ref):
    for r in range(v_ref.shape[0]):
        v = v_ref[r]
        vi = i_ref[r]
        vt = jnp.swapaxes(v, 0, 1)
        it = jnp.swapaxes(vi, 0, 1)
        before = (vt > v) | ((vt == v) & (it < vi))
        mat = jnp.where(before, 1.0, 0.0)
        rank = jnp.sum(mat, axis=0, keepdims=True)
        cols = lax.broadcasted_iota(jnp.int32, (1, KSEL), 1).astype(jnp.float32)
        pbool = jnp.swapaxes(rank, 0, 1) == cols
        sv = jnp.sum(jnp.where(pbool, vt, 0.0), axis=0, keepdims=True)
        sif = jnp.sum(jnp.where(pbool, it.astype(jnp.float32), 0.0),
                      axis=0, keepdims=True)
        iy = jnp.floor(sif * (1.0 / 64.0))
        ix = sif - iy * 64.0
        ys = iy * sy_ref[0, 0]
        xs = ix * sx_ref[0, 0]
        tv_ref[r] = sv
        x1_ref[r] = xs - BOX_HALF
        y1_ref[r] = ys - BOX_HALF
        x2_ref[r] = xs + BOX_HALF
        y2_ref[r] = ys + BOX_HALF


def _rank_sort(vals, idx, sy, sx):
    BV = vals.shape[0]
    v3 = vals.reshape(BV, 1, KSEL)
    i3 = idx.reshape(BV, 1, KSEL)
    RR = 4
    blk = pl.BlockSpec((RR, 1, KSEL), lambda i: (i, 0, 0))
    scalar = pl.BlockSpec(memory_space=pltpu.SMEM)
    outs = pl.pallas_call(
        _rank_body,
        grid=(BV // RR,),
        in_specs=[blk, blk, scalar, scalar],
        out_specs=[blk] * 5,
        out_shape=[jax.ShapeDtypeStruct((BV, 1, KSEL), jnp.float32)] * 5,
    )(v3, i3, sy.reshape(1, 1), sx.reshape(1, 1))
    return outs



def kernel(f8, w, b, image_height, image_width):
    B, V, C, H, W = f8.shape
    HW = H * W
    BV = B * V
    x = f8.reshape(BV, C, HW)

    scores = _matvec(x, w, b.astype(jnp.float32)).reshape(BV, HW)

    sel_vals, sel_idx = _sc_select(scores)

    sy = (jnp.float32(image_height) / H).astype(jnp.float32)
    sx = (jnp.float32(image_width) / W).astype(jnp.float32)
    tv, x1, y1, x2, y2 = _rank_sort(sel_vals, sel_idx, sy, sx)

    top_values = tv.reshape(B, V, KSEL)
    boxes = jnp.stack(
        (x1.reshape(B, V, KSEL), y1.reshape(B, V, KSEL),
         x2.reshape(B, V, KSEL), y2.reshape(B, V, KSEL)), axis=-1)
    return boxes, top_values

# --- scband reference (transcript-rebuilt; emitter-appended) ---
"""Pipeline reference for scband-proposal-head-5299989643277 (READ-ONLY COPY).

The authoritative reference and input builder live on the scoring server;
editing this copy changes nothing except your own understanding.
"""

import jax, jax.numpy as jnp
import numpy as np

B, V, C, H, W = 4, 8, 96, 64, 64
K = 256
BOX_SIZE = 32.0

def setup_inputs(seed: int = 0) -> dict:
    key = jax.random.key(seed)
    k1, k2 = jax.random.split(key, 2)
    f8 = jax.random.normal(k1, (B, V, C, H, W), dtype=jnp.float32)
    # 1x1 conv params (Conv2d(C, 1, kernel_size=1)) -> weight vector [C] + scalar bias
    w = jax.random.normal(k2, (C,), dtype=jnp.float32) * 0.02
    b = jnp.zeros((), dtype=jnp.float32)
    return {"f8": f8, "w": w, "b": b, "image_height": 512, "image_width": 512}

def reference(f8, w, b, image_height, image_width):
    batch, views = f8.shape[0], f8.shape[1]
    # 1x1 conv over channel dim + sigmoid
    scores_map = jax.nn.sigmoid(jnp.einsum('bvchw,c->bvhw', f8, w) + b)
    feat_h, feat_w = scores_map.shape[-2], scores_map.shape[-1]
    flat_scores = scores_map.reshape(batch, views, feat_h * feat_w)
    top_values, top_indices = jax.lax.top_k(flat_scores, K)
    ys = (top_indices // feat_w).astype(jnp.float32) * (image_height / feat_h)
    xs = (top_indices % feat_w).astype(jnp.float32) * (image_width / feat_w)
    half = BOX_SIZE * 0.5
    boxes = jnp.stack((xs - half, ys - half, xs + half, ys + half), axis=-1)
    return boxes, top_values

if __name__ == "__main__":
    import jax
    _d = setup_inputs()
    print(jax.jit(kernel)(*tuple(_d.values())))

</pallas_src>

<mosaic_0001>
#map = affine_map<(d0, d1) -> (0, 0)>
module attributes {stable_mosaic.version = 14 : i64} {
  func.func @_sc_select_body(%arg0: i32, %arg1: i32, %arg2: memref<32x4096xf32, #tpu.memory_space<hbm>>, %arg3: memref<32x256xf32, #tpu.memory_space<hbm>>, %arg4: memref<32x256xi32, #tpu.memory_space<hbm>>, %arg5: memref<4096xf32, #tpu.memory_space<vmem>>, %arg6: memref<256xi32, #tpu.memory_space<vmem>>, %arg7: memref<256xf32, #tpu.memory_space<vmem>>, %arg8: memref<256xi32, #tpu.memory_space<vmem>>) attributes {dimension_semantics = [#tpu.dimension_semantics<core_parallel>, #tpu.dimension_semantics<subcore_parallel>], iteration_bounds = array<i64: 2, 16>, scalar_prefetch = 0 : i64, scratch_operands = 4 : i64, tpu.core_type = #tpu.core_type<sc_vector_subcore>, window_params = [{transform_indices = #map}, {transform_indices = #map}, {transform_indices = #map}]} {
    %mul3A = arith.constant 2 : i32
    %mul3A_0 = arith.muli %arg1, %mul3A : i32
    %add3A = arith.addi %mul3A_0, %arg0 : i32
    "tpu.region"() ({
      %run_scoped3A = tpu.sem_alloc : memref<!tpu.dma_semaphore, #tpu.memory_space<semaphore_mem>>
      %dma_start3A = arith.constant 0 : i32
      %dma_start3A_889 = tpu.memref_slice %arg2[%add3A, %dma_start3A] : memref<32x4096xf32, #tpu.memory_space<hbm>> -> memref<1x4096xf32, #tpu.memory_space<hbm>>
      %dma_start3A_890 = tpu.memref_squeeze %dma_start3A_889 : memref<1x4096xf32, #tpu.memory_space<hbm>> -> memref<4096xf32, #tpu.memory_space<hbm>>
      %dma_start3A_891 = arith.constant 0 : i32
      %dma_start3A_892 = tpu.memref_slice %arg2[%add3A, %dma_start3A_891] : memref<32x4096xf32, #tpu.memory_space<hbm>> -> memref<1x4096xf32, #tpu.memory_space<hbm>>
      %dma_start3A_893 = tpu.memref_squeeze %dma_start3A_892 : memref<1x4096xf32, #tpu.memory_space<hbm>> -> memref<4096xf32, #tpu.memory_space<hbm>>
      tpu.enqueue_dma source(%dma_start3A_893 : memref<4096xf32, #tpu.memory_space<hbm>>) target(%arg5 : memref<4096xf32, #tpu.memory_space<vmem>>) target_semaphore(%run_scoped3A : memref<!tpu.dma_semaphore, #tpu.memory_space<semaphore_mem>>)
      %dma_wait3A = arith.constant 0 : i32
      %dma_wait3A_894 = tpu.memref_slice %arg2[%add3A, %dma_wait3A] : memref<32x4096xf32, #tpu.memory_space<hbm>> -> memref<1x4096xf32, #tpu.memory_space<hbm>>
      %dma_wait3A_895 = tpu.memref_squeeze %dma_wait3A_894 : memref<1x4096xf32, #tpu.memory_space<hbm>> -> memref<4096xf32, #tpu.memory_space<hbm>>
      %dma_wait3A_896 = arith.constant 0 : i32
      %dma_wait3A_897 = tpu.memref_slice %arg2[%add3A, %dma_wait3A_896] : memref<32x4096xf32, #tpu.memory_space<hbm>> -> memref<1x4096xf32, #tpu.memory_space<hbm>>
      %dma_wait3A_898 = tpu.memref_squeeze %dma_wait3A_897 : memref<1x4096xf32, #tpu.memory_space<hbm>> -> memref<4096xf32, #tpu.memory_space<hbm>>
      tpu.wait_dma2 semaphore(%run_scoped3A : memref<!tpu.dma_semaphore, #tpu.memory_space<semaphore_mem>>) src(%dma_wait3A_898 : memref<4096xf32, #tpu.memory_space<hbm>>) dst(%arg5 : memref<4096xf32, #tpu.memory_space<vmem>>)
      tpu.yield
    }) : () -> ()
    %iota3A = tpu.iota {dimensions = array<i32: 0>} : vector<16xi32>
    %broadcast_in_dim3A = arith.constant 1 : i32
    %broadcast_in_dim3A_1 = vector.broadcast %broadcast_in_dim3A : i32 to vector<16xi32>
    %broadcast_in_dim3A_2 = arith.constant 0 : i32
    %broadcast_in_dim3A_3 = vector.broadcast %broadcast_in_dim3A_2 : i32 to vector<16xi32>
    %broadcast_in_dim3A_4 = arith.constant 256 : i32
    %broadcast_in_dim3A_5 = vector.broadcast %broadcast_in_dim3A_4 : i32 to vector<16xi32>
    %swap3A = arith.constant 0 : index
    %swap3A_6 = tpu.vector_load %arg6[%swap3A] {strides = array<i32>} : memref<256xi32, #tpu.memory_space<vmem>>, vector<16xi32>,
    tpu.vector_store %arg6[%swap3A], %broadcast_in_dim3A_3 {strides = array<i32>} : memref<256xi32, #tpu.memory_space<vmem>>, vector<16xi32>,
    %swap3A_7 = arith.constant 16 : index
    %swap3A_8 = tpu.vector_load %arg6[%swap3A_7] {strides = array<i32>} : memref<256xi32, #tpu.memory_space<vmem>>, vector<16xi32>,
    tpu.vector_store %arg6[%swap3A_7], %broadcast_in_dim3A_3 {strides = array<i32>} : memref<256xi32, #tpu.memory_space<vmem>>, vector<16xi32>,
    %swap3A_9 = arith.constant 32 : index
    %swap3A_10 = tpu.vector_load %arg6[%swap3A_9] {strides = array<i32>} : memref<256xi32, #tpu.memory_space<vmem>>, vector<16xi32>,
    tpu.vector_store %arg6[%swap3A_9], %broadcast_in_dim3A_3 {strides = array<i32>} : memref<256xi32, #tpu.memory_space<vmem>>, vector<16xi32>,
    %swap3A_11 = arith.constant 48 : index
    %swap3A_12 = tpu.vector_load %arg6[%swap3A_11] {strides = array<i32>} : memref<256xi32, #tpu.memory_space<vmem>>, vector<16xi32>,
    tpu.vector_store %arg6[%swap3A_11], %broadcast_in_dim3A_3 {strides = array<i32>} : memref<256xi32, #tpu.memory_space<vmem>>, vector<16xi32>,
    %swap3A_13 = arith.constant 64 : index
    %swap3A_14 = tpu.vector_load %arg6[%swap3A_13] {strides = array<i32>} : memref<256xi32, #tpu.memory_space<vmem>>, vector<16xi32>,
    tpu.vector_store %arg6[%swap3A_13], %broadcast_in_dim3A_3 {strides = array<i32>} : memref<256xi32, #tpu.memory_space<vmem>>, vector<16xi32>,
    %swap3A_15 = arith.constant 80 : index
    %swap3A_16 = tpu.vector_load %arg6[%swap3A_15] {strides = array<i32>} : memref<256xi32, #tpu.memory_space<vmem>>, vector<16xi32>,
    tpu.vector_store %arg6[%swap3A_15], %broadcast_in_dim3A_3 {strides = array<i32>} : memref<256xi32, #tpu.memory_space<vmem>>, vector<16xi32>,
    %swap3A_17 = arith.constant 96 : index
    %swap3A_18 = tpu.vector_load %arg6[%swap3A_17] {strides = array<i32>} : memref<256xi32, #tpu.memory_space<vmem>>, vector<16xi32>,
    tpu.vector_store %arg6[%swap3A_17], %broadcast_in_dim3A_3 {strides = array<i32>} : memref<256xi32, #tpu.memory_space<vmem>>, vector<16xi32>,
    %swap3A_19 = arith.constant 112 : index
    %swap3A_20 = tpu.vector_load %arg6[%swap3A_19] {strides = array<i32>} : memref<256xi32, #tpu.memory_space<vmem>>, vector<16xi32>,
    tpu.vector_store %arg6[%swap3A_19], %broadcast_in_dim3A_3 {strides = array<i32>} : memref<256xi32, #tpu.memory_space<vmem>>, vector<16xi32>,
    %swap3A_21 = arith.constant 128 : index
    %swap3A_22 = tpu.vector_load %arg6[%swap3A_21] {strides = array<i32>} : memref<256xi32, #tpu.memory_space<vmem>>, vector<16xi32>,
    tpu.vector_store %arg6[%swap3A_21], %broadcast_in_dim3A_3 {strides = array<i32>} : memref<256xi32, #tpu.memory_space<vmem>>, vector<16xi32>,
    %swap3A_23 = arith.constant 144 : index
    %swap3A_24 = tpu.vector_load %arg6[%swap3A_23] {strides = array<i32>} : memref<256xi32, #tpu.memory_space<vmem>>, vector<16xi32>,
    tpu.vector_store %arg6[%swap3A_23], %broadcast_in_dim3A_3 {strides = array<i32>} : memref<256xi32, #tpu.memory_space<vmem>>, vector<16xi32>,
    %swap3A_25 = arith.constant 160 : index
    %swap3A_26 = tpu.vector_load %arg6[%swap3A_25] {strides = array<i32>} : memref<256xi32, #tpu.memory_space<vmem>>, vector<16xi32>,
    tpu.vector_store %arg6[%swap3A_25], %broadcast_in_dim3A_3 {strides = array<i32>} : memref<256xi32, #tpu.memory_space<vmem>>, vector<16xi32>,
    %swap3A_27 = arith.constant 176 : index
    %swap3A_28 = tpu.vector_load %arg6[%swap3A_27] {strides = array<i32>} : memref<256xi32, #tpu.memory_space<vmem>>, vector<16xi32>,
    tpu.vector_store %arg6[%swap3A_27], %broadcast_in_dim3A_3 {strides = array<i32>} : memref<256xi32, #tpu.memory_space<vmem>>, vector<16xi32>,
    %swap3A_29 = arith.constant 192 : index
    %swap3A_30 = tpu.vector_load %arg6[%swap3A_29] {strides = array<i32>} : memref<256xi32, #tpu.memory_space<vmem>>, vector<16xi32>,
    tpu.vector_store %arg6[%swap3A_29], %broadcast_in_dim3A_3 {strides = array<i32>} : memref<256xi32, #tpu.memory_space<vmem>>, vector<16xi32>,
    %swap3A_31 = arith.constant 208 : index
    %swap3A_32 = tpu.vector_load %arg6[%swap3A_31] {strides = array<i32>} : memref<256xi32, #tpu.memory_space<vmem>>, vector<16xi32>,
    tpu.vector_store %arg6[%swap3A_31], %broadcast_in_dim3A_3 {strides = array<i32>} : memref<256xi32, #tpu.memory_space<vmem>>, vector<16xi32>,
    %swap3A_33 = arith.constant 224 : index
    %swap3A_34 = tpu.vector_load %arg6[%swap3A_33] {strides = array<i32>} : memref<256xi32, #tpu.memory_space<vmem>>, vector<16xi32>,
    tpu.vector_store %arg6[%swap3A_33], %broadcast_in_dim3A_3 {strides = array<i32>} : memref<256xi32, #tpu.memory_space<vmem>>, vector<16xi32>,
    %swap3A_35 = arith.constant 240 : index
    %swap3A_36 = tpu.vector_load %arg6[%swap3A_35] {strides = array<i32>} : memref<256xi32, #tpu.memory_space<vmem>>, vector<16xi32>,
    tpu.vector_store %arg6[%swap3A_35], %broadcast_in_dim3A_3 {strides = array<i32>} : memref<256xi32, #tpu.memory_space<vmem>>, vector<16xi32>,
    %scan3A = arith.constant 0 : i32
    %scan3A_37 = arith.constant 0 : i32
    %scan3A_38 = arith.constant 64 : i32
    %scan3A_39 = arith.addi %scan3A_37, %scan3A_38 : i32
    %scan3A_40 = arith.constant 1 : i32
    scf.for %scan3A_889 = %scan3A_37 to %scan3A_39 step %scan3A_40  : i32 {
      %mul3A_890 = arith.constant 4 : i32
      %mul3A_891 = arith.muli %scan3A_889, %mul3A_890 : i32
      %add3A_892 = arith.constant 0 : i32
      %add3A_893 = arith.addi %mul3A_891, %add3A_892 : i32
      %mul3A_894 = arith.constant 16 : i32
      %mul3A_895 = arith.muli %add3A_893, %mul3A_894 : i32
      %get3A_896 = arith.index_cast %mul3A_895 : i32 to index
      %get3A_897 = tpu.vector_load %arg5[%get3A_896] {strides = array<i32>} : memref<4096xf32, #tpu.memory_space<vmem>>, vector<16xf32>,
      %bitcast3A = vector.bitcast %get3A_897 : vector<16xf32> to vector<16xi32>
      %shift_right_logical3A = arith.constant 28 : i32
      %shift_right_logical3A_898 = vector.broadcast %shift_right_logical3A : i32 to vector<16xi32>
      %shift_right_logical3A_899 = arith.shrui %bitcast3A, %shift_right_logical3A_898 : vector<16xi32>
      %and3A = arith.constant 15 : i32
      %and3A_900 = vector.broadcast %and3A : i32 to vector<16xi32>
      %and3A_901 = arith.andi %shift_right_logical3A_899, %and3A_900 : vector<16xi32>
      %mul3A_902 = arith.constant 16 : i32
      %mul3A_903 = vector.broadcast %mul3A_902 : i32 to vector<16xi32>
      %mul3A_904 = arith.muli %iota3A, %mul3A_903 : vector<16xi32>
      %add3A_905 = arith.addi %mul3A_904, %and3A_901 : vector<16xi32>
      tpu.vector_store_idx %arg6[%add3A_905], %broadcast_in_dim3A_1 {add = true} : memref<256xi32, #tpu.memory_space<vmem>>[vector<16xi32>], vector<16xi32>,
      %mul3A_906 = arith.constant 4 : i32
      %mul3A_907 = arith.muli %scan3A_889, %mul3A_906 : i32
      %add3A_908 = arith.constant 1 : i32
      %add3A_909 = arith.addi %mul3A_907, %add3A_908 : i32
      %mul3A_910 = arith.constant 16 : i32
      %mul3A_911 = arith.muli %add3A_909, %mul3A_910 : i32
      %get3A_912 = arith.index_cast %mul3A_911 : i32 to index
      %get3A_913 = tpu.vector_load %arg5[%get3A_912] {strides = array<i32>} : memref<4096xf32, #tpu.memory_space<vmem>>, vector<16xf32>,
      %bitcast3A_914 = vector.bitcast %get3A_913 : vector<16xf32> to vector<16xi32>
      %shift_right_logical3A_915 = arith.constant 28 : i32
      %shift_right_logical3A_916 = vector.broadcast %shift_right_logical3A_915 : i32 to vector<16xi32>
      %shift_right_logical3A_917 = arith.shrui %bitcast3A_914, %shift_right_logical3A_916 : vector<16xi32>
      %and3A_918 = arith.constant 15 : i32
      %and3A_919 = vector.broadcast %and3A_918 : i32 to vector<16xi32>
      %and3A_920 = arith.andi %shift_right_logical3A_917, %and3A_919 : vector<16xi32>
      %mul3A_921 = arith.constant 16 : i32
      %mul3A_922 = vector.broadcast %mul3A_921 : i32 to vector<16xi32>
      %mul3A_923 = arith.muli %iota3A, %mul3A_922 : vector<16xi32>
      %add3A_924 = arith.addi %mul3A_923, %and3A_920 : vector<16xi32>
      tpu.vector_store_idx %arg6[%add3A_924], %broadcast_in_dim3A_1 {add = true} : memref<256xi32, #tpu.memory_space<vmem>>[vector<16xi32>], vector<16xi32>,
      %mul3A_925 = arith.constant 4 : i32
      %mul3A_926 = arith.muli %scan3A_889, %mul3A_925 : i32
      %add3A_927 = arith.constant 2 : i32
      %add3A_928 = arith.addi %mul3A_926, %add3A_927 : i32
      %mul3A_929 = arith.constant 16 : i32
      %mul3A_930 = arith.muli %add3A_928, %mul3A_929 : i32
      %get3A_931 = arith.index_cast %mul3A_930 : i32 to index
      %get3A_932 = tpu.vector_load %arg5[%get3A_931] {strides = array<i32>} : memref<4096xf32, #tpu.memory_space<vmem>>, vector<16xf32>,
      %bitcast3A_933 = vector.bitcast %get3A_932 : vector<16xf32> to vector<16xi32>
      %shift_right_logical3A_934 = arith.constant 28 : i32
      %shift_right_logical3A_935 = vector.broadcast %shift_right_logical3A_934 : i32 to vector<16xi32>
      %shift_right_logical3A_936 = arith.shrui %bitcast3A_933, %shift_right_logical3A_935 : vector<16xi32>
      %and3A_937 = arith.constant 15 : i32
      %and3A_938 = vector.broadcast %and3A_937 : i32 to vector<16xi32>
      %and3A_939 = arith.andi %shift_right_logical3A_936, %and3A_938 : vector<16xi32>
      %mul3A_940 = arith.constant 16 : i32
      %mul3A_941 = vector.broadcast %mul3A_940 : i32 to vector<16xi32>
      %mul3A_942 = arith.muli %iota3A, %mul3A_941 : vector<16xi32>
      %add3A_943 = arith.addi %mul3A_942, %and3A_939 : vector<16xi32>
      tpu.vector_store_idx %arg6[%add3A_943], %broadcast_in_dim3A_1 {add = true} : memref<256xi32, #tpu.memory_space<vmem>>[vector<16xi32>], vector<16xi32>,
      %mul3A_944 = arith.constant 4 : i32
      %mul3A_945 = arith.muli %scan3A_889, %mul3A_944 : i32
      %add3A_946 = arith.constant 3 : i32
      %add3A_947 = arith.addi %mul3A_945, %add3A_946 : i32
      %mul3A_948 = arith.constant 16 : i32
      %mul3A_949 = arith.muli %add3A_947, %mul3A_948 : i32
      %get3A_950 = arith.index_cast %mul3A_949 : i32 to index
      %get3A_951 = tpu.vector_load %arg5[%get3A_950] {strides = array<i32>} : memref<4096xf32, #tpu.memory_space<vmem>>, vector<16xf32>,
      %bitcast3A_952 = vector.bitcast %get3A_951 : vector<16xf32> to vector<16xi32>
      %shift_right_logical3A_953 = arith.constant 28 : i32
      %shift_right_logical3A_954 = vector.broadcast %shift_right_logical3A_953 : i32 to vector<16xi32>
      %shift_right_logical3A_955 = arith.shrui %bitcast3A_952, %shift_right_logical3A_954 : vector<16xi32>
      %and3A_956 = arith.constant 15 : i32
      %and3A_957 = vector.broadcast %and3A_956 : i32 to vector<16xi32>
      %and3A_958 = arith.andi %shift_right_logical3A_955, %and3A_957 : vector<16xi32>
      %mul3A_959 = arith.constant 16 : i32
      %mul3A_960 = vector.broadcast %mul3A_959 : i32 to vector<16xi32>
      %mul3A_961 = arith.muli %iota3A, %mul3A_960 : vector<16xi32>
      %add3A_962 = arith.addi %mul3A_961, %and3A_958 : vector<16xi32>
      tpu.vector_store_idx %arg6[%add3A_962], %broadcast_in_dim3A_1 {add = true} : memref<256xi32, #tpu.memory_space<vmem>>[vector<16xi32>], vector<16xi32>,
    }
    %scan3A_41 = arith.constant 64 : i32
    %get3A = arith.constant 0 : index
    %get3A_42 = tpu.vector_load %arg6[%get3A] {strides = array<i32>} : memref<256xi32, #tpu.memory_space<vmem>>, vector<16xi32>,
    %add3A_43 = arith.addi %broadcast_in_dim3A_3, %get3A_42 : vector<16xi32>
    %get3A_44 = arith.constant 16 : index
    %get3A_45 = tpu.vector_load %arg6[%get3A_44] {strides = array<i32>} : memref<256xi32, #tpu.memory_space<vmem>>, vector<16xi32>,
    %add3A_46 = arith.addi %add3A_43, %get3A_45 : vector<16xi32>
    %get3A_47 = arith.constant 32 : index
    %get3A_48 = tpu.vector_load %arg6[%get3A_47] {strides = array<i32>} : memref<256xi32, #tpu.memory_space<vmem>>, vector<16xi32>,
    %add3A_49 = arith.addi %add3A_46, %get3A_48 : vector<16xi32>
    %get3A_50 = arith.constant 48 : index
    %get3A_51 = tpu.vector_load %arg6[%get3A_50] {strides = array<i32>} : memref<256xi32, #tpu.memory_space<vmem>>, vector<16xi32>,
    %add3A_52 = arith.addi %add3A_49, %get3A_51 : vector<16xi32>
    %get3A_53 = arith.constant 64 : index
    %get3A_54 = tpu.vector_load %arg6[%get3A_53] {strides = array<i32>} : memref<256xi32, #tpu.memory_space<vmem>>, vector<16xi32>,
    %add3A_55 = arith.addi %add3A_52, %get3A_54 : vector<16xi32>
    %get3A_56 = arith.constant 80 : index
    %get3A_57 = tpu.vector_load %arg6[%get3A_56] {strides = array<i32>} : memref<256xi32, #tpu.memory_space<vmem>>, vector<16xi32>,
    %add3A_58 = arith.addi %add3A_55, %get3A_57 : vector<16xi32>
    %get3A_59 = arith.constant 96 : index
    %get3A_60 = tpu.vector_load %arg6[%get3A_59] {strides = array<i32>} : memref<256xi32, #tpu.memory_space<vmem>>, vector<16xi32>,
    %add3A_61 = arith.addi %add3A_58, %get3A_60 : vector<16xi32>
    %get3A_62 = arith.constant 112 : index
    %get3A_63 = tpu.vector_load %arg6[%get3A_62] {strides = array<i32>} : memref<256xi32, #tpu.memory_space<vmem>>, vector<16xi32>,
    %add3A_64 = arith.addi %add3A_61, %get3A_63 : vector<16xi32>
    %get3A_65 = arith.constant 128 : index
    %get3A_66 = tpu.vector_load %arg6[%get3A_65] {strides = array<i32>} : memref<256xi32, #tpu.memory_space<vmem>>, vector<16xi32>,
    %add3A_67 = arith.addi %add3A_64, %get3A_66 : vector<16xi32>
    %get3A_68 = arith.constant 144 : index
    %get3A_69 = tpu.vector_load %arg6[%get3A_68] {strides = array<i32>} : memref<256xi32, #tpu.memory_space<vmem>>, vector<16xi32>,
    %add3A_70 = arith.addi %add3A_67, %get3A_69 : vector<16xi32>
    %get3A_71 = arith.constant 160 : index
    %get3A_72 = tpu.vector_load %arg6[%get3A_71] {strides = array<i32>} : memref<256xi32, #tpu.memory_space<vmem>>, vector<16xi32>,
    %add3A_73 = arith.addi %add3A_70, %get3A_72 : vector<16xi32>
    %get3A_74 = arith.constant 176 : index
    %get3A_75 = tpu.vector_load %arg6[%get3A_74] {strides = array<i32>} : memref<256xi32, #tpu.memory_space<vmem>>, vector<16xi32>,
    %add3A_76 = arith.addi %add3A_73, %get3A_75 : vector<16xi32>
    %get3A_77 = arith.constant 192 : index
    %get3A_78 = tpu.vector_load %arg6[%get3A_77] {strides = array<i32>} : memref<256xi32, #tpu.memory_space<vmem>>, vector<16xi32>,
    %add3A_79 = arith.addi %add3A_76, %get3A_78 : vector<16xi32>
    %get3A_80 = arith.constant 208 : index
    %get3A_81 = tpu.vector_load %arg6[%get3A_80] {strides = array<i32>} : memref<256xi32, #tpu.memory_space<vmem>>, vector<16xi32>,
    %add3A_82 = arith.addi %add3A_79, %get3A_81 : vector<16xi32>
    %get3A_83 = arith.constant 224 : index
    %get3A_84 = tpu.vector_load %arg6[%get3A_83] {strides = array<i32>} : memref<256xi32, #tpu.memory_space<vmem>>, vector<16xi32>,
    %add3A_85 = arith.addi %add3A_82, %get3A_84 : vector<16xi32>
    %get3A_86 = arith.constant 240 : index
    %get3A_87 = tpu.vector_load %arg6[%get3A_86] {strides = array<i32>} : memref<256xi32, #tpu.memory_space<vmem>>, vector<16xi32>,
    %add3A_88 = arith.addi %add3A_85, %get3A_87 : vector<16xi32>
    %rev3A = arith.constant 15 : i32
    %rev3A_89 = vector.broadcast %rev3A : i32 to vector<16xi32>
    %rev3A_90 = tpu.iota {dimensions = array<i32: 0>} : vector<16xi32>
    %rev3A_91 = arith.subi %rev3A_89, %rev3A_90 : vector<16xi32>
    %rev3A_92 = tpu.dynamic_gather %add3A_88[%rev3A_91] in [0] : vector<16xi32>, vector<16xi32> -> vector<16xi32>
    %broadcast_in_dim3A_93 = arith.constant true
    %broadcast_in_dim3A_94 = vector.broadcast %broadcast_in_dim3A_93 : i1 to vector<16xi1>
    %masked_cumsum3A = tpu.scan <sum>, %rev3A_92 masked %broadcast_in_dim3A_94 : vector<16xi32>, vector<16xi1> -> vector<16xi32>
    %sub3A = arith.subi %masked_cumsum3A, %rev3A_92 : vector<16xi32>
    %ge3A = arith.cmpi sge, %masked_cumsum3A, %broadcast_in_dim3A_5 : vector<16xi32>
    %all_reduce_population_count3A = tpu.all_reduce %ge3A {dim = 0 : i64, kind = #tpu.reduction_kind<sum>} : vector<16xi1> -> vector<16xi32>
    %sub3A_95 = arith.constant 1 : i32
    %sub3A_96 = vector.broadcast %sub3A_95 : i32 to vector<16xi32>
    %sub3A_97 = arith.subi %all_reduce_population_count3A, %sub3A_96 : vector<16xi32>
    %sub3A_98 = arith.constant 15 : i32
    %sub3A_99 = vector.broadcast %sub3A_98 : i32 to vector<16xi32>
    %sub3A_100 = arith.subi %sub3A_99, %sub3A_97 : vector<16xi32>
    %broadcast_in_dim3A_101 = vector.shape_cast %sub3A_100 : vector<16xi32> to vector<16x1xi32>
    %gather3A = vector.shape_cast %broadcast_in_dim3A_101 : vector<16x1xi32> to vector<16xi32>
    %gather3A_102 = tpu.dynamic_gather %sub3A[%gather3A] in [0] : vector<16xi32>, vector<16xi32> -> vector<16xi32>
    %sub3A_103 = arith.subi %broadcast_in_dim3A_5, %gather3A_102 : vector<16xi32>
    %shift_left3A = arith.constant 28 : i32
    %shift_left3A_104 = vector.broadcast %shift_left3A : i32 to vector<16xi32>
    %shift_left3A_105 = arith.shli %sub3A_97, %shift_left3A_104 : vector<16xi32>
    %or3A = arith.ori %broadcast_in_dim3A_3, %shift_left3A_105 : vector<16xi32>
    %swap3A_106 = arith.constant 0 : index
    %swap3A_107 = tpu.vector_load %arg6[%swap3A_106] {strides = array<i32>} : memref<256xi32, #tpu.memory_space<vmem>>, vector<16xi32>,
    tpu.vector_store %arg6[%swap3A_106], %broadcast_in_dim3A_3 {strides = array<i32>} : memref<256xi32, #tpu.memory_space<vmem>>, vector<16xi32>,
    %swap3A_108 = arith.constant 16 : index
    %swap3A_109 = tpu.vector_load %arg6[%swap3A_108] {strides = array<i32>} : memref<256xi32, #tpu.memory_space<vmem>>, vector<16xi32>,
    tpu.vector_store %arg6[%swap3A_108], %broadcast_in_dim3A_3 {strides = array<i32>} : memref<256xi32, #tpu.memory_space<vmem>>, vector<16xi32>,
    %swap3A_110 = arith.constant 32 : index
    %swap3A_111 = tpu.vector_load %arg6[%swap3A_110] {strides = array<i32>} : memref<256xi32, #tpu.memory_space<vmem>>, vector<16xi32>,
    tpu.vector_store %arg6[%swap3A_110], %broadcast_in_dim3A_3 {strides = array<i32>} : memref<256xi32, #tpu.memory_space<vmem>>, vector<16xi32>,
    %swap3A_112 = arith.constant 48 : index
    %swap3A_113 = tpu.vector_load %arg6[%swap3A_112] {strides = array<i32>} : memref<256xi32, #tpu.memory_space<vmem>>, vector<16xi32>,
    tpu.vector_store %arg6[%swap3A_112], %broadcast_in_dim3A_3 {strides = array<i32>} : memref<256xi32, #tpu.memory_space<vmem>>, vector<16xi32>,
    %swap3A_114 = arith.constant 64 : index
    %swap3A_115 = tpu.vector_load %arg6[%swap3A_114] {strides = array<i32>} : memref<256xi32, #tpu.memory_space<vmem>>, vector<16xi32>,
    tpu.vector_store %arg6[%swap3A_114], %broadcast_in_dim3A_3 {strides = array<i32>} : memref<256xi32, #tpu.memory_space<vmem>>, vector<16xi32>,
    %swap3A_116 = arith.constant 80 : index
    %swap3A_117 = tpu.vector_load %arg6[%swap3A_116] {strides = array<i32>} : memref<256xi32, #tpu.memory_space<vmem>>, vector<16xi32>,
    tpu.vector_store %arg6[%swap3A_116], %broadcast_in_dim3A_3 {strides = array<i32>} : memref<256xi32, #tpu.memory_space<vmem>>, vector<16xi32>,
    %swap3A_118 = arith.constant 96 : index
    %swap3A_119 = tpu.vector_load %arg6[%swap3A_118] {strides = array<i32>} : memref<256xi32, #tpu.memory_space<vmem>>, vector<16xi32>,
    tpu.vector_store %arg6[%swap3A_118], %broadcast_in_dim3A_3 {strides = array<i32>} : memref<256xi32, #tpu.memory_space<vmem>>, vector<16xi32>,
    %swap3A_120 = arith.constant 112 : index
    %swap3A_121 = tpu.vector_load %arg6[%swap3A_120] {strides = array<i32>} : memref<256xi32, #tpu.memory_space<vmem>>, vector<16xi32>,
    tpu.vector_store %arg6[%swap3A_120], %broadcast_in_dim3A_3 {strides = array<i32>} : memref<256xi32, #tpu.memory_space<vmem>>, vector<16xi32>,
    %swap3A_122 = arith.constant 128 : index
    %swap3A_123 = tpu.vector_load %arg6[%swap3A_122] {strides = array<i32>} : memref<256xi32, #tpu.memory_space<vmem>>, vector<16xi32>,
    tpu.vector_store %arg6[%swap3A_122], %broadcast_in_dim3A_3 {strides = array<i32>} : memref<256xi32, #tpu.memory_space<vmem>>, vector<16xi32>,
    %swap3A_124 = arith.constant 144 : index
    %swap3A_125 = tpu.vector_load %arg6[%swap3A_124] {strides = array<i32>} : memref<256xi32, #tpu.memory_space<vmem>>, vector<16xi32>,
    tpu.vector_store %arg6[%swap3A_124], %broadcast_in_dim3A_3 {strides = array<i32>} : memref<256xi32, #tpu.memory_space<vmem>>, vector<16xi32>,
    %swap3A_126 = arith.constant 160 : index
    %swap3A_127 = tpu.vector_load %arg6[%swap3A_126] {strides = array<i32>} : memref<256xi32, #tpu.memory_space<vmem>>, vector<16xi32>,
    tpu.vector_store %arg6[%swap3A_126], %broadcast_in_dim3A_3 {strides = array<i32>} : memref<256xi32, #tpu.memory_space<vmem>>, vector<16xi32>,
    %swap3A_128 = arith.constant 176 : index
    %swap3A_129 = tpu.vector_load %arg6[%swap3A_128] {strides = array<i32>} : memref<256xi32, #tpu.memory_space<vmem>>, vector<16xi32>,
    tpu.vector_store %arg6[%swap3A_128], %broadcast_in_dim3A_3 {strides = array<i32>} : memref<256xi32, #tpu.memory_space<vmem>>, vector<16xi32>,
    %swap3A_130 = arith.constant 192 : index
    %swap3A_131 = tpu.vector_load %arg6[%swap3A_130] {strides = array<i32>} : memref<256xi32, #tpu.memory_space<vmem>>, vector<16xi32>,
    tpu.vector_store %arg6[%swap3A_130], %broadcast_in_dim3A_3 {strides = array<i32>} : memref<256xi32, #tpu.memory_space<vmem>>, vector<16xi32>,
    %swap3A_132 = arith.constant 208 : index
    %swap3A_133 = tpu.vector_load %arg6[%swap3A_132] {strides = array<i32>} : memref<256xi32, #tpu.memory_space<vmem>>, vector<16xi32>,
    tpu.vector_store %arg6[%swap3A_132], %broadcast_in_dim3A_3 {strides = array<i32>} : memref<256xi32, #tpu.memory_space<vmem>>, vector<16xi32>,
    %swap3A_134 = arith.constant 224 : index
    %swap3A_135 = tpu.vector_load %arg6[%swap3A_134] {strides = array<i32>} : memref<256xi32, #tpu.memory_space<vmem>>, vector<16xi32>,
    tpu.vector_store %arg6[%swap3A_134], %broadcast_in_dim3A_3 {strides = array<i32>} : memref<256xi32, #tpu.memory_space<vmem>>, vector<16xi32>,
    %swap3A_136 = arith.constant 240 : index
    %swap3A_137 = tpu.vector_load %arg6[%swap3A_136] {strides = array<i32>} : memref<256xi32, #tpu.memory_space<vmem>>, vector<16xi32>,
    tpu.vector_store %arg6[%swap3A_136], %broadcast_in_dim3A_3 {strides = array<i32>} : memref<256xi32, #tpu.memory_space<vmem>>, vector<16xi32>,
    %scan3A_138 = arith.constant 0 : i32
    %scan3A_139 = arith.constant 0 : i32
    %scan3A_140 = arith.constant 64 : i32
    %scan3A_141 = arith.addi %scan3A_139, %scan3A_140 : i32
    %scan3A_142 = arith.constant 1 : i32
    scf.for %scan3A_889 = %scan3A_139 to %scan3A_141 step %scan3A_142  : i32 {
      %mul3A_890 = arith.constant 4 : i32
      %mul3A_891 = arith.muli %scan3A_889, %mul3A_890 : i32
      %add3A_892 = arith.constant 0 : i32
      %add3A_893 = arith.addi %mul3A_891, %add3A_892 : i32
      %mul3A_894 = arith.constant 16 : i32
      %mul3A_895 = arith.muli %add3A_893, %mul3A_894 : i32
      %get3A_896 = arith.index_cast %mul3A_895 : i32 to index
      %get3A_897 = tpu.vector_load %arg5[%get3A_896] {strides = array<i32>} : memref<4096xf32, #tpu.memory_space<vmem>>, vector<16xf32>,
      %bitcast3A = vector.bitcast %get3A_897 : vector<16xf32> to vector<16xi32>
      %shift_right_logical3A = arith.constant 24 : i32
      %shift_right_logical3A_898 = vector.broadcast %shift_right_logical3A : i32 to vector<16xi32>
      %shift_right_logical3A_899 = arith.shrui %bitcast3A, %shift_right_logical3A_898 : vector<16xi32>
      %and3A = arith.constant 15 : i32
      %and3A_900 = vector.broadcast %and3A : i32 to vector<16xi32>
      %and3A_901 = arith.andi %shift_right_logical3A_899, %and3A_900 : vector<16xi32>
      %mul3A_902 = arith.constant 16 : i32
      %mul3A_903 = vector.broadcast %mul3A_902 : i32 to vector<16xi32>
      %mul3A_904 = arith.muli %iota3A, %mul3A_903 : vector<16xi32>
      %add3A_905 = arith.addi %mul3A_904, %and3A_901 : vector<16xi32>
      %shift_right_logical3A_906 = arith.constant 28 : i32
      %shift_right_logical3A_907 = vector.broadcast %shift_right_logical3A_906 : i32 to vector<16xi32>
      %shift_right_logical3A_908 = arith.shrui %bitcast3A, %shift_right_logical3A_907 : vector<16xi32>
      %shift_right_logical3A_909 = arith.constant 28 : i32
      %shift_right_logical3A_910 = vector.broadcast %shift_right_logical3A_909 : i32 to vector<16xi32>
      %shift_right_logical3A_911 = arith.shrui %or3A, %shift_right_logical3A_910 : vector<16xi32>
      %eq3A = arith.cmpi eq, %shift_right_logical3A_908, %shift_right_logical3A_911 : vector<16xi32>
      tpu.vector_store_idx %arg6[%add3A_905], %broadcast_in_dim3A_1 masked %eq3A {add = true} : memref<256xi32, #tpu.memory_space<vmem>>[vector<16xi32>], vector<16xi32>, vector<16xi1>
      %mul3A_912 = arith.constant 4 : i32
      %mul3A_913 = arith.muli %scan3A_889, %mul3A_912 : i32
      %add3A_914 = arith.constant 1 : i32
      %add3A_915 = arith.addi %mul3A_913, %add3A_914 : i32
      %mul3A_916 = arith.constant 16 : i32
      %mul3A_917 = arith.muli %add3A_915, %mul3A_916 : i32
      %get3A_918 = arith.index_cast %mul3A_917 : i32 to index
      %get3A_919 = tpu.vector_load %arg5[%get3A_918] {strides = array<i32>} : memref<4096xf32, #tpu.memory_space<vmem>>, vector<16xf32>,
      %bitcast3A_920 = vector.bitcast %get3A_919 : vector<16xf32> to vector<16xi32>
      %shift_right_logical3A_921 = arith.constant 24 : i32
      %shift_right_logical3A_922 = vector.broadcast %shift_right_logical3A_921 : i32 to vector<16xi32>
      %shift_right_logical3A_923 = arith.shrui %bitcast3A_920, %shift_right_logical3A_922 : vector<16xi32>
      %and3A_924 = arith.constant 15 : i32
      %and3A_925 = vector.broadcast %and3A_924 : i32 to vector<16xi32>
      %and3A_926 = arith.andi %shift_right_logical3A_923, %and3A_925 : vector<16xi32>
      %mul3A_927 = arith.constant 16 : i32
      %mul3A_928 = vector.broadcast %mul3A_927 : i32 to vector<16xi32>
      %mul3A_929 = arith.muli %iota3A, %mul3A_928 : vector<16xi32>
      %add3A_930 = arith.addi %mul3A_929, %and3A_926 : vector<16xi32>
      %shift_right_logical3A_931 = arith.constant 28 : i32
      %shift_right_logical3A_932 = vector.broadcast %shift_right_logical3A_931 : i32 to vector<16xi32>
      %shift_right_logical3A_933 = arith.shrui %bitcast3A_920, %shift_right_logical3A_932 : vector<16xi32>
      %shift_right_logical3A_934 = arith.constant 28 : i32
      %shift_right_logical3A_935 = vector.broadcast %shift_right_logical3A_934 : i32 to vector<16xi32>
      %shift_right_logical3A_936 = arith.shrui %or3A, %shift_right_logical3A_935 : vector<16xi32>
      %eq3A_937 = arith.cmpi eq, %shift_right_logical3A_933, %shift_right_logical3A_936 : vector<16xi32>
      tpu.vector_store_idx %arg6[%add3A_930], %broadcast_in_dim3A_1 masked %eq3A_937 {add = true} : memref<256xi32, #tpu.memory_space<vmem>>[vector<16xi32>], vector<16xi32>, vector<16xi1>
      %mul3A_938 = arith.constant 4 : i32
      %mul3A_939 = arith.muli %scan3A_889, %mul3A_938 : i32
      %add3A_940 = arith.constant 2 : i32
      %add3A_941 = arith.addi %mul3A_939, %add3A_940 : i32
      %mul3A_942 = arith.constant 16 : i32
      %mul3A_943 = arith.muli %add3A_941, %mul3A_942 : i32
      %get3A_944 = arith.index_cast %mul3A_943 : i32 to index
      %get3A_945 = tpu.vector_load %arg5[%get3A_944] {strides = array<i32>} : memref<4096xf32, #tpu.memory_space<vmem>>, vector<16xf32>,
      %bitcast3A_946 = vector.bitcast %get3A_945 : vector<16xf32> to vector<16xi32>
      %shift_right_logical3A_947 = arith.constant 24 : i32
      %shift_right_logical3A_948 = vector.broadcast %shift_right_logical3A_947 : i32 to vector<16xi32>
      %shift_right_logical3A_949 = arith.shrui %bitcast3A_946, %shift_right_logical3A_948 : vector<16xi32>
      %and3A_950 = arith.constant 15 : i32
      %and3A_951 = vector.broadcast %and3A_950 : i32 to vector<16xi32>
      %and3A_952 = arith.andi %shift_right_logical3A_949, %and3A_951 : vector<16xi32>
      %mul3A_953 = arith.constant 16 : i32
      %mul3A_954 = vector.broadcast %mul3A_953 : i32 to vector<16xi32>
      %mul3A_955 = arith.muli %iota3A, %mul3A_954 : vector<16xi32>
      %add3A_956 = arith.addi %mul3A_955, %and3A_952 : vector<16xi32>
      %shift_right_logical3A_957 = arith.constant 28 : i32
      %shift_right_logical3A_958 = vector.broadcast %shift_right_logical3A_957 : i32 to vector<16xi32>
      %shift_right_logical3A_959 = arith.shrui %bitcast3A_946, %shift_right_logical3A_958 : vector<16xi32>
      %shift_right_logical3A_960 = arith.constant 28 : i32
      %shift_right_logical3A_961 = vector.broadcast %shift_right_logical3A_960 : i32 to vector<16xi32>
      %shift_right_logical3A_962 = arith.shrui %or3A, %shift_right_logical3A_961 : vector<16xi32>
      %eq3A_963 = arith.cmpi eq, %shift_right_logical3A_959, %shift_right_logical3A_962 : vector<16xi32>
      tpu.vector_store_idx %arg6[%add3A_956], %broadcast_in_dim3A_1 masked %eq3A_963 {add = true} : memref<256xi32, #tpu.memory_space<vmem>>[vector<16xi32>], vector<16xi32>, vector<16xi1>
      %mul3A_964 = arith.constant 4 : i32
      %mul3A_965 = arith.muli %scan3A_889, %mul3A_964 : i32
      %add3A_966 = arith.constant 3 : i32
      %add3A_967 = arith.addi %mul3A_965, %add3A_966 : i32
      %mul3A_968 = arith.constant 16 : i32
      %mul3A_969 = arith.muli %add3A_967, %mul3A_968 : i32
      %get3A_970 = arith.index_cast %mul3A_969 : i32 to index
      %get3A_971 = tpu.vector_load %arg5[%get3A_970] {strides = array<i32>} : memref<4096xf32, #tpu.memory_space<vmem>>, vector<16xf32>,
      %bitcast3A_972 = vector.bitcast %get3A_971 : vector<16xf32> to vector<16xi32>
      %shift_right_logical3A_973 = arith.constant 24 : i32
      %shift_right_logical3A_974 = vector.broadcast %shift_right_logical3A_973 : i32 to vector<16xi32>
      %shift_right_logical3A_975 = arith.shrui %bitcast3A_972, %shift_right_logical3A_974 : vector<16xi32>
      %and3A_976 = arith.constant 15 : i32
      %and3A_977 = vector.broadcast %and3A_976 : i32 to vector<16xi32>
      %and3A_978 = arith.andi %shift_right_logical3A_975, %and3A_977 : vector<16xi32>
      %mul3A_979 = arith.constant 16 : i32
      %mul3A_980 = vector.broadcast %mul3A_979 : i32 to vector<16xi32>
      %mul3A_981 = arith.muli %iota3A, %mul3A_980 : vector<16xi32>
      %add3A_982 = arith.addi %mul3A_981, %and3A_978 : vector<16xi32>
      %shift_right_logical3A_983 = arith.constant 28 : i32
      %shift_right_logical3A_984 = vector.broadcast %shift_right_logical3A_983 : i32 to vector<16xi32>
      %shift_right_logical3A_985 = arith.shrui %bitcast3A_972, %shift_right_logical3A_984 : vector<16xi32>
      %shift_right_logical3A_986 = arith.constant 28 : i32
      %shift_right_logical3A_987 = vector.broadcast %shift_right_logical3A_986 : i32 to vector<16xi32>
      %shift_right_logical3A_988 = arith.shrui %or3A, %shift_right_logical3A_987 : vector<16xi32>
      %eq3A_989 = arith.cmpi eq, %shift_right_logical3A_985, %shift_right_logical3A_988 : vector<16xi32>
      tpu.vector_store_idx %arg6[%add3A_982], %broadcast_in_dim3A_1 masked %eq3A_989 {add = true} : memref<256xi32, #tpu.memory_space<vmem>>[vector<16xi32>], vector<16xi32>, vector<16xi1>
    }
    %scan3A_143 = arith.constant 64 : i32
    %get3A_144 = arith.constant 0 : index
    %get3A_145 = tpu.vector_load %arg6[%get3A_144] {strides = array<i32>} : memref<256xi32, #tpu.memory_space<vmem>>, vector<16xi32>,
    %add3A_146 = arith.addi %broadcast_in_dim3A_3, %get3A_145 : vector<16xi32>
    %get3A_147 = arith.constant 16 : index
    %get3A_148 = tpu.vector_load %arg6[%get3A_147] {strides = array<i32>} : memref<256xi32, #tpu.memory_space<vmem>>, vector<16xi32>,
    %add3A_149 = arith.addi %add3A_146, %get3A_148 : vector<16xi32>
    %get3A_150 = arith.constant 32 : index
    %get3A_151 = tpu.vector_load %arg6[%get3A_150] {strides = array<i32>} : memref<256xi32, #tpu.memory_space<vmem>>, vector<16xi32>,
    %add3A_152 = arith.addi %add3A_149, %get3A_151 : vector<16xi32>
    %get3A_153 = arith.constant 48 : index
    %get3A_154 = tpu.vector_load %arg6[%get3A_153] {strides = array<i32>} : memref<256xi32, #tpu.memory_space<vmem>>, vector<16xi32>,
    %add3A_155 = arith.addi %add3A_152, %get3A_154 : vector<16xi32>
    %get3A_156 = arith.constant 64 : index
    %get3A_157 = tpu.vector_load %arg6[%get3A_156] {strides = array<i32>} : memref<256xi32, #tpu.memory_space<vmem>>, vector<16xi32>,
    %add3A_158 = arith.addi %add3A_155, %get3A_157 : vector<16xi32>
    %get3A_159 = arith.constant 80 : index
    %get3A_160 = tpu.vector_load %arg6[%get3A_159] {strides = array<i32>} : memref<256xi32, #tpu.memory_space<vmem>>, vector<16xi32>,
    %add3A_161 = arith.addi %add3A_158, %get3A_160 : vector<16xi32>
    %get3A_162 = arith.constant 96 : index
    %get3A_163 = tpu.vector_load %arg6[%get3A_162] {strides = array<i32>} : memref<256xi32, #tpu.memory_space<vmem>>, vector<16xi32>,
    %add3A_164 = arith.addi %add3A_161, %get3A_163 : vector<16xi32>
    %get3A_165 = arith.constant 112 : index
    %get3A_166 = tpu.vector_load %arg6[%get3A_165] {strides = array<i32>} : memref<256xi32, #tpu.memory_space<vmem>>, vector<16xi32>,
    %add3A_167 = arith.addi %add3A_164, %get3A_166 : vector<16xi32>
    %get3A_168 = arith.constant 128 : index
    %get3A_169 = tpu.vector_load %arg6[%get3A_168] {strides = array<i32>} : memref<256xi32, #tpu.memory_space<vmem>>, vector<16xi32>,
    %add3A_170 = arith.addi %add3A_167, %get3A_169 : vector<16xi32>
    %get3A_171 = arith.constant 144 : index
    %get3A_172 = tpu.vector_load %arg6[%get3A_171] {strides = array<i32>} : memref<256xi32, #tpu.memory_space<vmem>>, vector<16xi32>,
    %add3A_173 = arith.addi %add3A_170, %get3A_172 : vector<16xi32>
    %get3A_174 = arith.constant 160 : index
    %get3A_175 = tpu.vector_load %arg6[%get3A_174] {strides = array<i32>} : memref<256xi32, #tpu.memory_space<vmem>>, vector<16xi32>,
    %add3A_176 = arith.addi %add3A_173, %get3A_175 : vector<16xi32>
    %get3A_177 = arith.constant 176 : index
    %get3A_178 = tpu.vector_load %arg6[%get3A_177] {strides = array<i32>} : memref<256xi32, #tpu.memory_space<vmem>>, vector<16xi32>,
    %add3A_179 = arith.addi %add3A_176, %get3A_178 : vector<16xi32>
    %get3A_180 = arith.constant 192 : index
    %get3A_181 = tpu.vector_load %arg6[%get3A_180] {strides = array<i32>} : memref<256xi32, #tpu.memory_space<vmem>>, vector<16xi32>,
    %add3A_182 = arith.addi %add3A_179, %get3A_181 : vector<16xi32>
    %get3A_183 = arith.constant 208 : index
    %get3A_184 = tpu.vector_load %arg6[%get3A_183] {strides = array<i32>} : memref<256xi32, #tpu.memory_space<vmem>>, vector<16xi32>,
    %add3A_185 = arith.addi %add3A_182, %get3A_184 : vector<16xi32>
    %get3A_186 = arith.constant 224 : index
    %get3A_187 = tpu.vector_load %arg6[%get3A_186] {strides = array<i32>} : memref<256xi32, #tpu.memory_space<vmem>>, vector<16xi32>,
    %add3A_188 = arith.addi %add3A_185, %get3A_187 : vector<16xi32>
    %get3A_189 = arith.constant 240 : index
    %get3A_190 = tpu.vector_load %arg6[%get3A_189] {strides = array<i32>} : memref<256xi32, #tpu.memory_space<vmem>>, vector<16xi32>,
    %add3A_191 = arith.addi %add3A_188, %get3A_190 : vector<16xi32>
    %rev3A_192 = arith.constant 15 : i32
    %rev3A_193 = vector.broadcast %rev3A_192 : i32 to vector<16xi32>
    %rev3A_194 = tpu.iota {dimensions = array<i32: 0>} : vector<16xi32>
    %rev3A_195 = arith.subi %rev3A_193, %rev3A_194 : vector<16xi32>
    %rev3A_196 = tpu.dynamic_gather %add3A_191[%rev3A_195] in [0] : vector<16xi32>, vector<16xi32> -> vector<16xi32>
    %broadcast_in_dim3A_197 = arith.constant true
    %broadcast_in_dim3A_198 = vector.broadcast %broadcast_in_dim3A_197 : i1 to vector<16xi1>
    %masked_cumsum3A_199 = tpu.scan <sum>, %rev3A_196 masked %broadcast_in_dim3A_198 : vector<16xi32>, vector<16xi1> -> vector<16xi32>
    %sub3A_200 = arith.subi %masked_cumsum3A_199, %rev3A_196 : vector<16xi32>
    %ge3A_201 = arith.cmpi sge, %masked_cumsum3A_199, %sub3A_103 : vector<16xi32>
    %all_reduce_population_count3A_202 = tpu.all_reduce %ge3A_201 {dim = 0 : i64, kind = #tpu.reduction_kind<sum>} : vector<16xi1> -> vector<16xi32>
    %sub3A_203 = arith.constant 1 : i32
    %sub3A_204 = vector.broadcast %sub3A_203 : i32 to vector<16xi32>
    %sub3A_205 = arith.subi %all_reduce_population_count3A_202, %sub3A_204 : vector<16xi32>
    %sub3A_206 = arith.constant 15 : i32
    %sub3A_207 = vector.broadcast %sub3A_206 : i32 to vector<16xi32>
    %sub3A_208 = arith.subi %sub3A_207, %sub3A_205 : vector<16xi32>
    %broadcast_in_dim3A_209 = vector.shape_cast %sub3A_208 : vector<16xi32> to vector<16x1xi32>
    %gather3A_210 = vector.shape_cast %broadcast_in_dim3A_209 : vector<16x1xi32> to vector<16xi32>
    %gather3A_211 = tpu.dynamic_gather %sub3A_200[%gather3A_210] in [0] : vector<16xi32>, vector<16xi32> -> vector<16xi32>
    %sub3A_212 = arith.subi %sub3A_103, %gather3A_211 : vector<16xi32>
    %shift_left3A_213 = arith.constant 24 : i32
    %shift_left3A_214 = vector.broadcast %shift_left3A_213 : i32 to vector<16xi32>
    %shift_left3A_215 = arith.shli %sub3A_205, %shift_left3A_214 : vector<16xi32>
    %or3A_216 = arith.ori %or3A, %shift_left3A_215 : vector<16xi32>
    %swap3A_217 = arith.constant 0 : index
    %swap3A_218 = tpu.vector_load %arg6[%swap3A_217] {strides = array<i32>} : memref<256xi32, #tpu.memory_space<vmem>>, vector<16xi32>,
    tpu.vector_store %arg6[%swap3A_217], %broadcast_in_dim3A_3 {strides = array<i32>} : memref<256xi32, #tpu.memory_space<vmem>>, vector<16xi32>,
    %swap3A_219 = arith.constant 16 : index
    %swap3A_220 = tpu.vector_load %arg6[%swap3A_219] {strides = array<i32>} : memref<256xi32, #tpu.memory_space<vmem>>, vector<16xi32>,
    tpu.vector_store %arg6[%swap3A_219], %broadcast_in_dim3A_3 {strides = array<i32>} : memref<256xi32, #tpu.memory_space<vmem>>, vector<16xi32>,
    %swap3A_221 = arith.constant 32 : index
    %swap3A_222 = tpu.vector_load %arg6[%swap3A_221] {strides = array<i32>} : memref<256xi32, #tpu.memory_space<vmem>>, vector<16xi32>,
    tpu.vector_store %arg6[%swap3A_221], %broadcast_in_dim3A_3 {strides = array<i32>} : memref<256xi32, #tpu.memory_space<vmem>>, vector<16xi32>,
    %swap3A_223 = arith.constant 48 : index
    %swap3A_224 = tpu.vector_load %arg6[%swap3A_223] {strides = array<i32>} : memref<256xi32, #tpu.memory_space<vmem>>, vector<16xi32>,
    tpu.vector_store %arg6[%swap3A_223], %broadcast_in_dim3A_3 {strides = array<i32>} : memref<256xi32, #tpu.memory_space<vmem>>, vector<16xi32>,
    %swap3A_225 = arith.constant 64 : index
    %swap3A_226 = tpu.vector_load %arg6[%swap3A_225] {strides = array<i32>} : memref<256xi32, #tpu.memory_space<vmem>>, vector<16xi32>,
    tpu.vector_store %arg6[%swap3A_225], %broadcast_in_dim3A_3 {strides = array<i32>} : memref<256xi32, #tpu.memory_space<vmem>>, vector<16xi32>,
    %swap3A_227 = arith.constant 80 : index
    %swap3A_228 = tpu.vector_load %arg6[%swap3A_227] {strides = array<i32>} : memref<256xi32, #tpu.memory_space<vmem>>, vector<16xi32>,
    tpu.vector_store %arg6[%swap3A_227], %broadcast_in_dim3A_3 {strides = array<i32>} : memref<256xi32, #tpu.memory_space<vmem>>, vector<16xi32>,
    %swap3A_229 = arith.constant 96 : index
    %swap3A_230 = tpu.vector_load %arg6[%swap3A_229] {strides = array<i32>} : memref<256xi32, #tpu.memory_space<vmem>>, vector<16xi32>,
    tpu.vector_store %arg6[%swap3A_229], %broadcast_in_dim3A_3 {strides = array<i32>} : memref<256xi32, #tpu.memory_space<vmem>>, vector<16xi32>,
    %swap3A_231 = arith.constant 112 : index
    %swap3A_232 = tpu.vector_load %arg6[%swap3A_231] {strides = array<i32>} : memref<256xi32, #tpu.memory_space<vmem>>, vector<16xi32>,
    tpu.vector_store %arg6[%swap3A_231], %broadcast_in_dim3A_3 {strides = array<i32>} : memref<256xi32, #tpu.memory_space<vmem>>, vector<16xi32>,
    %swap3A_233 = arith.constant 128 : index
    %swap3A_234 = tpu.vector_load %arg6[%swap3A_233] {strides = array<i32>} : memref<256xi32, #tpu.memory_space<vmem>>, vector<16xi32>,
    tpu.vector_store %arg6[%swap3A_233], %broadcast_in_dim3A_3 {strides = array<i32>} : memref<256xi32, #tpu.memory_space<vmem>>, vector<16xi32>,
    %swap3A_235 = arith.constant 144 : index
    %swap3A_236 = tpu.vector_load %arg6[%swap3A_235] {strides = array<i32>} : memref<256xi32, #tpu.memory_space<vmem>>, vector<16xi32>,
    tpu.vector_store %arg6[%swap3A_235], %broadcast_in_dim3A_3 {strides = array<i32>} : memref<256xi32, #tpu.memory_space<vmem>>, vector<16xi32>,
    %swap3A_237 = arith.constant 160 : index
    %swap3A_238 = tpu.vector_load %arg6[%swap3A_237] {strides = array<i32>} : memref<256xi32, #tpu.memory_space<vmem>>, vector<16xi32>,
    tpu.vector_store %arg6[%swap3A_237], %broadcast_in_dim3A_3 {strides = array<i32>} : memref<256xi32, #tpu.memory_space<vmem>>, vector<16xi32>,
    %swap3A_239 = arith.constant 176 : index
    %swap3A_240 = tpu.vector_load %arg6[%swap3A_239] {strides = array<i32>} : memref<256xi32, #tpu.memory_space<vmem>>, vector<16xi32>,
    tpu.vector_store %arg6[%swap3A_239], %broadcast_in_dim3A_3 {strides = array<i32>} : memref<256xi32, #tpu.memory_space<vmem>>, vector<16xi32>,
    %swap3A_241 = arith.constant 192 : index
    %swap3A_242 = tpu.vector_load %arg6[%swap3A_241] {strides = array<i32>} : memref<256xi32, #tpu.memory_space<vmem>>, vector<16xi32>,
    tpu.vector_store %arg6[%swap3A_241], %broadcast_in_dim3A_3 {strides = array<i32>} : memref<256xi32, #tpu.memory_space<vmem>>, vector<16xi32>,
    %swap3A_243 = arith.constant 208 : index
    %swap3A_244 = tpu.vector_load %arg6[%swap3A_243] {strides = array<i32>} : memref<256xi32, #tpu.memory_space<vmem>>, vector<16xi32>,
    tpu.vector_store %arg6[%swap3A_243], %broadcast_in_dim3A_3 {strides = array<i32>} : memref<256xi32, #tpu.memory_space<vmem>>, vector<16xi32>,
    %swap3A_245 = arith.constant 224 : index
    %swap3A_246 = tpu.vector_load %arg6[%swap3A_245] {strides = array<i32>} : memref<256xi32, #tpu.memory_space<vmem>>, vector<16xi32>,
    tpu.vector_store %arg6[%swap3A_245], %broadcast_in_dim3A_3 {strides = array<i32>} : memref<256xi32, #tpu.memory_space<vmem>>, vector<16xi32>,
    %swap3A_247 = arith.constant 240 : index
    %swap3A_248 = tpu.vector_load %arg6[%swap3A_247] {strides = array<i32>} : memref<256xi32, #tpu.memory_space<vmem>>, vector<16xi32>,
    tpu.vector_store %arg6[%swap3A_247], %broadcast_in_dim3A_3 {strides = array<i32>} : memref<256xi32, #tpu.memory_space<vmem>>, vector<16xi32>,
    %scan3A_249 = arith.constant 0 : i32
    %scan3A_250 = arith.constant 0 : i32
    %scan3A_251 = arith.constant 64 : i32
    %scan3A_252 = arith.addi %scan3A_250, %scan3A_251 : i32
    %scan3A_253 = arith.constant 1 : i32
    scf.for %scan3A_889 = %scan3A_250 to %scan3A_252 step %scan3A_253  : i32 {
      %mul3A_890 = arith.constant 4 : i32
      %mul3A_891 = arith.muli %scan3A_889, %mul3A_890 : i32
      %add3A_892 = arith.constant 0 : i32
      %add3A_893 = arith.addi %mul3A_891, %add3A_892 : i32
      %mul3A_894 = arith.constant 16 : i32
      %mul3A_895 = arith.muli %add3A_893, %mul3A_894 : i32
      %get3A_896 = arith.index_cast %mul3A_895 : i32 to index
      %get3A_897 = tpu.vector_load %arg5[%get3A_896] {strides = array<i32>} : memref<4096xf32, #tpu.memory_space<vmem>>, vector<16xf32>,
      %bitcast3A = vector.bitcast %get3A_897 : vector<16xf32> to vector<16xi32>
      %shift_right_logical3A = arith.constant 20 : i32
      %shift_right_logical3A_898 = vector.broadcast %shift_right_logical3A : i32 to vector<16xi32>
      %shift_right_logical3A_899 = arith.shrui %bitcast3A, %shift_right_logical3A_898 : vector<16xi32>
      %and3A = arith.constant 15 : i32
      %and3A_900 = vector.broadcast %and3A : i32 to vector<16xi32>
      %and3A_901 = arith.andi %shift_right_logical3A_899, %and3A_900 : vector<16xi32>
      %mul3A_902 = arith.constant 16 : i32
      %mul3A_903 = vector.broadcast %mul3A_902 : i32 to vector<16xi32>
      %mul3A_904 = arith.muli %iota3A, %mul3A_903 : vector<16xi32>
      %add3A_905 = arith.addi %mul3A_904, %and3A_901 : vector<16xi32>
      %shift_right_logical3A_906 = arith.constant 24 : i32
      %shift_right_logical3A_907 = vector.broadcast %shift_right_logical3A_906 : i32 to vector<16xi32>
      %shift_right_logical3A_908 = arith.shrui %bitcast3A, %shift_right_logical3A_907 : vector<16xi32>
      %shift_right_logical3A_909 = arith.constant 24 : i32
      %shift_right_logical3A_910 = vector.broadcast %shift_right_logical3A_909 : i32 to vector<16xi32>
      %shift_right_logical3A_911 = arith.shrui %or3A_216, %shift_right_logical3A_910 : vector<16xi32>
      %eq3A = arith.cmpi eq, %shift_right_logical3A_908, %shift_right_logical3A_911 : vector<16xi32>
      tpu.vector_store_idx %arg6[%add3A_905], %broadcast_in_dim3A_1 masked %eq3A {add = true} : memref<256xi32, #tpu.memory_space<vmem>>[vector<16xi32>], vector<16xi32>, vector<16xi1>
      %mul3A_912 = arith.constant 4 : i32
      %mul3A_913 = arith.muli %scan3A_889, %mul3A_912 : i32
      %add3A_914 = arith.constant 1 : i32
      %add3A_915 = arith.addi %mul3A_913, %add3A_914 : i32
      %mul3A_916 = arith.constant 16 : i32
      %mul3A_917 = arith.muli %add3A_915, %mul3A_916 : i32
      %get3A_918 = arith.index_cast %mul3A_917 : i32 to index
      %get3A_919 = tpu.vector_load %arg5[%get3A_918] {strides = array<i32>} : memref<4096xf32, #tpu.memory_space<vmem>>, vector<16xf32>,
      %bitcast3A_920 = vector.bitcast %get3A_919 : vector<16xf32> to vector<16xi32>
      %shift_right_logical3A_921 = arith.constant 20 : i32
      %shift_right_logical3A_922 = vector.broadcast %shift_right_logical3A_921 : i32 to vector<16xi32>
      %shift_right_logical3A_923 = arith.shrui %bitcast3A_920, %shift_right_logical3A_922 : vector<16xi32>
      %and3A_924 = arith.constant 15 : i32
      %and3A_925 = vector.broadcast %and3A_924 : i32 to vector<16xi32>
      %and3A_926 = arith.andi %shift_right_logical3A_923, %and3A_925 : vector<16xi32>
      %mul3A_927 = arith.constant 16 : i32
      %mul3A_928 = vector.broadcast %mul3A_927 : i32 to vector<16xi32>
      %mul3A_929 = arith.muli %iota3A, %mul3A_928 : vector<16xi32>
      %add3A_930 = arith.addi %mul3A_929, %and3A_926 : vector<16xi32>
      %shift_right_logical3A_931 = arith.constant 24 : i32
      %shift_right_logical3A_932 = vector.broadcast %shift_right_logical3A_931 : i32 to vector<16xi32>
      %shift_right_logical3A_933 = arith.shrui %bitcast3A_920, %shift_right_logical3A_932 : vector<16xi32>
      %shift_right_logical3A_934 = arith.constant 24 : i32
      %shift_right_logical3A_935 = vector.broadcast %shift_right_logical3A_934 : i32 to vector<16xi32>
      %shift_right_logical3A_936 = arith.shrui %or3A_216, %shift_right_logical3A_935 : vector<16xi32>
      %eq3A_937 = arith.cmpi eq, %shift_right_logical3A_933, %shift_right_logical3A_936 : vector<16xi32>
      tpu.vector_store_idx %arg6[%add3A_930], %broadcast_in_dim3A_1 masked %eq3A_937 {add = true} : memref<256xi32, #tpu.memory_space<vmem>>[vector<16xi32>], vector<16xi32>, vector<16xi1>
      %mul3A_938 = arith.constant 4 : i32
      %mul3A_939 = arith.muli %scan3A_889, %mul3A_938 : i32
      %add3A_940 = arith.constant 2 : i32
      %add3A_941 = arith.addi %mul3A_939, %add3A_940 : i32
      %mul3A_942 = arith.constant 16 : i32
      %mul3A_943 = arith.muli %add3A_941, %mul3A_942 : i32
      %get3A_944 = arith.index_cast %mul3A_943 : i32 to index
      %get3A_945 = tpu.vector_load %arg5[%get3A_944] {strides = array<i32>} : memref<4096xf32, #tpu.memory_space<vmem>>, vector<16xf32>,
      %bitcast3A_946 = vector.bitcast %get3A_945 : vector<16xf32> to vector<16xi32>
      %shift_right_logical3A_947 = arith.constant 20 : i32
      %shift_right_logical3A_948 = vector.broadcast %shift_right_logical3A_947 : i32 to vector<16xi32>
      %shift_right_logical3A_949 = arith.shrui %bitcast3A_946, %shift_right_logical3A_948 : vector<16xi32>
      %and3A_950 = arith.constant 15 : i32
      %and3A_951 = vector.broadcast %and3A_950 : i32 to vector<16xi32>
      %and3A_952 = arith.andi %shift_right_logical3A_949, %and3A_951 : vector<16xi32>
      %mul3A_953 = arith.constant 16 : i32
      %mul3A_954 = vector.broadcast %mul3A_953 : i32 to vector<16xi32>
      %mul3A_955 = arith.muli %iota3A, %mul3A_954 : vector<16xi32>
      %add3A_956 = arith.addi %mul3A_955, %and3A_952 : vector<16xi32>
      %shift_right_logical3A_957 = arith.constant 24 : i32
      %shift_right_logical3A_958 = vector.broadcast %shift_right_logical3A_957 : i32 to vector<16xi32>
      %shift_right_logical3A_959 = arith.shrui %bitcast3A_946, %shift_right_logical3A_958 : vector<16xi32>
      %shift_right_logical3A_960 = arith.constant 24 : i32
      %shift_right_logical3A_961 = vector.broadcast %shift_right_logical3A_960 : i32 to vector<16xi32>
      %shift_right_logical3A_962 = arith.shrui %or3A_216, %shift_right_logical3A_961 : vector<16xi32>
      %eq3A_963 = arith.cmpi eq, %shift_right_logical3A_959, %shift_right_logical3A_962 : vector<16xi32>
      tpu.vector_store_idx %arg6[%add3A_956], %broadcast_in_dim3A_1 masked %eq3A_963 {add = true} : memref<256xi32, #tpu.memory_space<vmem>>[vector<16xi32>], vector<16xi32>, vector<16xi1>
      %mul3A_964 = arith.constant 4 : i32
      %mul3A_965 = arith.muli %scan3A_889, %mul3A_964 : i32
      %add3A_966 = arith.constant 3 : i32
      %add3A_967 = arith.addi %mul3A_965, %add3A_966 : i32
      %mul3A_968 = arith.constant 16 : i32
      %mul3A_969 = arith.muli %add3A_967, %mul3A_968 : i32
      %get3A_970 = arith.index_cast %mul3A_969 : i32 to index
      %get3A_971 = tpu.vector_load %arg5[%get3A_970] {strides = array<i32>} : memref<4096xf32, #tpu.memory_space<vmem>>, vector<16xf32>,
      %bitcast3A_972 = vector.bitcast %get3A_971 : vector<16xf32> to vector<16xi32>
      %shift_right_logical3A_973 = arith.constant 20 : i32
      %shift_right_logical3A_974 = vector.broadcast %shift_right_logical3A_973 : i32 to vector<16xi32>
      %shift_right_logical3A_975 = arith.shrui %bitcast3A_972, %shift_right_logical3A_974 : vector<16xi32>
      %and3A_976 = arith.constant 15 : i32
      %and3A_977 = vector.broadcast %and3A_976 : i32 to vector<16xi32>
      %and3A_978 = arith.andi %shift_right_logical3A_975, %and3A_977 : vector<16xi32>
      %mul3A_979 = arith.constant 16 : i32
      %mul3A_980 = vector.broadcast %mul3A_979 : i32 to vector<16xi32>
      %mul3A_981 = arith.muli %iota3A, %mul3A_980 : vector<16xi32>
      %add3A_982 = arith.addi %mul3A_981, %and3A_978 : vector<16xi32>
      %shift_right_logical3A_983 = arith.constant 24 : i32
      %shift_right_logical3A_984 = vector.broadcast %shift_right_logical3A_983 : i32 to vector<16xi32>
      %shift_right_logical3A_985 = arith.shrui %bitcast3A_972, %shift_right_logical3A_984 : vector<16xi32>
      %shift_right_logical3A_986 = arith.constant 24 : i32
      %shift_right_logical3A_987 = vector.broadcast %shift_right_logical3A_986 : i32 to vector<16xi32>
      %shift_right_logical3A_988 = arith.shrui %or3A_216, %shift_right_logical3A_987 : vector<16xi32>
      %eq3A_989 = arith.cmpi eq, %shift_right_logical3A_985, %shift_right_logical3A_988 : vector<16xi32>
      tpu.vector_store_idx %arg6[%add3A_982], %broadcast_in_dim3A_1 masked %eq3A_989 {add = true} : memref<256xi32, #tpu.memory_space<vmem>>[vector<16xi32>], vector<16xi32>, vector<16xi1>
    }
    %scan3A_254 = arith.constant 64 : i32
    %get3A_255 = arith.constant 0 : index
    %get3A_256 = tpu.vector_load %arg6[%get3A_255] {strides = array<i32>} : memref<256xi32, #tpu.memory_space<vmem>>, vector<16xi32>,
    %add3A_257 = arith.addi %broadcast_in_dim3A_3, %get3A_256 : vector<16xi32>
    %get3A_258 = arith.constant 16 : index
    %get3A_259 = tpu.vector_load %arg6[%get3A_258] {strides = array<i32>} : memref<256xi32, #tpu.memory_space<vmem>>, vector<16xi32>,
    %add3A_260 = arith.addi %add3A_257, %get3A_259 : vector<16xi32>
    %get3A_261 = arith.constant 32 : index
    %get3A_262 = tpu.vector_load %arg6[%get3A_261] {strides = array<i32>} : memref<256xi32, #tpu.memory_space<vmem>>, vector<16xi32>,
    %add3A_263 = arith.addi %add3A_260, %get3A_262 : vector<16xi32>
    %get3A_264 = arith.constant 48 : index
    %get3A_265 = tpu.vector_load %arg6[%get3A_264] {strides = array<i32>} : memref<256xi32, #tpu.memory_space<vmem>>, vector<16xi32>,
    %add3A_266 = arith.addi %add3A_263, %get3A_265 : vector<16xi32>
    %get3A_267 = arith.constant 64 : index
    %get3A_268 = tpu.vector_load %arg6[%get3A_267] {strides = array<i32>} : memref<256xi32, #tpu.memory_space<vmem>>, vector<16xi32>,
    %add3A_269 = arith.addi %add3A_266, %get3A_268 : vector<16xi32>
    %get3A_270 = arith.constant 80 : index
    %get3A_271 = tpu.vector_load %arg6[%get3A_270] {strides = array<i32>} : memref<256xi32, #tpu.memory_space<vmem>>, vector<16xi32>,
    %add3A_272 = arith.addi %add3A_269, %get3A_271 : vector<16xi32>
    %get3A_273 = arith.constant 96 : index
    %get3A_274 = tpu.vector_load %arg6[%get3A_273] {strides = array<i32>} : memref<256xi32, #tpu.memory_space<vmem>>, vector<16xi32>,
    %add3A_275 = arith.addi %add3A_272, %get3A_274 : vector<16xi32>
    %get3A_276 = arith.constant 112 : index
    %get3A_277 = tpu.vector_load %arg6[%get3A_276] {strides = array<i32>} : memref<256xi32, #tpu.memory_space<vmem>>, vector<16xi32>,
    %add3A_278 = arith.addi %add3A_275, %get3A_277 : vector<16xi32>
    %get3A_279 = arith.constant 128 : index
    %get3A_280 = tpu.vector_load %arg6[%get3A_279] {strides = array<i32>} : memref<256xi32, #tpu.memory_space<vmem>>, vector<16xi32>,
    %add3A_281 = arith.addi %add3A_278, %get3A_280 : vector<16xi32>
    %get3A_282 = arith.constant 144 : index
    %get3A_283 = tpu.vector_load %arg6[%get3A_282] {strides = array<i32>} : memref<256xi32, #tpu.memory_space<vmem>>, vector<16xi32>,
    %add3A_284 = arith.addi %add3A_281, %get3A_283 : vector<16xi32>
    %get3A_285 = arith.constant 160 : index
    %get3A_286 = tpu.vector_load %arg6[%get3A_285] {strides = array<i32>} : memref<256xi32, #tpu.memory_space<vmem>>, vector<16xi32>,
    %add3A_287 = arith.addi %add3A_284, %get3A_286 : vector<16xi32>
    %get3A_288 = arith.constant 176 : index
    %get3A_289 = tpu.vector_load %arg6[%get3A_288] {strides = array<i32>} : memref<256xi32, #tpu.memory_space<vmem>>, vector<16xi32>,
    %add3A_290 = arith.addi %add3A_287, %get3A_289 : vector<16xi32>
    %get3A_291 = arith.constant 192 : index
    %get3A_292 = tpu.vector_load %arg6[%get3A_291] {strides = array<i32>} : memref<256xi32, #tpu.memory_space<vmem>>, vector<16xi32>,
    %add3A_293 = arith.addi %add3A_290, %get3A_292 : vector<16xi32>
    %get3A_294 = arith.constant 208 : index
    %get3A_295 = tpu.vector_load %arg6[%get3A_294] {strides = array<i32>} : memref<256xi32, #tpu.memory_space<vmem>>, vector<16xi32>,
    %add3A_296 = arith.addi %add3A_293, %get3A_295 : vector<16xi32>
    %get3A_297 = arith.constant 224 : index
    %get3A_298 = tpu.vector_load %arg6[%get3A_297] {strides = array<i32>} : memref<256xi32, #tpu.memory_space<vmem>>, vector<16xi32>,
    %add3A_299 = arith.addi %add3A_296, %get3A_298 : vector<16xi32>
    %get3A_300 = arith.constant 240 : index
    %get3A_301 = tpu.vector_load %arg6[%get3A_300] {strides = array<i32>} : memref<256xi32, #tpu.memory_space<vmem>>, vector<16xi32>,
    %add3A_302 = arith.addi %add3A_299, %get3A_301 : vector<16xi32>
    %rev3A_303 = arith.constant 15 : i32
    %rev3A_304 = vector.broadcast %rev3A_303 : i32 to vector<16xi32>
    %rev3A_305 = tpu.iota {dimensions = array<i32: 0>} : vector<16xi32>
    %rev3A_306 = arith.subi %rev3A_304, %rev3A_305 : vector<16xi32>
    %rev3A_307 = tpu.dynamic_gather %add3A_302[%rev3A_306] in [0] : vector<16xi32>, vector<16xi32> -> vector<16xi32>
    %broadcast_in_dim3A_308 = arith.constant true
    %broadcast_in_dim3A_309 = vector.broadcast %broadcast_in_dim3A_308 : i1 to vector<16xi1>
    %masked_cumsum3A_310 = tpu.scan <sum>, %rev3A_307 masked %broadcast_in_dim3A_309 : vector<16xi32>, vector<16xi1> -> vector<16xi32>
    %sub3A_311 = arith.subi %masked_cumsum3A_310, %rev3A_307 : vector<16xi32>
    %ge3A_312 = arith.cmpi sge, %masked_cumsum3A_310, %sub3A_212 : vector<16xi32>
    %all_reduce_population_count3A_313 = tpu.all_reduce %ge3A_312 {dim = 0 : i64, kind = #tpu.reduction_kind<sum>} : vector<16xi1> -> vector<16xi32>
    %sub3A_314 = arith.constant 1 : i32
    %sub3A_315 = vector.broadcast %sub3A_314 : i32 to vector<16xi32>
    %sub3A_316 = arith.subi %all_reduce_population_count3A_313, %sub3A_315 : vector<16xi32>
    %sub3A_317 = arith.constant 15 : i32
    %sub3A_318 = vector.broadcast %sub3A_317 : i32 to vector<16xi32>
    %sub3A_319 = arith.subi %sub3A_318, %sub3A_316 : vector<16xi32>
    %broadcast_in_dim3A_320 = vector.shape_cast %sub3A_319 : vector<16xi32> to vector<16x1xi32>
    %gather3A_321 = vector.shape_cast %broadcast_in_dim3A_320 : vector<16x1xi32> to vector<16xi32>
    %gather3A_322 = tpu.dynamic_gather %sub3A_311[%gather3A_321] in [0] : vector<16xi32>, vector<16xi32> -> vector<16xi32>
    %sub3A_323 = arith.subi %sub3A_212, %gather3A_322 : vector<16xi32>
    %shift_left3A_324 = arith.constant 20 : i32
    %shift_left3A_325 = vector.broadcast %shift_left3A_324 : i32 to vector<16xi32>
    %shift_left3A_326 = arith.shli %sub3A_316, %shift_left3A_325 : vector<16xi32>
    %or3A_327 = arith.ori %or3A_216, %shift_left3A_326 : vector<16xi32>
    %swap3A_328 = arith.constant 0 : index
    %swap3A_329 = tpu.vector_load %arg6[%swap3A_328] {strides = array<i32>} : memref<256xi32, #tpu.memory_space<vmem>>, vector<16xi32>,
    tpu.vector_store %arg6[%swap3A_328], %broadcast_in_dim3A_3 {strides = array<i32>} : memref<256xi32, #tpu.memory_space<vmem>>, vector<16xi32>,
    %swap3A_330 = arith.constant 16 : index
    %swap3A_331 = tpu.vector_load %arg6[%swap3A_330] {strides = array<i32>} : memref<256xi32, #tpu.memory_space<vmem>>, vector<16xi32>,
    tpu.vector_store %arg6[%swap3A_330], %broadcast_in_dim3A_3 {strides = array<i32>} : memref<256xi32, #tpu.memory_space<vmem>>, vector<16xi32>,
    %swap3A_332 = arith.constant 32 : index
    %swap3A_333 = tpu.vector_load %arg6[%swap3A_332] {strides = array<i32>} : memref<256xi32, #tpu.memory_space<vmem>>, vector<16xi32>,
    tpu.vector_store %arg6[%swap3A_332], %broadcast_in_dim3A_3 {strides = array<i32>} : memref<256xi32, #tpu.memory_space<vmem>>, vector<16xi32>,
    %swap3A_334 = arith.constant 48 : index
    %swap3A_335 = tpu.vector_load %arg6[%swap3A_334] {strides = array<i32>} : memref<256xi32, #tpu.memory_space<vmem>>, vector<16xi32>,
    tpu.vector_store %arg6[%swap3A_334], %broadcast_in_dim3A_3 {strides = array<i32>} : memref<256xi32, #tpu.memory_space<vmem>>, vector<16xi32>,
    %swap3A_336 = arith.constant 64 : index
    %swap3A_337 = tpu.vector_load %arg6[%swap3A_336] {strides = array<i32>} : memref<256xi32, #tpu.memory_space<vmem>>, vector<16xi32>,
    tpu.vector_store %arg6[%swap3A_336], %broadcast_in_dim3A_3 {strides = array<i32>} : memref<256xi32, #tpu.memory_space<vmem>>, vector<16xi32>,
    %swap3A_338 = arith.constant 80 : index
    %swap3A_339 = tpu.vector_load %arg6[%swap3A_338] {strides = array<i32>} : memref<256xi32, #tpu.memory_space<vmem>>, vector<16xi32>,
    tpu.vector_store %arg6[%swap3A_338], %broadcast_in_dim3A_3 {strides = array<i32>} : memref<256xi32, #tpu.memory_space<vmem>>, vector<16xi32>,
    %swap3A_340 = arith.constant 96 : index
    %swap3A_341 = tpu.vector_load %arg6[%swap3A_340] {strides = array<i32>} : memref<256xi32, #tpu.memory_space<vmem>>, vector<16xi32>,
    tpu.vector_store %arg6[%swap3A_340], %broadcast_in_dim3A_3 {strides = array<i32>} : memref<256xi32, #tpu.memory_space<vmem>>, vector<16xi32>,
    %swap3A_342 = arith.constant 112 : index
    %swap3A_343 = tpu.vector_load %arg6[%swap3A_342] {strides = array<i32>} : memref<256xi32, #tpu.memory_space<vmem>>, vector<16xi32>,
    tpu.vector_store %arg6[%swap3A_342], %broadcast_in_dim3A_3 {strides = array<i32>} : memref<256xi32, #tpu.memory_space<vmem>>, vector<16xi32>,
    %swap3A_344 = arith.constant 128 : index
    %swap3A_345 = tpu.vector_load %arg6[%swap3A_344] {strides = array<i32>} : memref<256xi32, #tpu.memory_space<vmem>>, vector<16xi32>,
    tpu.vector_store %arg6[%swap3A_344], %broadcast_in_dim3A_3 {strides = array<i32>} : memref<256xi32, #tpu.memory_space<vmem>>, vector<16xi32>,
    %swap3A_346 = arith.constant 144 : index
    %swap3A_347 = tpu.vector_load %arg6[%swap3A_346] {strides = array<i32>} : memref<256xi32, #tpu.memory_space<vmem>>, vector<16xi32>,
    tpu.vector_store %arg6[%swap3A_346], %broadcast_in_dim3A_3 {strides = array<i32>} : memref<256xi32, #tpu.memory_space<vmem>>, vector<16xi32>,
    %swap3A_348 = arith.constant 160 : index
    %swap3A_349 = tpu.vector_load %arg6[%swap3A_348] {strides = array<i32>} : memref<256xi32, #tpu.memory_space<vmem>>, vector<16xi32>,
    tpu.vector_store %arg6[%swap3A_348], %broadcast_in_dim3A_3 {strides = array<i32>} : memref<256xi32, #tpu.memory_space<vmem>>, vector<16xi32>,
    %swap3A_350 = arith.constant 176 : index
    %swap3A_351 = tpu.vector_load %arg6[%swap3A_350] {strides = array<i32>} : memref<256xi32, #tpu.memory_space<vmem>>, vector<16xi32>,
    tpu.vector_store %arg6[%swap3A_350], %broadcast_in_dim3A_3 {strides = array<i32>} : memref<256xi32, #tpu.memory_space<vmem>>, vector<16xi32>,
    %swap3A_352 = arith.constant 192 : index
    %swap3A_353 = tpu.vector_load %arg6[%swap3A_352] {strides = array<i32>} : memref<256xi32, #tpu.memory_space<vmem>>, vector<16xi32>,
    tpu.vector_store %arg6[%swap3A_352], %broadcast_in_dim3A_3 {strides = array<i32>} : memref<256xi32, #tpu.memory_space<vmem>>, vector<16xi32>,
    %swap3A_354 = arith.constant 208 : index
    %swap3A_355 = tpu.vector_load %arg6[%swap3A_354] {strides = array<i32>} : memref<256xi32, #tpu.memory_space<vmem>>, vector<16xi32>,
    tpu.vector_store %arg6[%swap3A_354], %broadcast_in_dim3A_3 {strides = array<i32>} : memref<256xi32, #tpu.memory_space<vmem>>, vector<16xi32>,
    %swap3A_356 = arith.constant 224 : index
    %swap3A_357 = tpu.vector_load %arg6[%swap3A_356] {strides = array<i32>} : memref<256xi32, #tpu.memory_space<vmem>>, vector<16xi32>,
    tpu.vector_store %arg6[%swap3A_356], %broadcast_in_dim3A_3 {strides = array<i32>} : memref<256xi32, #tpu.memory_space<vmem>>, vector<16xi32>,
    %swap3A_358 = arith.constant 240 : index
    %swap3A_359 = tpu.vector_load %arg6[%swap3A_358] {strides = array<i32>} : memref<256xi32, #tpu.memory_space<vmem>>, vector<16xi32>,
    tpu.vector_store %arg6[%swap3A_358], %broadcast_in_dim3A_3 {strides = array<i32>} : memref<256xi32, #tpu.memory_space<vmem>>, vector<16xi32>,
    %scan3A_360 = arith.constant 0 : i32
    %scan3A_361 = arith.constant 0 : i32
    %scan3A_362 = arith.constant 64 : i32
    %scan3A_363 = arith.addi %scan3A_361, %scan3A_362 : i32
    %scan3A_364 = arith.constant 1 : i32
    scf.for %scan3A_889 = %scan3A_361 to %scan3A_363 step %scan3A_364  : i32 {
      %mul3A_890 = arith.constant 4 : i32
      %mul3A_891 = arith.muli %scan3A_889, %mul3A_890 : i32
      %add3A_892 = arith.constant 0 : i32
      %add3A_893 = arith.addi %mul3A_891, %add3A_892 : i32
      %mul3A_894 = arith.constant 16 : i32
      %mul3A_895 = arith.muli %add3A_893, %mul3A_894 : i32
      %get3A_896 = arith.index_cast %mul3A_895 : i32 to index
      %get3A_897 = tpu.vector_load %arg5[%get3A_896] {strides = array<i32>} : memref<4096xf32, #tpu.memory_space<vmem>>, vector<16xf32>,
      %bitcast3A = vector.bitcast %get3A_897 : vector<16xf32> to vector<16xi32>
      %shift_right_logical3A = arith.constant 16 : i32
      %shift_right_logical3A_898 = vector.broadcast %shift_right_logical3A : i32 to vector<16xi32>
      %shift_right_logical3A_899 = arith.shrui %bitcast3A, %shift_right_logical3A_898 : vector<16xi32>
      %and3A = arith.constant 15 : i32
      %and3A_900 = vector.broadcast %and3A : i32 to vector<16xi32>
      %and3A_901 = arith.andi %shift_right_logical3A_899, %and3A_900 : vector<16xi32>
      %mul3A_902 = arith.constant 16 : i32
      %mul3A_903 = vector.broadcast %mul3A_902 : i32 to vector<16xi32>
      %mul3A_904 = arith.muli %iota3A, %mul3A_903 : vector<16xi32>
      %add3A_905 = arith.addi %mul3A_904, %and3A_901 : vector<16xi32>
      %shift_right_logical3A_906 = arith.constant 20 : i32
      %shift_right_logical3A_907 = vector.broadcast %shift_right_logical3A_906 : i32 to vector<16xi32>
      %shift_right_logical3A_908 = arith.shrui %bitcast3A, %shift_right_logical3A_907 : vector<16xi32>
      %shift_right_logical3A_909 = arith.constant 20 : i32
      %shift_right_logical3A_910 = vector.broadcast %shift_right_logical3A_909 : i32 to vector<16xi32>
      %shift_right_logical3A_911 = arith.shrui %or3A_327, %shift_right_logical3A_910 : vector<16xi32>
      %eq3A = arith.cmpi eq, %shift_right_logical3A_908, %shift_right_logical3A_911 : vector<16xi32>
      tpu.vector_store_idx %arg6[%add3A_905], %broadcast_in_dim3A_1 masked %eq3A {add = true} : memref<256xi32, #tpu.memory_space<vmem>>[vector<16xi32>], vector<16xi32>, vector<16xi1>
      %mul3A_912 = arith.constant 4 : i32
      %mul3A_913 = arith.muli %scan3A_889, %mul3A_912 : i32
      %add3A_914 = arith.constant 1 : i32
      %add3A_915 = arith.addi %mul3A_913, %add3A_914 : i32
      %mul3A_916 = arith.constant 16 : i32
      %mul3A_917 = arith.muli %add3A_915, %mul3A_916 : i32
      %get3A_918 = arith.index_cast %mul3A_917 : i32 to index
      %get3A_919 = tpu.vector_load %arg5[%get3A_918] {strides = array<i32>} : memref<4096xf32, #tpu.memory_space<vmem>>, vector<16xf32>,
      %bitcast3A_920 = vector.bitcast %get3A_919 : vector<16xf32> to vector<16xi32>
      %shift_right_logical3A_921 = arith.constant 16 : i32
      %shift_right_logical3A_922 = vector.broadcast %shift_right_logical3A_921 : i32 to vector<16xi32>
      %shift_right_logical3A_923 = arith.shrui %bitcast3A_920, %shift_right_logical3A_922 : vector<16xi32>
      %and3A_924 = arith.constant 15 : i32
      %and3A_925 = vector.broadcast %and3A_924 : i32 to vector<16xi32>
      %and3A_926 = arith.andi %shift_right_logical3A_923, %and3A_925 : vector<16xi32>
      %mul3A_927 = arith.constant 16 : i32
      %mul3A_928 = vector.broadcast %mul3A_927 : i32 to vector<16xi32>
      %mul3A_929 = arith.muli %iota3A, %mul3A_928 : vector<16xi32>
      %add3A_930 = arith.addi %mul3A_929, %and3A_926 : vector<16xi32>
      %shift_right_logical3A_931 = arith.constant 20 : i32
      %shift_right_logical3A_932 = vector.broadcast %shift_right_logical3A_931 : i32 to vector<16xi32>
      %shift_right_logical3A_933 = arith.shrui %bitcast3A_920, %shift_right_logical3A_932 : vector<16xi32>
      %shift_right_logical3A_934 = arith.constant 20 : i32
      %shift_right_logical3A_935 = vector.broadcast %shift_right_logical3A_934 : i32 to vector<16xi32>
      %shift_right_logical3A_936 = arith.shrui %or3A_327, %shift_right_logical3A_935 : vector<16xi32>
      %eq3A_937 = arith.cmpi eq, %shift_right_logical3A_933, %shift_right_logical3A_936 : vector<16xi32>
      tpu.vector_store_idx %arg6[%add3A_930], %broadcast_in_dim3A_1 masked %eq3A_937 {add = true} : memref<256xi32, #tpu.memory_space<vmem>>[vector<16xi32>], vector<16xi32>, vector<16xi1>
      %mul3A_938 = arith.constant 4 : i32
      %mul3A_939 = arith.muli %scan3A_889, %mul3A_938 : i32
      %add3A_940 = arith.constant 2 : i32
      %add3A_941 = arith.addi %mul3A_939, %add3A_940 : i32
      %mul3A_942 = arith.constant 16 : i32
      %mul3A_943 = arith.muli %add3A_941, %mul3A_942 : i32
      %get3A_944 = arith.index_cast %mul3A_943 : i32 to index
      %get3A_945 = tpu.vector_load %arg5[%get3A_944] {strides = array<i32>} : memref<4096xf32, #tpu.memory_space<vmem>>, vector<16xf32>,
      %bitcast3A_946 = vector.bitcast %get3A_945 : vector<16xf32> to vector<16xi32>
      %shift_right_logical3A_947 = arith.constant 16 : i32
      %shift_right_logical3A_948 = vector.broadcast %shift_right_logical3A_947 : i32 to vector<16xi32>
      %shift_right_logical3A_949 = arith.shrui %bitcast3A_946, %shift_right_logical3A_948 : vector<16xi32>
      %and3A_950 = arith.constant 15 : i32
      %and3A_951 = vector.broadcast %and3A_950 : i32 to vector<16xi32>
      %and3A_952 = arith.andi %shift_right_logical3A_949, %and3A_951 : vector<16xi32>
      %mul3A_953 = arith.constant 16 : i32
      %mul3A_954 = vector.broadcast %mul3A_953 : i32 to vector<16xi32>
      %mul3A_955 = arith.muli %iota3A, %mul3A_954 : vector<16xi32>
      %add3A_956 = arith.addi %mul3A_955, %and3A_952 : vector<16xi32>
      %shift_right_logical3A_957 = arith.constant 20 : i32
      %shift_right_logical3A_958 = vector.broadcast %shift_right_logical3A_957 : i32 to vector<16xi32>
      %shift_right_logical3A_959 = arith.shrui %bitcast3A_946, %shift_right_logical3A_958 : vector<16xi32>
      %shift_right_logical3A_960 = arith.constant 20 : i32
      %shift_right_logical3A_961 = vector.broadcast %shift_right_logical3A_960 : i32 to vector<16xi32>
      %shift_right_logical3A_962 = arith.shrui %or3A_327, %shift_right_logical3A_961 : vector<16xi32>
      %eq3A_963 = arith.cmpi eq, %shift_right_logical3A_959, %shift_right_logical3A_962 : vector<16xi32>
      tpu.vector_store_idx %arg6[%add3A_956], %broadcast_in_dim3A_1 masked %eq3A_963 {add = true} : memref<256xi32, #tpu.memory_space<vmem>>[vector<16xi32>], vector<16xi32>, vector<16xi1>
      %mul3A_964 = arith.constant 4 : i32
      %mul3A_965 = arith.muli %scan3A_889, %mul3A_964 : i32
      %add3A_966 = arith.constant 3 : i32
      %add3A_967 = arith.addi %mul3A_965, %add3A_966 : i32
      %mul3A_968 = arith.constant 16 : i32
      %mul3A_969 = arith.muli %add3A_967, %mul3A_968 : i32
      %get3A_970 = arith.index_cast %mul3A_969 : i32 to index
      %get3A_971 = tpu.vector_load %arg5[%get3A_970] {strides = array<i32>} : memref<4096xf32, #tpu.memory_space<vmem>>, vector<16xf32>,
      %bitcast3A_972 = vector.bitcast %get3A_971 : vector<16xf32> to vector<16xi32>
      %shift_right_logical3A_973 = arith.constant 16 : i32
      %shift_right_logical3A_974 = vector.broadcast %shift_right_logical3A_973 : i32 to vector<16xi32>
      %shift_right_logical3A_975 = arith.shrui %bitcast3A_972, %shift_right_logical3A_974 : vector<16xi32>
      %and3A_976 = arith.constant 15 : i32
      %and3A_977 = vector.broadcast %and3A_976 : i32 to vector<16xi32>
      %and3A_978 = arith.andi %shift_right_logical3A_975, %and3A_977 : vector<16xi32>
      %mul3A_979 = arith.constant 16 : i32
      %mul3A_980 = vector.broadcast %mul3A_979 : i32 to vector<16xi32>
      %mul3A_981 = arith.muli %iota3A, %mul3A_980 : vector<16xi32>
      %add3A_982 = arith.addi %mul3A_981, %and3A_978 : vector<16xi32>
      %shift_right_logical3A_983 = arith.constant 20 : i32
      %shift_right_logical3A_984 = vector.broadcast %shift_right_logical3A_983 : i32 to vector<16xi32>
      %shift_right_logical3A_985 = arith.shrui %bitcast3A_972, %shift_right_logical3A_984 : vector<16xi32>
      %shift_right_logical3A_986 = arith.constant 20 : i32
      %shift_right_logical3A_987 = vector.broadcast %shift_right_logical3A_986 : i32 to vector<16xi32>
      %shift_right_logical3A_988 = arith.shrui %or3A_327, %shift_right_logical3A_987 : vector<16xi32>
      %eq3A_989 = arith.cmpi eq, %shift_right_logical3A_985, %shift_right_logical3A_988 : vector<16xi32>
      tpu.vector_store_idx %arg6[%add3A_982], %broadcast_in_dim3A_1 masked %eq3A_989 {add = true} : memref<256xi32, #tpu.memory_space<vmem>>[vector<16xi32>], vector<16xi32>, vector<16xi1>
    }
    %scan3A_365 = arith.constant 64 : i32
    %get3A_366 = arith.constant 0 : index
    %get3A_367 = tpu.vector_load %arg6[%get3A_366] {strides = array<i32>} : memref<256xi32, #tpu.memory_space<vmem>>, vector<16xi32>,
    %add3A_368 = arith.addi %broadcast_in_dim3A_3, %get3A_367 : vector<16xi32>
    %get3A_369 = arith.constant 16 : index
    %get3A_370 = tpu.vector_load %arg6[%get3A_369] {strides = array<i32>} : memref<256xi32, #tpu.memory_space<vmem>>, vector<16xi32>,
    %add3A_371 = arith.addi %add3A_368, %get3A_370 : vector<16xi32>
    %get3A_372 = arith.constant 32 : index
    %get3A_373 = tpu.vector_load %arg6[%get3A_372] {strides = array<i32>} : memref<256xi32, #tpu.memory_space<vmem>>, vector<16xi32>,
    %add3A_374 = arith.addi %add3A_371, %get3A_373 : vector<16xi32>
    %get3A_375 = arith.constant 48 : index
    %get3A_376 = tpu.vector_load %arg6[%get3A_375] {strides = array<i32>} : memref<256xi32, #tpu.memory_space<vmem>>, vector<16xi32>,
    %add3A_377 = arith.addi %add3A_374, %get3A_376 : vector<16xi32>
    %get3A_378 = arith.constant 64 : index
    %get3A_379 = tpu.vector_load %arg6[%get3A_378] {strides = array<i32>} : memref<256xi32, #tpu.memory_space<vmem>>, vector<16xi32>,
    %add3A_380 = arith.addi %add3A_377, %get3A_379 : vector<16xi32>
    %get3A_381 = arith.constant 80 : index
    %get3A_382 = tpu.vector_load %arg6[%get3A_381] {strides = array<i32>} : memref<256xi32, #tpu.memory_space<vmem>>, vector<16xi32>,
    %add3A_383 = arith.addi %add3A_380, %get3A_382 : vector<16xi32>
    %get3A_384 = arith.constant 96 : index
    %get3A_385 = tpu.vector_load %arg6[%get3A_384] {strides = array<i32>} : memref<256xi32, #tpu.memory_space<vmem>>, vector<16xi32>,
    %add3A_386 = arith.addi %add3A_383, %get3A_385 : vector<16xi32>
    %get3A_387 = arith.constant 112 : index
    %get3A_388 = tpu.vector_load %arg6[%get3A_387] {strides = array<i32>} : memref<256xi32, #tpu.memory_space<vmem>>, vector<16xi32>,
    %add3A_389 = arith.addi %add3A_386, %get3A_388 : vector<16xi32>
    %get3A_390 = arith.constant 128 : index
    %get3A_391 = tpu.vector_load %arg6[%get3A_390] {strides = array<i32>} : memref<256xi32, #tpu.memory_space<vmem>>, vector<16xi32>,
    %add3A_392 = arith.addi %add3A_389, %get3A_391 : vector<16xi32>
    %get3A_393 = arith.constant 144 : index
    %get3A_394 = tpu.vector_load %arg6[%get3A_393] {strides = array<i32>} : memref<256xi32, #tpu.memory_space<vmem>>, vector<16xi32>,
    %add3A_395 = arith.addi %add3A_392, %get3A_394 : vector<16xi32>
    %get3A_396 = arith.constant 160 : index
    %get3A_397 = tpu.vector_load %arg6[%get3A_396] {strides = array<i32>} : memref<256xi32, #tpu.memory_space<vmem>>, vector<16xi32>,
    %add3A_398 = arith.addi %add3A_395, %get3A_397 : vector<16xi32>
    %get3A_399 = arith.constant 176 : index
    %get3A_400 = tpu.vector_load %arg6[%get3A_399] {strides = array<i32>} : memref<256xi32, #tpu.memory_space<vmem>>, vector<16xi32>,
    %add3A_401 = arith.addi %add3A_398, %get3A_400 : vector<16xi32>
    %get3A_402 = arith.constant 192 : index
    %get3A_403 = tpu.vector_load %arg6[%get3A_402] {strides = array<i32>} : memref<256xi32, #tpu.memory_space<vmem>>, vector<16xi32>,
    %add3A_404 = arith.addi %add3A_401, %get3A_403 : vector<16xi32>
    %get3A_405 = arith.constant 208 : index
    %get3A_406 = tpu.vector_load %arg6[%get3A_405] {strides = array<i32>} : memref<256xi32, #tpu.memory_space<vmem>>, vector<16xi32>,
    %add3A_407 = arith.addi %add3A_404, %get3A_406 : vector<16xi32>
    %get3A_408 = arith.constant 224 : index
    %get3A_409 = tpu.vector_load %arg6[%get3A_408] {strides = array<i32>} : memref<256xi32, #tpu.memory_space<vmem>>, vector<16xi32>,
    %add3A_410 = arith.addi %add3A_407, %get3A_409 : vector<16xi32>
    %get3A_411 = arith.constant 240 : index
    %get3A_412 = tpu.vector_load %arg6[%get3A_411] {strides = array<i32>} : memref<256xi32, #tpu.memory_space<vmem>>, vector<16xi32>,
    %add3A_413 = arith.addi %add3A_410, %get3A_412 : vector<16xi32>
    %rev3A_414 = arith.constant 15 : i32
    %rev3A_415 = vector.broadcast %rev3A_414 : i32 to vector<16xi32>
    %rev3A_416 = tpu.iota {dimensions = array<i32: 0>} : vector<16xi32>
    %rev3A_417 = arith.subi %rev3A_415, %rev3A_416 : vector<16xi32>
    %rev3A_418 = tpu.dynamic_gather %add3A_413[%rev3A_417] in [0] : vector<16xi32>, vector<16xi32> -> vector<16xi32>
    %broadcast_in_dim3A_419 = arith.constant true
    %broadcast_in_dim3A_420 = vector.broadcast %broadcast_in_dim3A_419 : i1 to vector<16xi1>
    %masked_cumsum3A_421 = tpu.scan <sum>, %rev3A_418 masked %broadcast_in_dim3A_420 : vector<16xi32>, vector<16xi1> -> vector<16xi32>
    %sub3A_422 = arith.subi %masked_cumsum3A_421, %rev3A_418 : vector<16xi32>
    %ge3A_423 = arith.cmpi sge, %masked_cumsum3A_421, %sub3A_323 : vector<16xi32>
    %all_reduce_population_count3A_424 = tpu.all_reduce %ge3A_423 {dim = 0 : i64, kind = #tpu.reduction_kind<sum>} : vector<16xi1> -> vector<16xi32>
    %sub3A_425 = arith.constant 1 : i32
    %sub3A_426 = vector.broadcast %sub3A_425 : i32 to vector<16xi32>
    %sub3A_427 = arith.subi %all_reduce_population_count3A_424, %sub3A_426 : vector<16xi32>
    %sub3A_428 = arith.constant 15 : i32
    %sub3A_429 = vector.broadcast %sub3A_428 : i32 to vector<16xi32>
    %sub3A_430 = arith.subi %sub3A_429, %sub3A_427 : vector<16xi32>
    %broadcast_in_dim3A_431 = vector.shape_cast %sub3A_430 : vector<16xi32> to vector<16x1xi32>
    %gather3A_432 = vector.shape_cast %broadcast_in_dim3A_431 : vector<16x1xi32> to vector<16xi32>
    %gather3A_433 = tpu.dynamic_gather %sub3A_422[%gather3A_432] in [0] : vector<16xi32>, vector<16xi32> -> vector<16xi32>
    %sub3A_434 = arith.subi %sub3A_323, %gather3A_433 : vector<16xi32>
    %shift_left3A_435 = arith.constant 16 : i32
    %shift_left3A_436 = vector.broadcast %shift_left3A_435 : i32 to vector<16xi32>
    %shift_left3A_437 = arith.shli %sub3A_427, %shift_left3A_436 : vector<16xi32>
    %or3A_438 = arith.ori %or3A_327, %shift_left3A_437 : vector<16xi32>
    %swap3A_439 = arith.constant 0 : index
    %swap3A_440 = tpu.vector_load %arg6[%swap3A_439] {strides = array<i32>} : memref<256xi32, #tpu.memory_space<vmem>>, vector<16xi32>,
    tpu.vector_store %arg6[%swap3A_439], %broadcast_in_dim3A_3 {strides = array<i32>} : memref<256xi32, #tpu.memory_space<vmem>>, vector<16xi32>,
    %swap3A_441 = arith.constant 16 : index
    %swap3A_442 = tpu.vector_load %arg6[%swap3A_441] {strides = array<i32>} : memref<256xi32, #tpu.memory_space<vmem>>, vector<16xi32>,
    tpu.vector_store %arg6[%swap3A_441], %broadcast_in_dim3A_3 {strides = array<i32>} : memref<256xi32, #tpu.memory_space<vmem>>, vector<16xi32>,
    %swap3A_443 = arith.constant 32 : index
    %swap3A_444 = tpu.vector_load %arg6[%swap3A_443] {strides = array<i32>} : memref<256xi32, #tpu.memory_space<vmem>>, vector<16xi32>,
    tpu.vector_store %arg6[%swap3A_443], %broadcast_in_dim3A_3 {strides = array<i32>} : memref<256xi32, #tpu.memory_space<vmem>>, vector<16xi32>,
    %swap3A_445 = arith.constant 48 : index
    %swap3A_446 = tpu.vector_load %arg6[%swap3A_445] {strides = array<i32>} : memref<256xi32, #tpu.memory_space<vmem>>, vector<16xi32>,
    tpu.vector_store %arg6[%swap3A_445], %broadcast_in_dim3A_3 {strides = array<i32>} : memref<256xi32, #tpu.memory_space<vmem>>, vector<16xi32>,
    %swap3A_447 = arith.constant 64 : index
    %swap3A_448 = tpu.vector_load %arg6[%swap3A_447] {strides = array<i32>} : memref<256xi32, #tpu.memory_space<vmem>>, vector<16xi32>,
    tpu.vector_store %arg6[%swap3A_447], %broadcast_in_dim3A_3 {strides = array<i32>} : memref<256xi32, #tpu.memory_space<vmem>>, vector<16xi32>,
    %swap3A_449 = arith.constant 80 : index
    %swap3A_450 = tpu.vector_load %arg6[%swap3A_449] {strides = array<i32>} : memref<256xi32, #tpu.memory_space<vmem>>, vector<16xi32>,
    tpu.vector_store %arg6[%swap3A_449], %broadcast_in_dim3A_3 {strides = array<i32>} : memref<256xi32, #tpu.memory_space<vmem>>, vector<16xi32>,
    %swap3A_451 = arith.constant 96 : index
    %swap3A_452 = tpu.vector_load %arg6[%swap3A_451] {strides = array<i32>} : memref<256xi32, #tpu.memory_space<vmem>>, vector<16xi32>,
    tpu.vector_store %arg6[%swap3A_451], %broadcast_in_dim3A_3 {strides = array<i32>} : memref<256xi32, #tpu.memory_space<vmem>>, vector<16xi32>,
    %swap3A_453 = arith.constant 112 : index
    %swap3A_454 = tpu.vector_load %arg6[%swap3A_453] {strides = array<i32>} : memref<256xi32, #tpu.memory_space<vmem>>, vector<16xi32>,
    tpu.vector_store %arg6[%swap3A_453], %broadcast_in_dim3A_3 {strides = array<i32>} : memref<256xi32, #tpu.memory_space<vmem>>, vector<16xi32>,
    %swap3A_455 = arith.constant 128 : index
    %swap3A_456 = tpu.vector_load %arg6[%swap3A_455] {strides = array<i32>} : memref<256xi32, #tpu.memory_space<vmem>>, vector<16xi32>,
    tpu.vector_store %arg6[%swap3A_455], %broadcast_in_dim3A_3 {strides = array<i32>} : memref<256xi32, #tpu.memory_space<vmem>>, vector<16xi32>,
    %swap3A_457 = arith.constant 144 : index
    %swap3A_458 = tpu.vector_load %arg6[%swap3A_457] {strides = array<i32>} : memref<256xi32, #tpu.memory_space<vmem>>, vector<16xi32>,
    tpu.vector_store %arg6[%swap3A_457], %broadcast_in_dim3A_3 {strides = array<i32>} : memref<256xi32, #tpu.memory_space<vmem>>, vector<16xi32>,
    %swap3A_459 = arith.constant 160 : index
    %swap3A_460 = tpu.vector_load %arg6[%swap3A_459] {strides = array<i32>} : memref<256xi32, #tpu.memory_space<vmem>>, vector<16xi32>,
    tpu.vector_store %arg6[%swap3A_459], %broadcast_in_dim3A_3 {strides = array<i32>} : memref<256xi32, #tpu.memory_space<vmem>>, vector<16xi32>,
    %swap3A_461 = arith.constant 176 : index
    %swap3A_462 = tpu.vector_load %arg6[%swap3A_461] {strides = array<i32>} : memref<256xi32, #tpu.memory_space<vmem>>, vector<16xi32>,
    tpu.vector_store %arg6[%swap3A_461], %broadcast_in_dim3A_3 {strides = array<i32>} : memref<256xi32, #tpu.memory_space<vmem>>, vector<16xi32>,
    %swap3A_463 = arith.constant 192 : index
    %swap3A_464 = tpu.vector_load %arg6[%swap3A_463] {strides = array<i32>} : memref<256xi32, #tpu.memory_space<vmem>>, vector<16xi32>,
    tpu.vector_store %arg6[%swap3A_463], %broadcast_in_dim3A_3 {strides = array<i32>} : memref<256xi32, #tpu.memory_space<vmem>>, vector<16xi32>,
    %swap3A_465 = arith.constant 208 : index
    %swap3A_466 = tpu.vector_load %arg6[%swap3A_465] {strides = array<i32>} : memref<256xi32, #tpu.memory_space<vmem>>, vector<16xi32>,
    tpu.vector_store %arg6[%swap3A_465], %broadcast_in_dim3A_3 {strides = array<i32>} : memref<256xi32, #tpu.memory_space<vmem>>, vector<16xi32>,
    %swap3A_467 = arith.constant 224 : index
    %swap3A_468 = tpu.vector_load %arg6[%swap3A_467] {strides = array<i32>} : memref<256xi32, #tpu.memory_space<vmem>>, vector<16xi32>,
    tpu.vector_store %arg6[%swap3A_467], %broadcast_in_dim3A_3 {strides = array<i32>} : memref<256xi32, #tpu.memory_space<vmem>>, vector<16xi32>,
    %swap3A_469 = arith.constant 240 : index
    %swap3A_470 = tpu.vector_load %arg6[%swap3A_469] {strides = array<i32>} : memref<256xi32, #tpu.memory_space<vmem>>, vector<16xi32>,
    tpu.vector_store %arg6[%swap3A_469], %broadcast_in_dim3A_3 {strides = array<i32>} : memref<256xi32, #tpu.memory_space<vmem>>, vector<16xi32>,
    %scan3A_471 = arith.constant 0 : i32
    %scan3A_472 = arith.constant 0 : i32
    %scan3A_473 = arith.constant 64 : i32
    %scan3A_474 = arith.addi %scan3A_472, %scan3A_473 : i32
    %scan3A_475 = arith.constant 1 : i32
    scf.for %scan3A_889 = %scan3A_472 to %scan3A_474 step %scan3A_475  : i32 {
      %mul3A_890 = arith.constant 4 : i32
      %mul3A_891 = arith.muli %scan3A_889, %mul3A_890 : i32
      %add3A_892 = arith.constant 0 : i32
      %add3A_893 = arith.addi %mul3A_891, %add3A_892 : i32
      %mul3A_894 = arith.constant 16 : i32
      %mul3A_895 = arith.muli %add3A_893, %mul3A_894 : i32
      %get3A_896 = arith.index_cast %mul3A_895 : i32 to index
      %get3A_897 = tpu.vector_load %arg5[%get3A_896] {strides = array<i32>} : memref<4096xf32, #tpu.memory_space<vmem>>, vector<16xf32>,
      %bitcast3A = vector.bitcast %get3A_897 : vector<16xf32> to vector<16xi32>
      %shift_right_logical3A = arith.constant 12 : i32
      %shift_right_logical3A_898 = vector.broadcast %shift_right_logical3A : i32 to vector<16xi32>
      %shift_right_logical3A_899 = arith.shrui %bitcast3A, %shift_right_logical3A_898 : vector<16xi32>
      %and3A = arith.constant 15 : i32
      %and3A_900 = vector.broadcast %and3A : i32 to vector<16xi32>
      %and3A_901 = arith.andi %shift_right_logical3A_899, %and3A_900 : vector<16xi32>
      %mul3A_902 = arith.constant 16 : i32
      %mul3A_903 = vector.broadcast %mul3A_902 : i32 to vector<16xi32>
      %mul3A_904 = arith.muli %iota3A, %mul3A_903 : vector<16xi32>
      %add3A_905 = arith.addi %mul3A_904, %and3A_901 : vector<16xi32>
      %shift_right_logical3A_906 = arith.constant 16 : i32
      %shift_right_logical3A_907 = vector.broadcast %shift_right_logical3A_906 : i32 to vector<16xi32>
      %shift_right_logical3A_908 = arith.shrui %bitcast3A, %shift_right_logical3A_907 : vector<16xi32>
      %shift_right_logical3A_909 = arith.constant 16 : i32
      %shift_right_logical3A_910 = vector.broadcast %shift_right_logical3A_909 : i32 to vector<16xi32>
      %shift_right_logical3A_911 = arith.shrui %or3A_438, %shift_right_logical3A_910 : vector<16xi32>
      %eq3A = arith.cmpi eq, %shift_right_logical3A_908, %shift_right_logical3A_911 : vector<16xi32>
      tpu.vector_store_idx %arg6[%add3A_905], %broadcast_in_dim3A_1 masked %eq3A {add = true} : memref<256xi32, #tpu.memory_space<vmem>>[vector<16xi32>], vector<16xi32>, vector<16xi1>
      %mul3A_912 = arith.constant 4 : i32
      %mul3A_913 = arith.muli %scan3A_889, %mul3A_912 : i32
      %add3A_914 = arith.constant 1 : i32
      %add3A_915 = arith.addi %mul3A_913, %add3A_914 : i32
      %mul3A_916 = arith.constant 16 : i32
      %mul3A_917 = arith.muli %add3A_915, %mul3A_916 : i32
      %get3A_918 = arith.index_cast %mul3A_917 : i32 to index
      %get3A_919 = tpu.vector_load %arg5[%get3A_918] {strides = array<i32>} : memref<4096xf32, #tpu.memory_space<vmem>>, vector<16xf32>,
      %bitcast3A_920 = vector.bitcast %get3A_919 : vector<16xf32> to vector<16xi32>
      %shift_right_logical3A_921 = arith.constant 12 : i32
      %shift_right_logical3A_922 = vector.broadcast %shift_right_logical3A_921 : i32 to vector<16xi32>
      %shift_right_logical3A_923 = arith.shrui %bitcast3A_920, %shift_right_logical3A_922 : vector<16xi32>
      %and3A_924 = arith.constant 15 : i32
      %and3A_925 = vector.broadcast %and3A_924 : i32 to vector<16xi32>
      %and3A_926 = arith.andi %shift_right_logical3A_923, %and3A_925 : vector<16xi32>
      %mul3A_927 = arith.constant 16 : i32
      %mul3A_928 = vector.broadcast %mul3A_927 : i32 to vector<16xi32>
      %mul3A_929 = arith.muli %iota3A, %mul3A_928 : vector<16xi32>
      %add3A_930 = arith.addi %mul3A_929, %and3A_926 : vector<16xi32>
      %shift_right_logical3A_931 = arith.constant 16 : i32
      %shift_right_logical3A_932 = vector.broadcast %shift_right_logical3A_931 : i32 to vector<16xi32>
      %shift_right_logical3A_933 = arith.shrui %bitcast3A_920, %shift_right_logical3A_932 : vector<16xi32>
      %shift_right_logical3A_934 = arith.constant 16 : i32
      %shift_right_logical3A_935 = vector.broadcast %shift_right_logical3A_934 : i32 to vector<16xi32>
      %shift_right_logical3A_936 = arith.shrui %or3A_438, %shift_right_logical3A_935 : vector<16xi32>
      %eq3A_937 = arith.cmpi eq, %shift_right_logical3A_933, %shift_right_logical3A_936 : vector<16xi32>
      tpu.vector_store_idx %arg6[%add3A_930], %broadcast_in_dim3A_1 masked %eq3A_937 {add = true} : memref<256xi32, #tpu.memory_space<vmem>>[vector<16xi32>], vector<16xi32>, vector<16xi1>
      %mul3A_938 = arith.constant 4 : i32
      %mul3A_939 = arith.muli %scan3A_889, %mul3A_938 : i32
      %add3A_940 = arith.constant 2 : i32
      %add3A_941 = arith.addi %mul3A_939, %add3A_940 : i32
      %mul3A_942 = arith.constant 16 : i32
      %mul3A_943 = arith.muli %add3A_941, %mul3A_942 : i32
      %get3A_944 = arith.index_cast %mul3A_943 : i32 to index
      %get3A_945 = tpu.vector_load %arg5[%get3A_944] {strides = array<i32>} : memref<4096xf32, #tpu.memory_space<vmem>>, vector<16xf32>,
      %bitcast3A_946 = vector.bitcast %get3A_945 : vector<16xf32> to vector<16xi32>
      %shift_right_logical3A_947 = arith.constant 12 : i32
      %shift_right_logical3A_948 = vector.broadcast %shift_right_logical3A_947 : i32 to vector<16xi32>
      %shift_right_logical3A_949 = arith.shrui %bitcast3A_946, %shift_right_logical3A_948 : vector<16xi32>
      %and3A_950 = arith.constant 15 : i32
      %and3A_951 = vector.broadcast %and3A_950 : i32 to vector<16xi32>
      %and3A_952 = arith.andi %shift_right_logical3A_949, %and3A_951 : vector<16xi32>
      %mul3A_953 = arith.constant 16 : i32
      %mul3A_954 = vector.broadcast %mul3A_953 : i32 to vector<16xi32>
      %mul3A_955 = arith.muli %iota3A, %mul3A_954 : vector<16xi32>
      %add3A_956 = arith.addi %mul3A_955, %and3A_952 : vector<16xi32>
      %shift_right_logical3A_957 = arith.constant 16 : i32
      %shift_right_logical3A_958 = vector.broadcast %shift_right_logical3A_957 : i32 to vector<16xi32>
      %shift_right_logical3A_959 = arith.shrui %bitcast3A_946, %shift_right_logical3A_958 : vector<16xi32>
      %shift_right_logical3A_960 = arith.constant 16 : i32
      %shift_right_logical3A_961 = vector.broadcast %shift_right_logical3A_960 : i32 to vector<16xi32>
      %shift_right_logical3A_962 = arith.shrui %or3A_438, %shift_right_logical3A_961 : vector<16xi32>
      %eq3A_963 = arith.cmpi eq, %shift_right_logical3A_959, %shift_right_logical3A_962 : vector<16xi32>
      tpu.vector_store_idx %arg6[%add3A_956], %broadcast_in_dim3A_1 masked %eq3A_963 {add = true} : memref<256xi32, #tpu.memory_space<vmem>>[vector<16xi32>], vector<16xi32>, vector<16xi1>
      %mul3A_964 = arith.constant 4 : i32
      %mul3A_965 = arith.muli %scan3A_889, %mul3A_964 : i32
      %add3A_966 = arith.constant 3 : i32
      %add3A_967 = arith.addi %mul3A_965, %add3A_966 : i32
      %mul3A_968 = arith.constant 16 : i32
      %mul3A_969 = arith.muli %add3A_967, %mul3A_968 : i32
      %get3A_970 = arith.index_cast %mul3A_969 : i32 to index
      %get3A_971 = tpu.vector_load %arg5[%get3A_970] {strides = array<i32>} : memref<4096xf32, #tpu.memory_space<vmem>>, vector<16xf32>,
      %bitcast3A_972 = vector.bitcast %get3A_971 : vector<16xf32> to vector<16xi32>
      %shift_right_logical3A_973 = arith.constant 12 : i32
      %shift_right_logical3A_974 = vector.broadcast %shift_right_logical3A_973 : i32 to vector<16xi32>
      %shift_right_logical3A_975 = arith.shrui %bitcast3A_972, %shift_right_logical3A_974 : vector<16xi32>
      %and3A_976 = arith.constant 15 : i32
      %and3A_977 = vector.broadcast %and3A_976 : i32 to vector<16xi32>
      %and3A_978 = arith.andi %shift_right_logical3A_975, %and3A_977 : vector<16xi32>
      %mul3A_979 = arith.constant 16 : i32
      %mul3A_980 = vector.broadcast %mul3A_979 : i32 to vector<16xi32>
      %mul3A_981 = arith.muli %iota3A, %mul3A_980 : vector<16xi32>
      %add3A_982 = arith.addi %mul3A_981, %and3A_978 : vector<16xi32>
      %shift_right_logical3A_983 = arith.constant 16 : i32
      %shift_right_logical3A_984 = vector.broadcast %shift_right_logical3A_983 : i32 to vector<16xi32>
      %shift_right_logical3A_985 = arith.shrui %bitcast3A_972, %shift_right_logical3A_984 : vector<16xi32>
      %shift_right_logical3A_986 = arith.constant 16 : i32
      %shift_right_logical3A_987 = vector.broadcast %shift_right_logical3A_986 : i32 to vector<16xi32>
      %shift_right_logical3A_988 = arith.shrui %or3A_438, %shift_right_logical3A_987 : vector<16xi32>
      %eq3A_989 = arith.cmpi eq, %shift_right_logical3A_985, %shift_right_logical3A_988 : vector<16xi32>
      tpu.vector_store_idx %arg6[%add3A_982], %broadcast_in_dim3A_1 masked %eq3A_989 {add = true} : memref<256xi32, #tpu.memory_space<vmem>>[vector<16xi32>], vector<16xi32>, vector<16xi1>
    }
    %scan3A_476 = arith.constant 64 : i32
    %get3A_477 = arith.constant 0 : index
    %get3A_478 = tpu.vector_load %arg6[%get3A_477] {strides = array<i32>} : memref<256xi32, #tpu.memory_space<vmem>>, vector<16xi32>,
    %add3A_479 = arith.addi %broadcast_in_dim3A_3, %get3A_478 : vector<16xi32>
    %get3A_480 = arith.constant 16 : index
    %get3A_481 = tpu.vector_load %arg6[%get3A_480] {strides = array<i32>} : memref<256xi32, #tpu.memory_space<vmem>>, vector<16xi32>,
    %add3A_482 = arith.addi %add3A_479, %get3A_481 : vector<16xi32>
    %get3A_483 = arith.constant 32 : index
    %get3A_484 = tpu.vector_load %arg6[%get3A_483] {strides = array<i32>} : memref<256xi32, #tpu.memory_space<vmem>>, vector<16xi32>,
    %add3A_485 = arith.addi %add3A_482, %get3A_484 : vector<16xi32>
    %get3A_486 = arith.constant 48 : index
    %get3A_487 = tpu.vector_load %arg6[%get3A_486] {strides = array<i32>} : memref<256xi32, #tpu.memory_space<vmem>>, vector<16xi32>,
    %add3A_488 = arith.addi %add3A_485, %get3A_487 : vector<16xi32>
    %get3A_489 = arith.constant 64 : index
    %get3A_490 = tpu.vector_load %arg6[%get3A_489] {strides = array<i32>} : memref<256xi32, #tpu.memory_space<vmem>>, vector<16xi32>,
    %add3A_491 = arith.addi %add3A_488, %get3A_490 : vector<16xi32>
    %get3A_492 = arith.constant 80 : index
    %get3A_493 = tpu.vector_load %arg6[%get3A_492] {strides = array<i32>} : memref<256xi32, #tpu.memory_space<vmem>>, vector<16xi32>,
    %add3A_494 = arith.addi %add3A_491, %get3A_493 : vector<16xi32>
    %get3A_495 = arith.constant 96 : index
    %get3A_496 = tpu.vector_load %arg6[%get3A_495] {strides = array<i32>} : memref<256xi32, #tpu.memory_space<vmem>>, vector<16xi32>,
    %add3A_497 = arith.addi %add3A_494, %get3A_496 : vector<16xi32>
    %get3A_498 = arith.constant 112 : index
    %get3A_499 = tpu.vector_load %arg6[%get3A_498] {strides = array<i32>} : memref<256xi32, #tpu.memory_space<vmem>>, vector<16xi32>,
    %add3A_500 = arith.addi %add3A_497, %get3A_499 : vector<16xi32>
    %get3A_501 = arith.constant 128 : index
    %get3A_502 = tpu.vector_load %arg6[%get3A_501] {strides = array<i32>} : memref<256xi32, #tpu.memory_space<vmem>>, vector<16xi32>,
    %add3A_503 = arith.addi %add3A_500, %get3A_502 : vector<16xi32>
    %get3A_504 = arith.constant 144 : index
    %get3A_505 = tpu.vector_load %arg6[%get3A_504] {strides = array<i32>} : memref<256xi32, #tpu.memory_space<vmem>>, vector<16xi32>,
    %add3A_506 = arith.addi %add3A_503, %get3A_505 : vector<16xi32>
    %get3A_507 = arith.constant 160 : index
    %get3A_508 = tpu.vector_load %arg6[%get3A_507] {strides = array<i32>} : memref<256xi32, #tpu.memory_space<vmem>>, vector<16xi32>,
    %add3A_509 = arith.addi %add3A_506, %get3A_508 : vector<16xi32>
    %get3A_510 = arith.constant 176 : index
    %get3A_511 = tpu.vector_load %arg6[%get3A_510] {strides = array<i32>} : memref<256xi32, #tpu.memory_space<vmem>>, vector<16xi32>,
    %add3A_512 = arith.addi %add3A_509, %get3A_511 : vector<16xi32>
    %get3A_513 = arith.constant 192 : index
    %get3A_514 = tpu.vector_load %arg6[%get3A_513] {strides = array<i32>} : memref<256xi32, #tpu.memory_space<vmem>>, vector<16xi32>,
    %add3A_515 = arith.addi %add3A_512, %get3A_514 : vector<16xi32>
    %get3A_516 = arith.constant 208 : index
    %get3A_517 = tpu.vector_load %arg6[%get3A_516] {strides = array<i32>} : memref<256xi32, #tpu.memory_space<vmem>>, vector<16xi32>,
    %add3A_518 = arith.addi %add3A_515, %get3A_517 : vector<16xi32>
    %get3A_519 = arith.constant 224 : index
    %get3A_520 = tpu.vector_load %arg6[%get3A_519] {strides = array<i32>} : memref<256xi32, #tpu.memory_space<vmem>>, vector<16xi32>,
    %add3A_521 = arith.addi %add3A_518, %get3A_520 : vector<16xi32>
    %get3A_522 = arith.constant 240 : index
    %get3A_523 = tpu.vector_load %arg6[%get3A_522] {strides = array<i32>} : memref<256xi32, #tpu.memory_space<vmem>>, vector<16xi32>,
    %add3A_524 = arith.addi %add3A_521, %get3A_523 : vector<16xi32>
    %rev3A_525 = arith.constant 15 : i32
    %rev3A_526 = vector.broadcast %rev3A_525 : i32 to vector<16xi32>
    %rev3A_527 = tpu.iota {dimensions = array<i32: 0>} : vector<16xi32>
    %rev3A_528 = arith.subi %rev3A_526, %rev3A_527 : vector<16xi32>
    %rev3A_529 = tpu.dynamic_gather %add3A_524[%rev3A_528] in [0] : vector<16xi32>, vector<16xi32> -> vector<16xi32>
    %broadcast_in_dim3A_530 = arith.constant true
    %broadcast_in_dim3A_531 = vector.broadcast %broadcast_in_dim3A_530 : i1 to vector<16xi1>
    %masked_cumsum3A_532 = tpu.scan <sum>, %rev3A_529 masked %broadcast_in_dim3A_531 : vector<16xi32>, vector<16xi1> -> vector<16xi32>
    %sub3A_533 = arith.subi %masked_cumsum3A_532, %rev3A_529 : vector<16xi32>
    %ge3A_534 = arith.cmpi sge, %masked_cumsum3A_532, %sub3A_434 : vector<16xi32>
    %all_reduce_population_count3A_535 = tpu.all_reduce %ge3A_534 {dim = 0 : i64, kind = #tpu.reduction_kind<sum>} : vector<16xi1> -> vector<16xi32>
    %sub3A_536 = arith.constant 1 : i32
    %sub3A_537 = vector.broadcast %sub3A_536 : i32 to vector<16xi32>
    %sub3A_538 = arith.subi %all_reduce_population_count3A_535, %sub3A_537 : vector<16xi32>
    %sub3A_539 = arith.constant 15 : i32
    %sub3A_540 = vector.broadcast %sub3A_539 : i32 to vector<16xi32>
    %sub3A_541 = arith.subi %sub3A_540, %sub3A_538 : vector<16xi32>
    %broadcast_in_dim3A_542 = vector.shape_cast %sub3A_541 : vector<16xi32> to vector<16x1xi32>
    %gather3A_543 = vector.shape_cast %broadcast_in_dim3A_542 : vector<16x1xi32> to vector<16xi32>
    %gather3A_544 = tpu.dynamic_gather %sub3A_533[%gather3A_543] in [0] : vector<16xi32>, vector<16xi32> -> vector<16xi32>
    %sub3A_545 = arith.subi %sub3A_434, %gather3A_544 : vector<16xi32>
    %shift_left3A_546 = arith.constant 12 : i32
    %shift_left3A_547 = vector.broadcast %shift_left3A_546 : i32 to vector<16xi32>
    %shift_left3A_548 = arith.shli %sub3A_538, %shift_left3A_547 : vector<16xi32>
    %or3A_549 = arith.ori %or3A_438, %shift_left3A_548 : vector<16xi32>
    %swap3A_550 = arith.constant 0 : index
    %swap3A_551 = tpu.vector_load %arg6[%swap3A_550] {strides = array<i32>} : memref<256xi32, #tpu.memory_space<vmem>>, vector<16xi32>,
    tpu.vector_store %arg6[%swap3A_550], %broadcast_in_dim3A_3 {strides = array<i32>} : memref<256xi32, #tpu.memory_space<vmem>>, vector<16xi32>,
    %swap3A_552 = arith.constant 16 : index
    %swap3A_553 = tpu.vector_load %arg6[%swap3A_552] {strides = array<i32>} : memref<256xi32, #tpu.memory_space<vmem>>, vector<16xi32>,
    tpu.vector_store %arg6[%swap3A_552], %broadcast_in_dim3A_3 {strides = array<i32>} : memref<256xi32, #tpu.memory_space<vmem>>, vector<16xi32>,
    %swap3A_554 = arith.constant 32 : index
    %swap3A_555 = tpu.vector_load %arg6[%swap3A_554] {strides = array<i32>} : memref<256xi32, #tpu.memory_space<vmem>>, vector<16xi32>,
    tpu.vector_store %arg6[%swap3A_554], %broadcast_in_dim3A_3 {strides = array<i32>} : memref<256xi32, #tpu.memory_space<vmem>>, vector<16xi32>,
    %swap3A_556 = arith.constant 48 : index
    %swap3A_557 = tpu.vector_load %arg6[%swap3A_556] {strides = array<i32>} : memref<256xi32, #tpu.memory_space<vmem>>, vector<16xi32>,
    tpu.vector_store %arg6[%swap3A_556], %broadcast_in_dim3A_3 {strides = array<i32>} : memref<256xi32, #tpu.memory_space<vmem>>, vector<16xi32>,
    %swap3A_558 = arith.constant 64 : index
    %swap3A_559 = tpu.vector_load %arg6[%swap3A_558] {strides = array<i32>} : memref<256xi32, #tpu.memory_space<vmem>>, vector<16xi32>,
    tpu.vector_store %arg6[%swap3A_558], %broadcast_in_dim3A_3 {strides = array<i32>} : memref<256xi32, #tpu.memory_space<vmem>>, vector<16xi32>,
    %swap3A_560 = arith.constant 80 : index
    %swap3A_561 = tpu.vector_load %arg6[%swap3A_560] {strides = array<i32>} : memref<256xi32, #tpu.memory_space<vmem>>, vector<16xi32>,
    tpu.vector_store %arg6[%swap3A_560], %broadcast_in_dim3A_3 {strides = array<i32>} : memref<256xi32, #tpu.memory_space<vmem>>, vector<16xi32>,
    %swap3A_562 = arith.constant 96 : index
    %swap3A_563 = tpu.vector_load %arg6[%swap3A_562] {strides = array<i32>} : memref<256xi32, #tpu.memory_space<vmem>>, vector<16xi32>,
    tpu.vector_store %arg6[%swap3A_562], %broadcast_in_dim3A_3 {strides = array<i32>} : memref<256xi32, #tpu.memory_space<vmem>>, vector<16xi32>,
    %swap3A_564 = arith.constant 112 : index
    %swap3A_565 = tpu.vector_load %arg6[%swap3A_564] {strides = array<i32>} : memref<256xi32, #tpu.memory_space<vmem>>, vector<16xi32>,
    tpu.vector_store %arg6[%swap3A_564], %broadcast_in_dim3A_3 {strides = array<i32>} : memref<256xi32, #tpu.memory_space<vmem>>, vector<16xi32>,
    %swap3A_566 = arith.constant 128 : index
    %swap3A_567 = tpu.vector_load %arg6[%swap3A_566] {strides = array<i32>} : memref<256xi32, #tpu.memory_space<vmem>>, vector<16xi32>,
    tpu.vector_store %arg6[%swap3A_566], %broadcast_in_dim3A_3 {strides = array<i32>} : memref<256xi32, #tpu.memory_space<vmem>>, vector<16xi32>,
    %swap3A_568 = arith.constant 144 : index
    %swap3A_569 = tpu.vector_load %arg6[%swap3A_568] {strides = array<i32>} : memref<256xi32, #tpu.memory_space<vmem>>, vector<16xi32>,
    tpu.vector_store %arg6[%swap3A_568], %broadcast_in_dim3A_3 {strides = array<i32>} : memref<256xi32, #tpu.memory_space<vmem>>, vector<16xi32>,
    %swap3A_570 = arith.constant 160 : index
    %swap3A_571 = tpu.vector_load %arg6[%swap3A_570] {strides = array<i32>} : memref<256xi32, #tpu.memory_space<vmem>>, vector<16xi32>,
    tpu.vector_store %arg6[%swap3A_570], %broadcast_in_dim3A_3 {strides = array<i32>} : memref<256xi32, #tpu.memory_space<vmem>>, vector<16xi32>,
    %swap3A_572 = arith.constant 176 : index
    %swap3A_573 = tpu.vector_load %arg6[%swap3A_572] {strides = array<i32>} : memref<256xi32, #tpu.memory_space<vmem>>, vector<16xi32>,
    tpu.vector_store %arg6[%swap3A_572], %broadcast_in_dim3A_3 {strides = array<i32>} : memref<256xi32, #tpu.memory_space<vmem>>, vector<16xi32>,
    %swap3A_574 = arith.constant 192 : index
    %swap3A_575 = tpu.vector_load %arg6[%swap3A_574] {strides = array<i32>} : memref<256xi32, #tpu.memory_space<vmem>>, vector<16xi32>,
    tpu.vector_store %arg6[%swap3A_574], %broadcast_in_dim3A_3 {strides = array<i32>} : memref<256xi32, #tpu.memory_space<vmem>>, vector<16xi32>,
    %swap3A_576 = arith.constant 208 : index
    %swap3A_577 = tpu.vector_load %arg6[%swap3A_576] {strides = array<i32>} : memref<256xi32, #tpu.memory_space<vmem>>, vector<16xi32>,
    tpu.vector_store %arg6[%swap3A_576], %broadcast_in_dim3A_3 {strides = array<i32>} : memref<256xi32, #tpu.memory_space<vmem>>, vector<16xi32>,
    %swap3A_578 = arith.constant 224 : index
    %swap3A_579 = tpu.vector_load %arg6[%swap3A_578] {strides = array<i32>} : memref<256xi32, #tpu.memory_space<vmem>>, vector<16xi32>,
    tpu.vector_store %arg6[%swap3A_578], %broadcast_in_dim3A_3 {strides = array<i32>} : memref<256xi32, #tpu.memory_space<vmem>>, vector<16xi32>,
    %swap3A_580 = arith.constant 240 : index
    %swap3A_581 = tpu.vector_load %arg6[%swap3A_580] {strides = array<i32>} : memref<256xi32, #tpu.memory_space<vmem>>, vector<16xi32>,
    tpu.vector_store %arg6[%swap3A_580], %broadcast_in_dim3A_3 {strides = array<i32>} : memref<256xi32, #tpu.memory_space<vmem>>, vector<16xi32>,
    %scan3A_582 = arith.constant 0 : i32
    %scan3A_583 = arith.constant 0 : i32
    %scan3A_584 = arith.constant 64 : i32
    %scan3A_585 = arith.addi %scan3A_583, %scan3A_584 : i32
    %scan3A_586 = arith.constant 1 : i32
    scf.for %scan3A_889 = %scan3A_583 to %scan3A_585 step %scan3A_586  : i32 {
      %mul3A_890 = arith.constant 4 : i32
      %mul3A_891 = arith.muli %scan3A_889, %mul3A_890 : i32
      %add3A_892 = arith.constant 0 : i32
      %add3A_893 = arith.addi %mul3A_891, %add3A_892 : i32
      %mul3A_894 = arith.constant 16 : i32
      %mul3A_895 = arith.muli %add3A_893, %mul3A_894 : i32
      %get3A_896 = arith.index_cast %mul3A_895 : i32 to index
      %get3A_897 = tpu.vector_load %arg5[%get3A_896] {strides = array<i32>} : memref<4096xf32, #tpu.memory_space<vmem>>, vector<16xf32>,
      %bitcast3A = vector.bitcast %get3A_897 : vector<16xf32> to vector<16xi32>
      %shift_right_logical3A = arith.constant 8 : i32
      %shift_right_logical3A_898 = vector.broadcast %shift_right_logical3A : i32 to vector<16xi32>
      %shift_right_logical3A_899 = arith.shrui %bitcast3A, %shift_right_logical3A_898 : vector<16xi32>
      %and3A = arith.constant 15 : i32
      %and3A_900 = vector.broadcast %and3A : i32 to vector<16xi32>
      %and3A_901 = arith.andi %shift_right_logical3A_899, %and3A_900 : vector<16xi32>
      %mul3A_902 = arith.constant 16 : i32
      %mul3A_903 = vector.broadcast %mul3A_902 : i32 to vector<16xi32>
      %mul3A_904 = arith.muli %iota3A, %mul3A_903 : vector<16xi32>
      %add3A_905 = arith.addi %mul3A_904, %and3A_901 : vector<16xi32>
      %shift_right_logical3A_906 = arith.constant 12 : i32
      %shift_right_logical3A_907 = vector.broadcast %shift_right_logical3A_906 : i32 to vector<16xi32>
      %shift_right_logical3A_908 = arith.shrui %bitcast3A, %shift_right_logical3A_907 : vector<16xi32>
      %shift_right_logical3A_909 = arith.constant 12 : i32
      %shift_right_logical3A_910 = vector.broadcast %shift_right_logical3A_909 : i32 to vector<16xi32>
      %shift_right_logical3A_911 = arith.shrui %or3A_549, %shift_right_logical3A_910 : vector<16xi32>
      %eq3A = arith.cmpi eq, %shift_right_logical3A_908, %shift_right_logical3A_911 : vector<16xi32>
      tpu.vector_store_idx %arg6[%add3A_905], %broadcast_in_dim3A_1 masked %eq3A {add = true} : memref<256xi32, #tpu.memory_space<vmem>>[vector<16xi32>], vector<16xi32>, vector<16xi1>
      %mul3A_912 = arith.constant 4 : i32
      %mul3A_913 = arith.muli %scan3A_889, %mul3A_912 : i32
      %add3A_914 = arith.constant 1 : i32
      %add3A_915 = arith.addi %mul3A_913, %add3A_914 : i32
      %mul3A_916 = arith.constant 16 : i32
      %mul3A_917 = arith.muli %add3A_915, %mul3A_916 : i32
      %get3A_918 = arith.index_cast %mul3A_917 : i32 to index
      %get3A_919 = tpu.vector_load %arg5[%get3A_918] {strides = array<i32>} : memref<4096xf32, #tpu.memory_space<vmem>>, vector<16xf32>,
      %bitcast3A_920 = vector.bitcast %get3A_919 : vector<16xf32> to vector<16xi32>
      %shift_right_logical3A_921 = arith.constant 8 : i32
      %shift_right_logical3A_922 = vector.broadcast %shift_right_logical3A_921 : i32 to vector<16xi32>
      %shift_right_logical3A_923 = arith.shrui %bitcast3A_920, %shift_right_logical3A_922 : vector<16xi32>
      %and3A_924 = arith.constant 15 : i32
      %and3A_925 = vector.broadcast %and3A_924 : i32 to vector<16xi32>
      %and3A_926 = arith.andi %shift_right_logical3A_923, %and3A_925 : vector<16xi32>
      %mul3A_927 = arith.constant 16 : i32
      %mul3A_928 = vector.broadcast %mul3A_927 : i32 to vector<16xi32>
      %mul3A_929 = arith.muli %iota3A, %mul3A_928 : vector<16xi32>
      %add3A_930 = arith.addi %mul3A_929, %and3A_926 : vector<16xi32>
      %shift_right_logical3A_931 = arith.constant 12 : i32
      %shift_right_logical3A_932 = vector.broadcast %shift_right_logical3A_931 : i32 to vector<16xi32>
      %shift_right_logical3A_933 = arith.shrui %bitcast3A_920, %shift_right_logical3A_932 : vector<16xi32>
      %shift_right_logical3A_934 = arith.constant 12 : i32
      %shift_right_logical3A_935 = vector.broadcast %shift_right_logical3A_934 : i32 to vector<16xi32>
      %shift_right_logical3A_936 = arith.shrui %or3A_549, %shift_right_logical3A_935 : vector<16xi32>
      %eq3A_937 = arith.cmpi eq, %shift_right_logical3A_933, %shift_right_logical3A_936 : vector<16xi32>
      tpu.vector_store_idx %arg6[%add3A_930], %broadcast_in_dim3A_1 masked %eq3A_937 {add = true} : memref<256xi32, #tpu.memory_space<vmem>>[vector<16xi32>], vector<16xi32>, vector<16xi1>
      %mul3A_938 = arith.constant 4 : i32
      %mul3A_939 = arith.muli %scan3A_889, %mul3A_938 : i32
      %add3A_940 = arith.constant 2 : i32
      %add3A_941 = arith.addi %mul3A_939, %add3A_940 : i32
      %mul3A_942 = arith.constant 16 : i32
      %mul3A_943 = arith.muli %add3A_941, %mul3A_942 : i32
      %get3A_944 = arith.index_cast %mul3A_943 : i32 to index
      %get3A_945 = tpu.vector_load %arg5[%get3A_944] {strides = array<i32>} : memref<4096xf32, #tpu.memory_space<vmem>>, vector<16xf32>,
      %bitcast3A_946 = vector.bitcast %get3A_945 : vector<16xf32> to vector<16xi32>
      %shift_right_logical3A_947 = arith.constant 8 : i32
      %shift_right_logical3A_948 = vector.broadcast %shift_right_logical3A_947 : i32 to vector<16xi32>
      %shift_right_logical3A_949 = arith.shrui %bitcast3A_946, %shift_right_logical3A_948 : vector<16xi32>
      %and3A_950 = arith.constant 15 : i32
      %and3A_951 = vector.broadcast %and3A_950 : i32 to vector<16xi32>
      %and3A_952 = arith.andi %shift_right_logical3A_949, %and3A_951 : vector<16xi32>
      %mul3A_953 = arith.constant 16 : i32
      %mul3A_954 = vector.broadcast %mul3A_953 : i32 to vector<16xi32>
      %mul3A_955 = arith.muli %iota3A, %mul3A_954 : vector<16xi32>
      %add3A_956 = arith.addi %mul3A_955, %and3A_952 : vector<16xi32>
      %shift_right_logical3A_957 = arith.constant 12 : i32
      %shift_right_logical3A_958 = vector.broadcast %shift_right_logical3A_957 : i32 to vector<16xi32>
      %shift_right_logical3A_959 = arith.shrui %bitcast3A_946, %shift_right_logical3A_958 : vector<16xi32>
      %shift_right_logical3A_960 = arith.constant 12 : i32
      %shift_right_logical3A_961 = vector.broadcast %shift_right_logical3A_960 : i32 to vector<16xi32>
      %shift_right_logical3A_962 = arith.shrui %or3A_549, %shift_right_logical3A_961 : vector<16xi32>
      %eq3A_963 = arith.cmpi eq, %shift_right_logical3A_959, %shift_right_logical3A_962 : vector<16xi32>
      tpu.vector_store_idx %arg6[%add3A_956], %broadcast_in_dim3A_1 masked %eq3A_963 {add = true} : memref<256xi32, #tpu.memory_space<vmem>>[vector<16xi32>], vector<16xi32>, vector<16xi1>
      %mul3A_964 = arith.constant 4 : i32
      %mul3A_965 = arith.muli %scan3A_889, %mul3A_964 : i32
      %add3A_966 = arith.constant 3 : i32
      %add3A_967 = arith.addi %mul3A_965, %add3A_966 : i32
      %mul3A_968 = arith.constant 16 : i32
      %mul3A_969 = arith.muli %add3A_967, %mul3A_968 : i32
      %get3A_970 = arith.index_cast %mul3A_969 : i32 to index
      %get3A_971 = tpu.vector_load %arg5[%get3A_970] {strides = array<i32>} : memref<4096xf32, #tpu.memory_space<vmem>>, vector<16xf32>,
      %bitcast3A_972 = vector.bitcast %get3A_971 : vector<16xf32> to vector<16xi32>
      %shift_right_logical3A_973 = arith.constant 8 : i32
      %shift_right_logical3A_974 = vector.broadcast %shift_right_logical3A_973 : i32 to vector<16xi32>
      %shift_right_logical3A_975 = arith.shrui %bitcast3A_972, %shift_right_logical3A_974 : vector<16xi32>
      %and3A_976 = arith.constant 15 : i32
      %and3A_977 = vector.broadcast %and3A_976 : i32 to vector<16xi32>
      %and3A_978 = arith.andi %shift_right_logical3A_975, %and3A_977 : vector<16xi32>
      %mul3A_979 = arith.constant 16 : i32
      %mul3A_980 = vector.broadcast %mul3A_979 : i32 to vector<16xi32>
      %mul3A_981 = arith.muli %iota3A, %mul3A_980 : vector<16xi32>
      %add3A_982 = arith.addi %mul3A_981, %and3A_978 : vector<16xi32>
      %shift_right_logical3A_983 = arith.constant 12 : i32
      %shift_right_logical3A_984 = vector.broadcast %shift_right_logical3A_983 : i32 to vector<16xi32>
      %shift_right_logical3A_985 = arith.shrui %bitcast3A_972, %shift_right_logical3A_984 : vector<16xi32>
      %shift_right_logical3A_986 = arith.constant 12 : i32
      %shift_right_logical3A_987 = vector.broadcast %shift_right_logical3A_986 : i32 to vector<16xi32>
      %shift_right_logical3A_988 = arith.shrui %or3A_549, %shift_right_logical3A_987 : vector<16xi32>
      %eq3A_989 = arith.cmpi eq, %shift_right_logical3A_985, %shift_right_logical3A_988 : vector<16xi32>
      tpu.vector_store_idx %arg6[%add3A_982], %broadcast_in_dim3A_1 masked %eq3A_989 {add = true} : memref<256xi32, #tpu.memory_space<vmem>>[vector<16xi32>], vector<16xi32>, vector<16xi1>
    }
    %scan3A_587 = arith.constant 64 : i32
    %get3A_588 = arith.constant 0 : index
    %get3A_589 = tpu.vector_load %arg6[%get3A_588] {strides = array<i32>} : memref<256xi32, #tpu.memory_space<vmem>>, vector<16xi32>,
    %add3A_590 = arith.addi %broadcast_in_dim3A_3, %get3A_589 : vector<16xi32>
    %get3A_591 = arith.constant 16 : index
    %get3A_592 = tpu.vector_load %arg6[%get3A_591] {strides = array<i32>} : memref<256xi32, #tpu.memory_space<vmem>>, vector<16xi32>,
    %add3A_593 = arith.addi %add3A_590, %get3A_592 : vector<16xi32>
    %get3A_594 = arith.constant 32 : index
    %get3A_595 = tpu.vector_load %arg6[%get3A_594] {strides = array<i32>} : memref<256xi32, #tpu.memory_space<vmem>>, vector<16xi32>,
    %add3A_596 = arith.addi %add3A_593, %get3A_595 : vector<16xi32>
    %get3A_597 = arith.constant 48 : index
    %get3A_598 = tpu.vector_load %arg6[%get3A_597] {strides = array<i32>} : memref<256xi32, #tpu.memory_space<vmem>>, vector<16xi32>,
    %add3A_599 = arith.addi %add3A_596, %get3A_598 : vector<16xi32>
    %get3A_600 = arith.constant 64 : index
    %get3A_601 = tpu.vector_load %arg6[%get3A_600] {strides = array<i32>} : memref<256xi32, #tpu.memory_space<vmem>>, vector<16xi32>,
    %add3A_602 = arith.addi %add3A_599, %get3A_601 : vector<16xi32>
    %get3A_603 = arith.constant 80 : index
    %get3A_604 = tpu.vector_load %arg6[%get3A_603] {strides = array<i32>} : memref<256xi32, #tpu.memory_space<vmem>>, vector<16xi32>,
    %add3A_605 = arith.addi %add3A_602, %get3A_604 : vector<16xi32>
    %get3A_606 = arith.constant 96 : index
    %get3A_607 = tpu.vector_load %arg6[%get3A_606] {strides = array<i32>} : memref<256xi32, #tpu.memory_space<vmem>>, vector<16xi32>,
    %add3A_608 = arith.addi %add3A_605, %get3A_607 : vector<16xi32>
    %get3A_609 = arith.constant 112 : index
    %get3A_610 = tpu.vector_load %arg6[%get3A_609] {strides = array<i32>} : memref<256xi32, #tpu.memory_space<vmem>>, vector<16xi32>,
    %add3A_611 = arith.addi %add3A_608, %get3A_610 : vector<16xi32>
    %get3A_612 = arith.constant 128 : index
    %get3A_613 = tpu.vector_load %arg6[%get3A_612] {strides = array<i32>} : memref<256xi32, #tpu.memory_space<vmem>>, vector<16xi32>,
    %add3A_614 = arith.addi %add3A_611, %get3A_613 : vector<16xi32>
    %get3A_615 = arith.constant 144 : index
    %get3A_616 = tpu.vector_load %arg6[%get3A_615] {strides = array<i32>} : memref<256xi32, #tpu.memory_space<vmem>>, vector<16xi32>,
    %add3A_617 = arith.addi %add3A_614, %get3A_616 : vector<16xi32>
    %get3A_618 = arith.constant 160 : index
    %get3A_619 = tpu.vector_load %arg6[%get3A_618] {strides = array<i32>} : memref<256xi32, #tpu.memory_space<vmem>>, vector<16xi32>,
    %add3A_620 = arith.addi %add3A_617, %get3A_619 : vector<16xi32>
    %get3A_621 = arith.constant 176 : index
    %get3A_622 = tpu.vector_load %arg6[%get3A_621] {strides = array<i32>} : memref<256xi32, #tpu.memory_space<vmem>>, vector<16xi32>,
    %add3A_623 = arith.addi %add3A_620, %get3A_622 : vector<16xi32>
    %get3A_624 = arith.constant 192 : index
    %get3A_625 = tpu.vector_load %arg6[%get3A_624] {strides = array<i32>} : memref<256xi32, #tpu.memory_space<vmem>>, vector<16xi32>,
    %add3A_626 = arith.addi %add3A_623, %get3A_625 : vector<16xi32>
    %get3A_627 = arith.constant 208 : index
    %get3A_628 = tpu.vector_load %arg6[%get3A_627] {strides = array<i32>} : memref<256xi32, #tpu.memory_space<vmem>>, vector<16xi32>,
    %add3A_629 = arith.addi %add3A_626, %get3A_628 : vector<16xi32>
    %get3A_630 = arith.constant 224 : index
    %get3A_631 = tpu.vector_load %arg6[%get3A_630] {strides = array<i32>} : memref<256xi32, #tpu.memory_space<vmem>>, vector<16xi32>,
    %add3A_632 = arith.addi %add3A_629, %get3A_631 : vector<16xi32>
    %get3A_633 = arith.constant 240 : index
    %get3A_634 = tpu.vector_load %arg6[%get3A_633] {strides = array<i32>} : memref<256xi32, #tpu.memory_space<vmem>>, vector<16xi32>,
    %add3A_635 = arith.addi %add3A_632, %get3A_634 : vector<16xi32>
    %rev3A_636 = arith.constant 15 : i32
    %rev3A_637 = vector.broadcast %rev3A_636 : i32 to vector<16xi32>
    %rev3A_638 = tpu.iota {dimensions = array<i32: 0>} : vector<16xi32>
    %rev3A_639 = arith.subi %rev3A_637, %rev3A_638 : vector<16xi32>
    %rev3A_640 = tpu.dynamic_gather %add3A_635[%rev3A_639] in [0] : vector<16xi32>, vector<16xi32> -> vector<16xi32>
    %broadcast_in_dim3A_641 = arith.constant true
    %broadcast_in_dim3A_642 = vector.broadcast %broadcast_in_dim3A_641 : i1 to vector<16xi1>
    %masked_cumsum3A_643 = tpu.scan <sum>, %rev3A_640 masked %broadcast_in_dim3A_642 : vector<16xi32>, vector<16xi1> -> vector<16xi32>
    %sub3A_644 = arith.subi %masked_cumsum3A_643, %rev3A_640 : vector<16xi32>
    %ge3A_645 = arith.cmpi sge, %masked_cumsum3A_643, %sub3A_545 : vector<16xi32>
    %all_reduce_population_count3A_646 = tpu.all_reduce %ge3A_645 {dim = 0 : i64, kind = #tpu.reduction_kind<sum>} : vector<16xi1> -> vector<16xi32>
    %sub3A_647 = arith.constant 1 : i32
    %sub3A_648 = vector.broadcast %sub3A_647 : i32 to vector<16xi32>
    %sub3A_649 = arith.subi %all_reduce_population_count3A_646, %sub3A_648 : vector<16xi32>
    %sub3A_650 = arith.constant 15 : i32
    %sub3A_651 = vector.broadcast %sub3A_650 : i32 to vector<16xi32>
    %sub3A_652 = arith.subi %sub3A_651, %sub3A_649 : vector<16xi32>
    %broadcast_in_dim3A_653 = vector.shape_cast %sub3A_652 : vector<16xi32> to vector<16x1xi32>
    %gather3A_654 = vector.shape_cast %broadcast_in_dim3A_653 : vector<16x1xi32> to vector<16xi32>
    %gather3A_655 = tpu.dynamic_gather %sub3A_644[%gather3A_654] in [0] : vector<16xi32>, vector<16xi32> -> vector<16xi32>
    %sub3A_656 = arith.subi %sub3A_545, %gather3A_655 : vector<16xi32>
    %shift_left3A_657 = arith.constant 8 : i32
    %shift_left3A_658 = vector.broadcast %shift_left3A_657 : i32 to vector<16xi32>
    %shift_left3A_659 = arith.shli %sub3A_649, %shift_left3A_658 : vector<16xi32>
    %or3A_660 = arith.ori %or3A_549, %shift_left3A_659 : vector<16xi32>
    %swap3A_661 = arith.constant 0 : index
    %swap3A_662 = tpu.vector_load %arg6[%swap3A_661] {strides = array<i32>} : memref<256xi32, #tpu.memory_space<vmem>>, vector<16xi32>,
    tpu.vector_store %arg6[%swap3A_661], %broadcast_in_dim3A_3 {strides = array<i32>} : memref<256xi32, #tpu.memory_space<vmem>>, vector<16xi32>,
    %swap3A_663 = arith.constant 16 : index
    %swap3A_664 = tpu.vector_load %arg6[%swap3A_663] {strides = array<i32>} : memref<256xi32, #tpu.memory_space<vmem>>, vector<16xi32>,
    tpu.vector_store %arg6[%swap3A_663], %broadcast_in_dim3A_3 {strides = array<i32>} : memref<256xi32, #tpu.memory_space<vmem>>, vector<16xi32>,
    %swap3A_665 = arith.constant 32 : index
    %swap3A_666 = tpu.vector_load %arg6[%swap3A_665] {strides = array<i32>} : memref<256xi32, #tpu.memory_space<vmem>>, vector<16xi32>,
    tpu.vector_store %arg6[%swap3A_665], %broadcast_in_dim3A_3 {strides = array<i32>} : memref<256xi32, #tpu.memory_space<vmem>>, vector<16xi32>,
    %swap3A_667 = arith.constant 48 : index
    %swap3A_668 = tpu.vector_load %arg6[%swap3A_667] {strides = array<i32>} : memref<256xi32, #tpu.memory_space<vmem>>, vector<16xi32>,
    tpu.vector_store %arg6[%swap3A_667], %broadcast_in_dim3A_3 {strides = array<i32>} : memref<256xi32, #tpu.memory_space<vmem>>, vector<16xi32>,
    %swap3A_669 = arith.constant 64 : index
    %swap3A_670 = tpu.vector_load %arg6[%swap3A_669] {strides = array<i32>} : memref<256xi32, #tpu.memory_space<vmem>>, vector<16xi32>,
    tpu.vector_store %arg6[%swap3A_669], %broadcast_in_dim3A_3 {strides = array<i32>} : memref<256xi32, #tpu.memory_space<vmem>>, vector<16xi32>,
    %swap3A_671 = arith.constant 80 : index
    %swap3A_672 = tpu.vector_load %arg6[%swap3A_671] {strides = array<i32>} : memref<256xi32, #tpu.memory_space<vmem>>, vector<16xi32>,
    tpu.vector_store %arg6[%swap3A_671], %broadcast_in_dim3A_3 {strides = array<i32>} : memref<256xi32, #tpu.memory_space<vmem>>, vector<16xi32>,
    %swap3A_673 = arith.constant 96 : index
    %swap3A_674 = tpu.vector_load %arg6[%swap3A_673] {strides = array<i32>} : memref<256xi32, #tpu.memory_space<vmem>>, vector<16xi32>,
    tpu.vector_store %arg6[%swap3A_673], %broadcast_in_dim3A_3 {strides = array<i32>} : memref<256xi32, #tpu.memory_space<vmem>>, vector<16xi32>,
    %swap3A_675 = arith.constant 112 : index
    %swap3A_676 = tpu.vector_load %arg6[%swap3A_675] {strides = array<i32>} : memref<256xi32, #tpu.memory_space<vmem>>, vector<16xi32>,
    tpu.vector_store %arg6[%swap3A_675], %broadcast_in_dim3A_3 {strides = array<i32>} : memref<256xi32, #tpu.memory_space<vmem>>, vector<16xi32>,
    %swap3A_677 = arith.constant 128 : index
    %swap3A_678 = tpu.vector_load %arg6[%swap3A_677] {strides = array<i32>} : memref<256xi32, #tpu.memory_space<vmem>>, vector<16xi32>,
    tpu.vector_store %arg6[%swap3A_677], %broadcast_in_dim3A_3 {strides = array<i32>} : memref<256xi32, #tpu.memory_space<vmem>>, vector<16xi32>,
    %swap3A_679 = arith.constant 144 : index
    %swap3A_680 = tpu.vector_load %arg6[%swap3A_679] {strides = array<i32>} : memref<256xi32, #tpu.memory_space<vmem>>, vector<16xi32>,
    tpu.vector_store %arg6[%swap3A_679], %broadcast_in_dim3A_3 {strides = array<i32>} : memref<256xi32, #tpu.memory_space<vmem>>, vector<16xi32>,
    %swap3A_681 = arith.constant 160 : index
    %swap3A_682 = tpu.vector_load %arg6[%swap3A_681] {strides = array<i32>} : memref<256xi32, #tpu.memory_space<vmem>>, vector<16xi32>,
    tpu.vector_store %arg6[%swap3A_681], %broadcast_in_dim3A_3 {strides = array<i32>} : memref<256xi32, #tpu.memory_space<vmem>>, vector<16xi32>,
    %swap3A_683 = arith.constant 176 : index
    %swap3A_684 = tpu.vector_load %arg6[%swap3A_683] {strides = array<i32>} : memref<256xi32, #tpu.memory_space<vmem>>, vector<16xi32>,
    tpu.vector_store %arg6[%swap3A_683], %broadcast_in_dim3A_3 {strides = array<i32>} : memref<256xi32, #tpu.memory_space<vmem>>, vector<16xi32>,
    %swap3A_685 = arith.constant 192 : index
    %swap3A_686 = tpu.vector_load %arg6[%swap3A_685] {strides = array<i32>} : memref<256xi32, #tpu.memory_space<vmem>>, vector<16xi32>,
    tpu.vector_store %arg6[%swap3A_685], %broadcast_in_dim3A_3 {strides = array<i32>} : memref<256xi32, #tpu.memory_space<vmem>>, vector<16xi32>,
    %swap3A_687 = arith.constant 208 : index
    %swap3A_688 = tpu.vector_load %arg6[%swap3A_687] {strides = array<i32>} : memref<256xi32, #tpu.memory_space<vmem>>, vector<16xi32>,
    tpu.vector_store %arg6[%swap3A_687], %broadcast_in_dim3A_3 {strides = array<i32>} : memref<256xi32, #tpu.memory_space<vmem>>, vector<16xi32>,
    %swap3A_689 = arith.constant 224 : index
    %swap3A_690 = tpu.vector_load %arg6[%swap3A_689] {strides = array<i32>} : memref<256xi32, #tpu.memory_space<vmem>>, vector<16xi32>,
    tpu.vector_store %arg6[%swap3A_689], %broadcast_in_dim3A_3 {strides = array<i32>} : memref<256xi32, #tpu.memory_space<vmem>>, vector<16xi32>,
    %swap3A_691 = arith.constant 240 : index
    %swap3A_692 = tpu.vector_load %arg6[%swap3A_691] {strides = array<i32>} : memref<256xi32, #tpu.memory_space<vmem>>, vector<16xi32>,
    tpu.vector_store %arg6[%swap3A_691], %broadcast_in_dim3A_3 {strides = array<i32>} : memref<256xi32, #tpu.memory_space<vmem>>, vector<16xi32>,
    %scan3A_693 = arith.constant 0 : i32
    %scan3A_694 = arith.constant 0 : i32
    %scan3A_695 = arith.constant 64 : i32
    %scan3A_696 = arith.addi %scan3A_694, %scan3A_695 : i32
    %scan3A_697 = arith.constant 1 : i32
    scf.for %scan3A_889 = %scan3A_694 to %scan3A_696 step %scan3A_697  : i32 {
      %mul3A_890 = arith.constant 4 : i32
      %mul3A_891 = arith.muli %scan3A_889, %mul3A_890 : i32
      %add3A_892 = arith.constant 0 : i32
      %add3A_893 = arith.addi %mul3A_891, %add3A_892 : i32
      %mul3A_894 = arith.constant 16 : i32
      %mul3A_895 = arith.muli %add3A_893, %mul3A_894 : i32
      %get3A_896 = arith.index_cast %mul3A_895 : i32 to index
      %get3A_897 = tpu.vector_load %arg5[%get3A_896] {strides = array<i32>} : memref<4096xf32, #tpu.memory_space<vmem>>, vector<16xf32>,
      %bitcast3A = vector.bitcast %get3A_897 : vector<16xf32> to vector<16xi32>
      %shift_right_logical3A = arith.constant 4 : i32
      %shift_right_logical3A_898 = vector.broadcast %shift_right_logical3A : i32 to vector<16xi32>
      %shift_right_logical3A_899 = arith.shrui %bitcast3A, %shift_right_logical3A_898 : vector<16xi32>
      %and3A = arith.constant 15 : i32
      %and3A_900 = vector.broadcast %and3A : i32 to vector<16xi32>
      %and3A_901 = arith.andi %shift_right_logical3A_899, %and3A_900 : vector<16xi32>
      %mul3A_902 = arith.constant 16 : i32
      %mul3A_903 = vector.broadcast %mul3A_902 : i32 to vector<16xi32>
      %mul3A_904 = arith.muli %iota3A, %mul3A_903 : vector<16xi32>
      %add3A_905 = arith.addi %mul3A_904, %and3A_901 : vector<16xi32>
      %shift_right_logical3A_906 = arith.constant 8 : i32
      %shift_right_logical3A_907 = vector.broadcast %shift_right_logical3A_906 : i32 to vector<16xi32>
      %shift_right_logical3A_908 = arith.shrui %bitcast3A, %shift_right_logical3A_907 : vector<16xi32>
      %shift_right_logical3A_909 = arith.constant 8 : i32
      %shift_right_logical3A_910 = vector.broadcast %shift_right_logical3A_909 : i32 to vector<16xi32>
      %shift_right_logical3A_911 = arith.shrui %or3A_660, %shift_right_logical3A_910 : vector<16xi32>
      %eq3A = arith.cmpi eq, %shift_right_logical3A_908, %shift_right_logical3A_911 : vector<16xi32>
      tpu.vector_store_idx %arg6[%add3A_905], %broadcast_in_dim3A_1 masked %eq3A {add = true} : memref<256xi32, #tpu.memory_space<vmem>>[vector<16xi32>], vector<16xi32>, vector<16xi1>
      %mul3A_912 = arith.constant 4 : i32
      %mul3A_913 = arith.muli %scan3A_889, %mul3A_912 : i32
      %add3A_914 = arith.constant 1 : i32
      %add3A_915 = arith.addi %mul3A_913, %add3A_914 : i32
      %mul3A_916 = arith.constant 16 : i32
      %mul3A_917 = arith.muli %add3A_915, %mul3A_916 : i32
      %get3A_918 = arith.index_cast %mul3A_917 : i32 to index
      %get3A_919 = tpu.vector_load %arg5[%get3A_918] {strides = array<i32>} : memref<4096xf32, #tpu.memory_space<vmem>>, vector<16xf32>,
      %bitcast3A_920 = vector.bitcast %get3A_919 : vector<16xf32> to vector<16xi32>
      %shift_right_logical3A_921 = arith.constant 4 : i32
      %shift_right_logical3A_922 = vector.broadcast %shift_right_logical3A_921 : i32 to vector<16xi32>
      %shift_right_logical3A_923 = arith.shrui %bitcast3A_920, %shift_right_logical3A_922 : vector<16xi32>
      %and3A_924 = arith.constant 15 : i32
      %and3A_925 = vector.broadcast %and3A_924 : i32 to vector<16xi32>
      %and3A_926 = arith.andi %shift_right_logical3A_923, %and3A_925 : vector<16xi32>
      %mul3A_927 = arith.constant 16 : i32
      %mul3A_928 = vector.broadcast %mul3A_927 : i32 to vector<16xi32>
      %mul3A_929 = arith.muli %iota3A, %mul3A_928 : vector<16xi32>
      %add3A_930 = arith.addi %mul3A_929, %and3A_926 : vector<16xi32>
      %shift_right_logical3A_931 = arith.constant 8 : i32
      %shift_right_logical3A_932 = vector.broadcast %shift_right_logical3A_931 : i32 to vector<16xi32>
      %shift_right_logical3A_933 = arith.shrui %bitcast3A_920, %shift_right_logical3A_932 : vector<16xi32>
      %shift_right_logical3A_934 = arith.constant 8 : i32
      %shift_right_logical3A_935 = vector.broadcast %shift_right_logical3A_934 : i32 to vector<16xi32>
      %shift_right_logical3A_936 = arith.shrui %or3A_660, %shift_right_logical3A_935 : vector<16xi32>
      %eq3A_937 = arith.cmpi eq, %shift_right_logical3A_933, %shift_right_logical3A_936 : vector<16xi32>
      tpu.vector_store_idx %arg6[%add3A_930], %broadcast_in_dim3A_1 masked %eq3A_937 {add = true} : memref<256xi32, #tpu.memory_space<vmem>>[vector<16xi32>], vector<16xi32>, vector<16xi1>
      %mul3A_938 = arith.constant 4 : i32
      %mul3A_939 = arith.muli %scan3A_889, %mul3A_938 : i32
      %add3A_940 = arith.constant 2 : i32
      %add3A_941 = arith.addi %mul3A_939, %add3A_940 : i32
      %mul3A_942 = arith.constant 16 : i32
      %mul3A_943 = arith.muli %add3A_941, %mul3A_942 : i32
      %get3A_944 = arith.index_cast %mul3A_943 : i32 to index
      %get3A_945 = tpu.vector_load %arg5[%get3A_944] {strides = array<i32>} : memref<4096xf32, #tpu.memory_space<vmem>>, vector<16xf32>,
      %bitcast3A_946 = vector.bitcast %get3A_945 : vector<16xf32> to vector<16xi32>
      %shift_right_logical3A_947 = arith.constant 4 : i32
      %shift_right_logical3A_948 = vector.broadcast %shift_right_logical3A_947 : i32 to vector<16xi32>
      %shift_right_logical3A_949 = arith.shrui %bitcast3A_946, %shift_right_logical3A_948 : vector<16xi32>
      %and3A_950 = arith.constant 15 : i32
      %and3A_951 = vector.broadcast %and3A_950 : i32 to vector<16xi32>
      %and3A_952 = arith.andi %shift_right_logical3A_949, %and3A_951 : vector<16xi32>
      %mul3A_953 = arith.constant 16 : i32
      %mul3A_954 = vector.broadcast %mul3A_953 : i32 to vector<16xi32>
      %mul3A_955 = arith.muli %iota3A, %mul3A_954 : vector<16xi32>
      %add3A_956 = arith.addi %mul3A_955, %and3A_952 : vector<16xi32>
      %shift_right_logical3A_957 = arith.constant 8 : i32
      %shift_right_logical3A_958 = vector.broadcast %shift_right_logical3A_957 : i32 to vector<16xi32>
      %shift_right_logical3A_959 = arith.shrui %bitcast3A_946, %shift_right_logical3A_958 : vector<16xi32>
      %shift_right_logical3A_960 = arith.constant 8 : i32
      %shift_right_logical3A_961 = vector.broadcast %shift_right_logical3A_960 : i32 to vector<16xi32>
      %shift_right_logical3A_962 = arith.shrui %or3A_660, %shift_right_logical3A_961 : vector<16xi32>
      %eq3A_963 = arith.cmpi eq, %shift_right_logical3A_959, %shift_right_logical3A_962 : vector<16xi32>
      tpu.vector_store_idx %arg6[%add3A_956], %broadcast_in_dim3A_1 masked %eq3A_963 {add = true} : memref<256xi32, #tpu.memory_space<vmem>>[vector<16xi32>], vector<16xi32>, vector<16xi1>
      %mul3A_964 = arith.constant 4 : i32
      %mul3A_965 = arith.muli %scan3A_889, %mul3A_964 : i32
      %add3A_966 = arith.constant 3 : i32
      %add3A_967 = arith.addi %mul3A_965, %add3A_966 : i32
      %mul3A_968 = arith.constant 16 : i32
      %mul3A_969 = arith.muli %add3A_967, %mul3A_968 : i32
      %get3A_970 = arith.index_cast %mul3A_969 : i32 to index
      %get3A_971 = tpu.vector_load %arg5[%get3A_970] {strides = array<i32>} : memref<4096xf32, #tpu.memory_space<vmem>>, vector<16xf32>,
      %bitcast3A_972 = vector.bitcast %get3A_971 : vector<16xf32> to vector<16xi32>
      %shift_right_logical3A_973 = arith.constant 4 : i32
      %shift_right_logical3A_974 = vector.broadcast %shift_right_logical3A_973 : i32 to vector<16xi32>
      %shift_right_logical3A_975 = arith.shrui %bitcast3A_972, %shift_right_logical3A_974 : vector<16xi32>
      %and3A_976 = arith.constant 15 : i32
      %and3A_977 = vector.broadcast %and3A_976 : i32 to vector<16xi32>
      %and3A_978 = arith.andi %shift_right_logical3A_975, %and3A_977 : vector<16xi32>
      %mul3A_979 = arith.constant 16 : i32
      %mul3A_980 = vector.broadcast %mul3A_979 : i32 to vector<16xi32>
      %mul3A_981 = arith.muli %iota3A, %mul3A_980 : vector<16xi32>
      %add3A_982 = arith.addi %mul3A_981, %and3A_978 : vector<16xi32>
      %shift_right_logical3A_983 = arith.constant 8 : i32
      %shift_right_logical3A_984 = vector.broadcast %shift_right_logical3A_983 : i32 to vector<16xi32>
      %shift_right_logical3A_985 = arith.shrui %bitcast3A_972, %shift_right_logical3A_984 : vector<16xi32>
      %shift_right_logical3A_986 = arith.constant 8 : i32
      %shift_right_logical3A_987 = vector.broadcast %shift_right_logical3A_986 : i32 to vector<16xi32>
      %shift_right_logical3A_988 = arith.shrui %or3A_660, %shift_right_logical3A_987 : vector<16xi32>
      %eq3A_989 = arith.cmpi eq, %shift_right_logical3A_985, %shift_right_logical3A_988 : vector<16xi32>
      tpu.vector_store_idx %arg6[%add3A_982], %broadcast_in_dim3A_1 masked %eq3A_989 {add = true} : memref<256xi32, #tpu.memory_space<vmem>>[vector<16xi32>], vector<16xi32>, vector<16xi1>
    }
    %scan3A_698 = arith.constant 64 : i32
    %get3A_699 = arith.constant 0 : index
    %get3A_700 = tpu.vector_load %arg6[%get3A_699] {strides = array<i32>} : memref<256xi32, #tpu.memory_space<vmem>>, vector<16xi32>,
    %add3A_701 = arith.addi %broadcast_in_dim3A_3, %get3A_700 : vector<16xi32>
    %get3A_702 = arith.constant 16 : index
    %get3A_703 = tpu.vector_load %arg6[%get3A_702] {strides = array<i32>} : memref<256xi32, #tpu.memory_space<vmem>>, vector<16xi32>,
    %add3A_704 = arith.addi %add3A_701, %get3A_703 : vector<16xi32>
    %get3A_705 = arith.constant 32 : index
    %get3A_706 = tpu.vector_load %arg6[%get3A_705] {strides = array<i32>} : memref<256xi32, #tpu.memory_space<vmem>>, vector<16xi32>,
    %add3A_707 = arith.addi %add3A_704, %get3A_706 : vector<16xi32>
    %get3A_708 = arith.constant 48 : index
    %get3A_709 = tpu.vector_load %arg6[%get3A_708] {strides = array<i32>} : memref<256xi32, #tpu.memory_space<vmem>>, vector<16xi32>,
    %add3A_710 = arith.addi %add3A_707, %get3A_709 : vector<16xi32>
    %get3A_711 = arith.constant 64 : index
    %get3A_712 = tpu.vector_load %arg6[%get3A_711] {strides = array<i32>} : memref<256xi32, #tpu.memory_space<vmem>>, vector<16xi32>,
    %add3A_713 = arith.addi %add3A_710, %get3A_712 : vector<16xi32>
    %get3A_714 = arith.constant 80 : index
    %get3A_715 = tpu.vector_load %arg6[%get3A_714] {strides = array<i32>} : memref<256xi32, #tpu.memory_space<vmem>>, vector<16xi32>,
    %add3A_716 = arith.addi %add3A_713, %get3A_715 : vector<16xi32>
    %get3A_717 = arith.constant 96 : index
    %get3A_718 = tpu.vector_load %arg6[%get3A_717] {strides = array<i32>} : memref<256xi32, #tpu.memory_space<vmem>>, vector<16xi32>,
    %add3A_719 = arith.addi %add3A_716, %get3A_718 : vector<16xi32>
    %get3A_720 = arith.constant 112 : index
    %get3A_721 = tpu.vector_load %arg6[%get3A_720] {strides = array<i32>} : memref<256xi32, #tpu.memory_space<vmem>>, vector<16xi32>,
    %add3A_722 = arith.addi %add3A_719, %get3A_721 : vector<16xi32>
    %get3A_723 = arith.constant 128 : index
    %get3A_724 = tpu.vector_load %arg6[%get3A_723] {strides = array<i32>} : memref<256xi32, #tpu.memory_space<vmem>>, vector<16xi32>,
    %add3A_725 = arith.addi %add3A_722, %get3A_724 : vector<16xi32>
    %get3A_726 = arith.constant 144 : index
    %get3A_727 = tpu.vector_load %arg6[%get3A_726] {strides = array<i32>} : memref<256xi32, #tpu.memory_space<vmem>>, vector<16xi32>,
    %add3A_728 = arith.addi %add3A_725, %get3A_727 : vector<16xi32>
    %get3A_729 = arith.constant 160 : index
    %get3A_730 = tpu.vector_load %arg6[%get3A_729] {strides = array<i32>} : memref<256xi32, #tpu.memory_space<vmem>>, vector<16xi32>,
    %add3A_731 = arith.addi %add3A_728, %get3A_730 : vector<16xi32>
    %get3A_732 = arith.constant 176 : index
    %get3A_733 = tpu.vector_load %arg6[%get3A_732] {strides = array<i32>} : memref<256xi32, #tpu.memory_space<vmem>>, vector<16xi32>,
    %add3A_734 = arith.addi %add3A_731, %get3A_733 : vector<16xi32>
    %get3A_735 = arith.constant 192 : index
    %get3A_736 = tpu.vector_load %arg6[%get3A_735] {strides = array<i32>} : memref<256xi32, #tpu.memory_space<vmem>>, vector<16xi32>,
    %add3A_737 = arith.addi %add3A_734, %get3A_736 : vector<16xi32>
    %get3A_738 = arith.constant 208 : index
    %get3A_739 = tpu.vector_load %arg6[%get3A_738] {strides = array<i32>} : memref<256xi32, #tpu.memory_space<vmem>>, vector<16xi32>,
    %add3A_740 = arith.addi %add3A_737, %get3A_739 : vector<16xi32>
    %get3A_741 = arith.constant 224 : index
    %get3A_742 = tpu.vector_load %arg6[%get3A_741] {strides = array<i32>} : memref<256xi32, #tpu.memory_space<vmem>>, vector<16xi32>,
    %add3A_743 = arith.addi %add3A_740, %get3A_742 : vector<16xi32>
    %get3A_744 = arith.constant 240 : index
    %get3A_745 = tpu.vector_load %arg6[%get3A_744] {strides = array<i32>} : memref<256xi32, #tpu.memory_space<vmem>>, vector<16xi32>,
    %add3A_746 = arith.addi %add3A_743, %get3A_745 : vector<16xi32>
    %rev3A_747 = arith.constant 15 : i32
    %rev3A_748 = vector.broadcast %rev3A_747 : i32 to vector<16xi32>
    %rev3A_749 = tpu.iota {dimensions = array<i32: 0>} : vector<16xi32>
    %rev3A_750 = arith.subi %rev3A_748, %rev3A_749 : vector<16xi32>
    %rev3A_751 = tpu.dynamic_gather %add3A_746[%rev3A_750] in [0] : vector<16xi32>, vector<16xi32> -> vector<16xi32>
    %broadcast_in_dim3A_752 = arith.constant true
    %broadcast_in_dim3A_753 = vector.broadcast %broadcast_in_dim3A_752 : i1 to vector<16xi1>
    %masked_cumsum3A_754 = tpu.scan <sum>, %rev3A_751 masked %broadcast_in_dim3A_753 : vector<16xi32>, vector<16xi1> -> vector<16xi32>
    %sub3A_755 = arith.subi %masked_cumsum3A_754, %rev3A_751 : vector<16xi32>
    %ge3A_756 = arith.cmpi sge, %masked_cumsum3A_754, %sub3A_656 : vector<16xi32>
    %all_reduce_population_count3A_757 = tpu.all_reduce %ge3A_756 {dim = 0 : i64, kind = #tpu.reduction_kind<sum>} : vector<16xi1> -> vector<16xi32>
    %sub3A_758 = arith.constant 1 : i32
    %sub3A_759 = vector.broadcast %sub3A_758 : i32 to vector<16xi32>
    %sub3A_760 = arith.subi %all_reduce_population_count3A_757, %sub3A_759 : vector<16xi32>
    %sub3A_761 = arith.constant 15 : i32
    %sub3A_762 = vector.broadcast %sub3A_761 : i32 to vector<16xi32>
    %sub3A_763 = arith.subi %sub3A_762, %sub3A_760 : vector<16xi32>
    %broadcast_in_dim3A_764 = vector.shape_cast %sub3A_763 : vector<16xi32> to vector<16x1xi32>
    %gather3A_765 = vector.shape_cast %broadcast_in_dim3A_764 : vector<16x1xi32> to vector<16xi32>
    %gather3A_766 = tpu.dynamic_gather %sub3A_755[%gather3A_765] in [0] : vector<16xi32>, vector<16xi32> -> vector<16xi32>
    %sub3A_767 = arith.subi %sub3A_656, %gather3A_766 : vector<16xi32>
    %shift_left3A_768 = arith.constant 4 : i32
    %shift_left3A_769 = vector.broadcast %shift_left3A_768 : i32 to vector<16xi32>
    %shift_left3A_770 = arith.shli %sub3A_760, %shift_left3A_769 : vector<16xi32>
    %or3A_771 = arith.ori %or3A_660, %shift_left3A_770 : vector<16xi32>
    %swap3A_772 = arith.constant 0 : index
    %swap3A_773 = tpu.vector_load %arg6[%swap3A_772] {strides = array<i32>} : memref<256xi32, #tpu.memory_space<vmem>>, vector<16xi32>,
    tpu.vector_store %arg6[%swap3A_772], %broadcast_in_dim3A_3 {strides = array<i32>} : memref<256xi32, #tpu.memory_space<vmem>>, vector<16xi32>,
    %swap3A_774 = arith.constant 16 : index
    %swap3A_775 = tpu.vector_load %arg6[%swap3A_774] {strides = array<i32>} : memref<256xi32, #tpu.memory_space<vmem>>, vector<16xi32>,
    tpu.vector_store %arg6[%swap3A_774], %broadcast_in_dim3A_3 {strides = array<i32>} : memref<256xi32, #tpu.memory_space<vmem>>, vector<16xi32>,
    %swap3A_776 = arith.constant 32 : index
    %swap3A_777 = tpu.vector_load %arg6[%swap3A_776] {strides = array<i32>} : memref<256xi32, #tpu.memory_space<vmem>>, vector<16xi32>,
    tpu.vector_store %arg6[%swap3A_776], %broadcast_in_dim3A_3 {strides = array<i32>} : memref<256xi32, #tpu.memory_space<vmem>>, vector<16xi32>,
    %swap3A_778 = arith.constant 48 : index
    %swap3A_779 = tpu.vector_load %arg6[%swap3A_778] {strides = array<i32>} : memref<256xi32, #tpu.memory_space<vmem>>, vector<16xi32>,
    tpu.vector_store %arg6[%swap3A_778], %broadcast_in_dim3A_3 {strides = array<i32>} : memref<256xi32, #tpu.memory_space<vmem>>, vector<16xi32>,
    %swap3A_780 = arith.constant 64 : index
    %swap3A_781 = tpu.vector_load %arg6[%swap3A_780] {strides = array<i32>} : memref<256xi32, #tpu.memory_space<vmem>>, vector<16xi32>,
    tpu.vector_store %arg6[%swap3A_780], %broadcast_in_dim3A_3 {strides = array<i32>} : memref<256xi32, #tpu.memory_space<vmem>>, vector<16xi32>,
    %swap3A_782 = arith.constant 80 : index
    %swap3A_783 = tpu.vector_load %arg6[%swap3A_782] {strides = array<i32>} : memref<256xi32, #tpu.memory_space<vmem>>, vector<16xi32>,
    tpu.vector_store %arg6[%swap3A_782], %broadcast_in_dim3A_3 {strides = array<i32>} : memref<256xi32, #tpu.memory_space<vmem>>, vector<16xi32>,
    %swap3A_784 = arith.constant 96 : index
    %swap3A_785 = tpu.vector_load %arg6[%swap3A_784] {strides = array<i32>} : memref<256xi32, #tpu.memory_space<vmem>>, vector<16xi32>,
    tpu.vector_store %arg6[%swap3A_784], %broadcast_in_dim3A_3 {strides = array<i32>} : memref<256xi32, #tpu.memory_space<vmem>>, vector<16xi32>,
    %swap3A_786 = arith.constant 112 : index
    %swap3A_787 = tpu.vector_load %arg6[%swap3A_786] {strides = array<i32>} : memref<256xi32, #tpu.memory_space<vmem>>, vector<16xi32>,
    tpu.vector_store %arg6[%swap3A_786], %broadcast_in_dim3A_3 {strides = array<i32>} : memref<256xi32, #tpu.memory_space<vmem>>, vector<16xi32>,
    %swap3A_788 = arith.constant 128 : index
    %swap3A_789 = tpu.vector_load %arg6[%swap3A_788] {strides = array<i32>} : memref<256xi32, #tpu.memory_space<vmem>>, vector<16xi32>,
    tpu.vector_store %arg6[%swap3A_788], %broadcast_in_dim3A_3 {strides = array<i32>} : memref<256xi32, #tpu.memory_space<vmem>>, vector<16xi32>,
    %swap3A_790 = arith.constant 144 : index
    %swap3A_791 = tpu.vector_load %arg6[%swap3A_790] {strides = array<i32>} : memref<256xi32, #tpu.memory_space<vmem>>, vector<16xi32>,
    tpu.vector_store %arg6[%swap3A_790], %broadcast_in_dim3A_3 {strides = array<i32>} : memref<256xi32, #tpu.memory_space<vmem>>, vector<16xi32>,
    %swap3A_792 = arith.constant 160 : index
    %swap3A_793 = tpu.vector_load %arg6[%swap3A_792] {strides = array<i32>} : memref<256xi32, #tpu.memory_space<vmem>>, vector<16xi32>,
    tpu.vector_store %arg6[%swap3A_792], %broadcast_in_dim3A_3 {strides = array<i32>} : memref<256xi32, #tpu.memory_space<vmem>>, vector<16xi32>,
    %swap3A_794 = arith.constant 176 : index
    %swap3A_795 = tpu.vector_load %arg6[%swap3A_794] {strides = array<i32>} : memref<256xi32, #tpu.memory_space<vmem>>, vector<16xi32>,
    tpu.vector_store %arg6[%swap3A_794], %broadcast_in_dim3A_3 {strides = array<i32>} : memref<256xi32, #tpu.memory_space<vmem>>, vector<16xi32>,
    %swap3A_796 = arith.constant 192 : index
    %swap3A_797 = tpu.vector_load %arg6[%swap3A_796] {strides = array<i32>} : memref<256xi32, #tpu.memory_space<vmem>>, vector<16xi32>,
    tpu.vector_store %arg6[%swap3A_796], %broadcast_in_dim3A_3 {strides = array<i32>} : memref<256xi32, #tpu.memory_space<vmem>>, vector<16xi32>,
    %swap3A_798 = arith.constant 208 : index
    %swap3A_799 = tpu.vector_load %arg6[%swap3A_798] {strides = array<i32>} : memref<256xi32, #tpu.memory_space<vmem>>, vector<16xi32>,
    tpu.vector_store %arg6[%swap3A_798], %broadcast_in_dim3A_3 {strides = array<i32>} : memref<256xi32, #tpu.memory_space<vmem>>, vector<16xi32>,
    %swap3A_800 = arith.constant 224 : index
    %swap3A_801 = tpu.vector_load %arg6[%swap3A_800] {strides = array<i32>} : memref<256xi32, #tpu.memory_space<vmem>>, vector<16xi32>,
    tpu.vector_store %arg6[%swap3A_800], %broadcast_in_dim3A_3 {strides = array<i32>} : memref<256xi32, #tpu.memory_space<vmem>>, vector<16xi32>,
    %swap3A_802 = arith.constant 240 : index
    %swap3A_803 = tpu.vector_load %arg6[%swap3A_802] {strides = array<i32>} : memref<256xi32, #tpu.memory_space<vmem>>, vector<16xi32>,
    tpu.vector_store %arg6[%swap3A_802], %broadcast_in_dim3A_3 {strides = array<i32>} : memref<256xi32, #tpu.memory_space<vmem>>, vector<16xi32>,
    %scan3A_804 = arith.constant 0 : i32
    %scan3A_805 = arith.constant 0 : i32
    %scan3A_806 = arith.constant 64 : i32
    %scan3A_807 = arith.addi %scan3A_805, %scan3A_806 : i32
    %scan3A_808 = arith.constant 1 : i32
    scf.for %scan3A_889 = %scan3A_805 to %scan3A_807 step %scan3A_808  : i32 {
      %mul3A_890 = arith.constant 4 : i32
      %mul3A_891 = arith.muli %scan3A_889, %mul3A_890 : i32
      %add3A_892 = arith.constant 0 : i32
      %add3A_893 = arith.addi %mul3A_891, %add3A_892 : i32
      %mul3A_894 = arith.constant 16 : i32
      %mul3A_895 = arith.muli %add3A_893, %mul3A_894 : i32
      %get3A_896 = arith.index_cast %mul3A_895 : i32 to index
      %get3A_897 = tpu.vector_load %arg5[%get3A_896] {strides = array<i32>} : memref<4096xf32, #tpu.memory_space<vmem>>, vector<16xf32>,
      %bitcast3A = vector.bitcast %get3A_897 : vector<16xf32> to vector<16xi32>
      %shift_right_logical3A = arith.constant 0 : i32
      %shift_right_logical3A_898 = vector.broadcast %shift_right_logical3A : i32 to vector<16xi32>
      %shift_right_logical3A_899 = arith.shrui %bitcast3A, %shift_right_logical3A_898 : vector<16xi32>
      %and3A = arith.constant 15 : i32
      %and3A_900 = vector.broadcast %and3A : i32 to vector<16xi32>
      %and3A_901 = arith.andi %shift_right_logical3A_899, %and3A_900 : vector<16xi32>
      %mul3A_902 = arith.constant 16 : i32
      %mul3A_903 = vector.broadcast %mul3A_902 : i32 to vector<16xi32>
      %mul3A_904 = arith.muli %iota3A, %mul3A_903 : vector<16xi32>
      %add3A_905 = arith.addi %mul3A_904, %and3A_901 : vector<16xi32>
      %shift_right_logical3A_906 = arith.constant 4 : i32
      %shift_right_logical3A_907 = vector.broadcast %shift_right_logical3A_906 : i32 to vector<16xi32>
      %shift_right_logical3A_908 = arith.shrui %bitcast3A, %shift_right_logical3A_907 : vector<16xi32>
      %shift_right_logical3A_909 = arith.constant 4 : i32
      %shift_right_logical3A_910 = vector.broadcast %shift_right_logical3A_909 : i32 to vector<16xi32>
      %shift_right_logical3A_911 = arith.shrui %or3A_771, %shift_right_logical3A_910 : vector<16xi32>
      %eq3A = arith.cmpi eq, %shift_right_logical3A_908, %shift_right_logical3A_911 : vector<16xi32>
      tpu.vector_store_idx %arg6[%add3A_905], %broadcast_in_dim3A_1 masked %eq3A {add = true} : memref<256xi32, #tpu.memory_space<vmem>>[vector<16xi32>], vector<16xi32>, vector<16xi1>
      %mul3A_912 = arith.constant 4 : i32
      %mul3A_913 = arith.muli %scan3A_889, %mul3A_912 : i32
      %add3A_914 = arith.constant 1 : i32
      %add3A_915 = arith.addi %mul3A_913, %add3A_914 : i32
      %mul3A_916 = arith.constant 16 : i32
      %mul3A_917 = arith.muli %add3A_915, %mul3A_916 : i32
      %get3A_918 = arith.index_cast %mul3A_917 : i32 to index
      %get3A_919 = tpu.vector_load %arg5[%get3A_918] {strides = array<i32>} : memref<4096xf32, #tpu.memory_space<vmem>>, vector<16xf32>,
      %bitcast3A_920 = vector.bitcast %get3A_919 : vector<16xf32> to vector<16xi32>
      %shift_right_logical3A_921 = arith.constant 0 : i32
      %shift_right_logical3A_922 = vector.broadcast %shift_right_logical3A_921 : i32 to vector<16xi32>
      %shift_right_logical3A_923 = arith.shrui %bitcast3A_920, %shift_right_logical3A_922 : vector<16xi32>
      %and3A_924 = arith.constant 15 : i32
      %and3A_925 = vector.broadcast %and3A_924 : i32 to vector<16xi32>
      %and3A_926 = arith.andi %shift_right_logical3A_923, %and3A_925 : vector<16xi32>
      %mul3A_927 = arith.constant 16 : i32
      %mul3A_928 = vector.broadcast %mul3A_927 : i32 to vector<16xi32>
      %mul3A_929 = arith.muli %iota3A, %mul3A_928 : vector<16xi32>
      %add3A_930 = arith.addi %mul3A_929, %and3A_926 : vector<16xi32>
      %shift_right_logical3A_931 = arith.constant 4 : i32
      %shift_right_logical3A_932 = vector.broadcast %shift_right_logical3A_931 : i32 to vector<16xi32>
      %shift_right_logical3A_933 = arith.shrui %bitcast3A_920, %shift_right_logical3A_932 : vector<16xi32>
      %shift_right_logical3A_934 = arith.constant 4 : i32
      %shift_right_logical3A_935 = vector.broadcast %shift_right_logical3A_934 : i32 to vector<16xi32>
      %shift_right_logical3A_936 = arith.shrui %or3A_771, %shift_right_logical3A_935 : vector<16xi32>
      %eq3A_937 = arith.cmpi eq, %shift_right_logical3A_933, %shift_right_logical3A_936 : vector<16xi32>
      tpu.vector_store_idx %arg6[%add3A_930], %broadcast_in_dim3A_1 masked %eq3A_937 {add = true} : memref<256xi32, #tpu.memory_space<vmem>>[vector<16xi32>], vector<16xi32>, vector<16xi1>
      %mul3A_938 = arith.constant 4 : i32
      %mul3A_939 = arith.muli %scan3A_889, %mul3A_938 : i32
      %add3A_940 = arith.constant 2 : i32
      %add3A_941 = arith.addi %mul3A_939, %add3A_940 : i32
      %mul3A_942 = arith.constant 16 : i32
      %mul3A_943 = arith.muli %add3A_941, %mul3A_942 : i32
      %get3A_944 = arith.index_cast %mul3A_943 : i32 to index
      %get3A_945 = tpu.vector_load %arg5[%get3A_944] {strides = array<i32>} : memref<4096xf32, #tpu.memory_space<vmem>>, vector<16xf32>,
      %bitcast3A_946 = vector.bitcast %get3A_945 : vector<16xf32> to vector<16xi32>
      %shift_right_logical3A_947 = arith.constant 0 : i32
      %shift_right_logical3A_948 = vector.broadcast %shift_right_logical3A_947 : i32 to vector<16xi32>
      %shift_right_logical3A_949 = arith.shrui %bitcast3A_946, %shift_right_logical3A_948 : vector<16xi32>
      %and3A_950 = arith.constant 15 : i32
      %and3A_951 = vector.broadcast %and3A_950 : i32 to vector<16xi32>
      %and3A_952 = arith.andi %shift_right_logical3A_949, %and3A_951 : vector<16xi32>
      %mul3A_953 = arith.constant 16 : i32
      %mul3A_954 = vector.broadcast %mul3A_953 : i32 to vector<16xi32>
      %mul3A_955 = arith.muli %iota3A, %mul3A_954 : vector<16xi32>
      %add3A_956 = arith.addi %mul3A_955, %and3A_952 : vector<16xi32>
      %shift_right_logical3A_957 = arith.constant 4 : i32
      %shift_right_logical3A_958 = vector.broadcast %shift_right_logical3A_957 : i32 to vector<16xi32>
      %shift_right_logical3A_959 = arith.shrui %bitcast3A_946, %shift_right_logical3A_958 : vector<16xi32>
      %shift_right_logical3A_960 = arith.constant 4 : i32
      %shift_right_logical3A_961 = vector.broadcast %shift_right_logical3A_960 : i32 to vector<16xi32>
      %shift_right_logical3A_962 = arith.shrui %or3A_771, %shift_right_logical3A_961 : vector<16xi32>
      %eq3A_963 = arith.cmpi eq, %shift_right_logical3A_959, %shift_right_logical3A_962 : vector<16xi32>
      tpu.vector_store_idx %arg6[%add3A_956], %broadcast_in_dim3A_1 masked %eq3A_963 {add = true} : memref<256xi32, #tpu.memory_space<vmem>>[vector<16xi32>], vector<16xi32>, vector<16xi1>
      %mul3A_964 = arith.constant 4 : i32
      %mul3A_965 = arith.muli %scan3A_889, %mul3A_964 : i32
      %add3A_966 = arith.constant 3 : i32
      %add3A_967 = arith.addi %mul3A_965, %add3A_966 : i32
      %mul3A_968 = arith.constant 16 : i32
      %mul3A_969 = arith.muli %add3A_967, %mul3A_968 : i32
      %get3A_970 = arith.index_cast %mul3A_969 : i32 to index
      %get3A_971 = tpu.vector_load %arg5[%get3A_970] {strides = array<i32>} : memref<4096xf32, #tpu.memory_space<vmem>>, vector<16xf32>,
      %bitcast3A_972 = vector.bitcast %get3A_971 : vector<16xf32> to vector<16xi32>
      %shift_right_logical3A_973 = arith.constant 0 : i32
      %shift_right_logical3A_974 = vector.broadcast %shift_right_logical3A_973 : i32 to vector<16xi32>
      %shift_right_logical3A_975 = arith.shrui %bitcast3A_972, %shift_right_logical3A_974 : vector<16xi32>
      %and3A_976 = arith.constant 15 : i32
      %and3A_977 = vector.broadcast %and3A_976 : i32 to vector<16xi32>
      %and3A_978 = arith.andi %shift_right_logical3A_975, %and3A_977 : vector<16xi32>
      %mul3A_979 = arith.constant 16 : i32
      %mul3A_980 = vector.broadcast %mul3A_979 : i32 to vector<16xi32>
      %mul3A_981 = arith.muli %iota3A, %mul3A_980 : vector<16xi32>
      %add3A_982 = arith.addi %mul3A_981, %and3A_978 : vector<16xi32>
      %shift_right_logical3A_983 = arith.constant 4 : i32
      %shift_right_logical3A_984 = vector.broadcast %shift_right_logical3A_983 : i32 to vector<16xi32>
      %shift_right_logical3A_985 = arith.shrui %bitcast3A_972, %shift_right_logical3A_984 : vector<16xi32>
      %shift_right_logical3A_986 = arith.constant 4 : i32
      %shift_right_logical3A_987 = vector.broadcast %shift_right_logical3A_986 : i32 to vector<16xi32>
      %shift_right_logical3A_988 = arith.shrui %or3A_771, %shift_right_logical3A_987 : vector<16xi32>
      %eq3A_989 = arith.cmpi eq, %shift_right_logical3A_985, %shift_right_logical3A_988 : vector<16xi32>
      tpu.vector_store_idx %arg6[%add3A_982], %broadcast_in_dim3A_1 masked %eq3A_989 {add = true} : memref<256xi32, #tpu.memory_space<vmem>>[vector<16xi32>], vector<16xi32>, vector<16xi1>
    }
    %scan3A_809 = arith.constant 64 : i32
    %get3A_810 = arith.constant 0 : index
    %get3A_811 = tpu.vector_load %arg6[%get3A_810] {strides = array<i32>} : memref<256xi32, #tpu.memory_space<vmem>>, vector<16xi32>,
    %add3A_812 = arith.addi %broadcast_in_dim3A_3, %get3A_811 : vector<16xi32>
    %get3A_813 = arith.constant 16 : index
    %get3A_814 = tpu.vector_load %arg6[%get3A_813] {strides = array<i32>} : memref<256xi32, #tpu.memory_space<vmem>>, vector<16xi32>,
    %add3A_815 = arith.addi %add3A_812, %get3A_814 : vector<16xi32>
    %get3A_816 = arith.constant 32 : index
    %get3A_817 = tpu.vector_load %arg6[%get3A_816] {strides = array<i32>} : memref<256xi32, #tpu.memory_space<vmem>>, vector<16xi32>,
    %add3A_818 = arith.addi %add3A_815, %get3A_817 : vector<16xi32>
    %get3A_819 = arith.constant 48 : index
    %get3A_820 = tpu.vector_load %arg6[%get3A_819] {strides = array<i32>} : memref<256xi32, #tpu.memory_space<vmem>>, vector<16xi32>,
    %add3A_821 = arith.addi %add3A_818, %get3A_820 : vector<16xi32>
    %get3A_822 = arith.constant 64 : index
    %get3A_823 = tpu.vector_load %arg6[%get3A_822] {strides = array<i32>} : memref<256xi32, #tpu.memory_space<vmem>>, vector<16xi32>,
    %add3A_824 = arith.addi %add3A_821, %get3A_823 : vector<16xi32>
    %get3A_825 = arith.constant 80 : index
    %get3A_826 = tpu.vector_load %arg6[%get3A_825] {strides = array<i32>} : memref<256xi32, #tpu.memory_space<vmem>>, vector<16xi32>,
    %add3A_827 = arith.addi %add3A_824, %get3A_826 : vector<16xi32>
    %get3A_828 = arith.constant 96 : index
    %get3A_829 = tpu.vector_load %arg6[%get3A_828] {strides = array<i32>} : memref<256xi32, #tpu.memory_space<vmem>>, vector<16xi32>,
    %add3A_830 = arith.addi %add3A_827, %get3A_829 : vector<16xi32>
    %get3A_831 = arith.constant 112 : index
    %get3A_832 = tpu.vector_load %arg6[%get3A_831] {strides = array<i32>} : memref<256xi32, #tpu.memory_space<vmem>>, vector<16xi32>,
    %add3A_833 = arith.addi %add3A_830, %get3A_832 : vector<16xi32>
    %get3A_834 = arith.constant 128 : index
    %get3A_835 = tpu.vector_load %arg6[%get3A_834] {strides = array<i32>} : memref<256xi32, #tpu.memory_space<vmem>>, vector<16xi32>,
    %add3A_836 = arith.addi %add3A_833, %get3A_835 : vector<16xi32>
    %get3A_837 = arith.constant 144 : index
    %get3A_838 = tpu.vector_load %arg6[%get3A_837] {strides = array<i32>} : memref<256xi32, #tpu.memory_space<vmem>>, vector<16xi32>,
    %add3A_839 = arith.addi %add3A_836, %get3A_838 : vector<16xi32>
    %get3A_840 = arith.constant 160 : index
    %get3A_841 = tpu.vector_load %arg6[%get3A_840] {strides = array<i32>} : memref<256xi32, #tpu.memory_space<vmem>>, vector<16xi32>,
    %add3A_842 = arith.addi %add3A_839, %get3A_841 : vector<16xi32>
    %get3A_843 = arith.constant 176 : index
    %get3A_844 = tpu.vector_load %arg6[%get3A_843] {strides = array<i32>} : memref<256xi32, #tpu.memory_space<vmem>>, vector<16xi32>,
    %add3A_845 = arith.addi %add3A_842, %get3A_844 : vector<16xi32>
    %get3A_846 = arith.constant 192 : index
    %get3A_847 = tpu.vector_load %arg6[%get3A_846] {strides = array<i32>} : memref<256xi32, #tpu.memory_space<vmem>>, vector<16xi32>,
    %add3A_848 = arith.addi %add3A_845, %get3A_847 : vector<16xi32>
    %get3A_849 = arith.constant 208 : index
    %get3A_850 = tpu.vector_load %arg6[%get3A_849] {strides = array<i32>} : memref<256xi32, #tpu.memory_space<vmem>>, vector<16xi32>,
    %add3A_851 = arith.addi %add3A_848, %get3A_850 : vector<16xi32>
    %get3A_852 = arith.constant 224 : index
    %get3A_853 = tpu.vector_load %arg6[%get3A_852] {strides = array<i32>} : memref<256xi32, #tpu.memory_space<vmem>>, vector<16xi32>,
    %add3A_854 = arith.addi %add3A_851, %get3A_853 : vector<16xi32>
    %get3A_855 = arith.constant 240 : index
    %get3A_856 = tpu.vector_load %arg6[%get3A_855] {strides = array<i32>} : memref<256xi32, #tpu.memory_space<vmem>>, vector<16xi32>,
    %add3A_857 = arith.addi %add3A_854, %get3A_856 : vector<16xi32>
    %rev3A_858 = arith.constant 15 : i32
    %rev3A_859 = vector.broadcast %rev3A_858 : i32 to vector<16xi32>
    %rev3A_860 = tpu.iota {dimensions = array<i32: 0>} : vector<16xi32>
    %rev3A_861 = arith.subi %rev3A_859, %rev3A_860 : vector<16xi32>
    %rev3A_862 = tpu.dynamic_gather %add3A_857[%rev3A_861] in [0] : vector<16xi32>, vector<16xi32> -> vector<16xi32>
    %broadcast_in_dim3A_863 = arith.constant true
    %broadcast_in_dim3A_864 = vector.broadcast %broadcast_in_dim3A_863 : i1 to vector<16xi1>
    %masked_cumsum3A_865 = tpu.scan <sum>, %rev3A_862 masked %broadcast_in_dim3A_864 : vector<16xi32>, vector<16xi1> -> vector<16xi32>
    %sub3A_866 = arith.subi %masked_cumsum3A_865, %rev3A_862 : vector<16xi32>
    %ge3A_867 = arith.cmpi sge, %masked_cumsum3A_865, %sub3A_767 : vector<16xi32>
    %all_reduce_population_count3A_868 = tpu.all_reduce %ge3A_867 {dim = 0 : i64, kind = #tpu.reduction_kind<sum>} : vector<16xi1> -> vector<16xi32>
    %sub3A_869 = arith.constant 1 : i32
    %sub3A_870 = vector.broadcast %sub3A_869 : i32 to vector<16xi32>
    %sub3A_871 = arith.subi %all_reduce_population_count3A_868, %sub3A_870 : vector<16xi32>
    %sub3A_872 = arith.constant 15 : i32
    %sub3A_873 = vector.broadcast %sub3A_872 : i32 to vector<16xi32>
    %sub3A_874 = arith.subi %sub3A_873, %sub3A_871 : vector<16xi32>
    %broadcast_in_dim3A_875 = vector.shape_cast %sub3A_874 : vector<16xi32> to vector<16x1xi32>
    %gather3A_876 = vector.shape_cast %broadcast_in_dim3A_875 : vector<16x1xi32> to vector<16xi32>
    %gather3A_877 = tpu.dynamic_gather %sub3A_866[%gather3A_876] in [0] : vector<16xi32>, vector<16xi32> -> vector<16xi32>
    %sub3A_878 = arith.subi %sub3A_767, %gather3A_877 : vector<16xi32>
    %shift_left3A_879 = arith.constant 0 : i32
    %shift_left3A_880 = vector.broadcast %shift_left3A_879 : i32 to vector<16xi32>
    %shift_left3A_881 = arith.shli %sub3A_871, %shift_left3A_880 : vector<16xi32>
    %or3A_882 = arith.ori %or3A_771, %shift_left3A_881 : vector<16xi32>
    %scan3A_883 = arith.constant 0 : i32
    %scan3A_884 = arith.constant 128 : i32
    %scan3A_885 = arith.addi %scan3A_883, %scan3A_884 : i32
    %scan3A_886 = arith.constant 1 : i32
    %scan3A_887:2 = scf.for %scan3A_889 = %scan3A_883 to %scan3A_885 step %scan3A_886 iter_args(%scan3A_890 = %broadcast_in_dim3A_3, %scan3A_891 = %broadcast_in_dim3A_3) -> (vector<16xi32>, vector<16xi32>)  : i32 {
      %mul3A_892 = arith.constant 2 : i32
      %mul3A_893 = arith.muli %scan3A_889, %mul3A_892 : i32
      %add3A_894 = arith.constant 0 : i32
      %add3A_895 = arith.addi %mul3A_893, %add3A_894 : i32
      %mul3A_896 = arith.constant 16 : i32
      %mul3A_897 = arith.muli %add3A_895, %mul3A_896 : i32
      %get3A_898 = arith.index_cast %mul3A_897 : i32 to index
      %get3A_899 = tpu.vector_load %arg5[%get3A_898] {strides = array<i32>} : memref<4096xf32, #tpu.memory_space<vmem>>, vector<16xf32>,
      %bitcast3A = vector.bitcast %get3A_899 : vector<16xf32> to vector<16xi32>
      %mul3A_900 = arith.constant 16 : i32
      %mul3A_901 = arith.muli %add3A_895, %mul3A_900 : i32
      %broadcast_in_dim3A_902 = vector.broadcast %mul3A_901 : i32 to vector<16xi32>
      %add3A_903 = arith.addi %broadcast_in_dim3A_902, %iota3A : vector<16xi32>
      %gt3A = arith.cmpi sgt, %bitcast3A, %or3A_882 : vector<16xi32>
      %jit3A = arith.constant 1 : i32
      %jit3A_904 = arith.constant 0 : i32
      %broadcast_in_dim3A_905 = vector.broadcast %jit3A : i32 to vector<16xi32>
      %broadcast_in_dim3A_906 = vector.broadcast %jit3A_904 : i32 to vector<16xi32>
      %select_n3A = arith.select %gt3A, %broadcast_in_dim3A_905, %broadcast_in_dim3A_906 : vector<16xi1>, vector<16xi32>
      %broadcast_in_dim3A_907 = arith.constant true
      %broadcast_in_dim3A_908 = vector.broadcast %broadcast_in_dim3A_907 : i1 to vector<16xi1>
      %masked_cumsum3A_909 = tpu.scan <sum>, %select_n3A masked %broadcast_in_dim3A_908 : vector<16xi32>, vector<16xi1> -> vector<16xi32>
      %add3A_910 = arith.addi %scan3A_890, %masked_cumsum3A_909 : vector<16xi32>
      %sub3A_911 = arith.constant 1 : i32
      %sub3A_912 = vector.broadcast %sub3A_911 : i32 to vector<16xi32>
      %sub3A_913 = arith.subi %add3A_910, %sub3A_912 : vector<16xi32>
      %jit3A_914 = arith.constant 0 : i32
      %broadcast_in_dim3A_915 = vector.broadcast %jit3A_914 : i32 to vector<16xi32>
      %select_n3A_916 = arith.select %gt3A, %sub3A_913, %broadcast_in_dim3A_915 : vector<16xi1>, vector<16xi32>
      tpu.vector_store_idx %arg7[%select_n3A_916], %get3A_899 masked %gt3A : memref<256xf32, #tpu.memory_space<vmem>>[vector<16xi32>], vector<16xf32>, vector<16xi1>
      tpu.vector_store_idx %arg8[%select_n3A_916], %add3A_903 masked %gt3A : memref<256xi32, #tpu.memory_space<vmem>>[vector<16xi32>], vector<16xi32>, vector<16xi1>
      %eq3A = arith.cmpi eq, %bitcast3A, %or3A_882 : vector<16xi32>
      %jit3A_917 = arith.constant 1 : i32
      %jit3A_918 = arith.constant 0 : i32
      %broadcast_in_dim3A_919 = vector.broadcast %jit3A_917 : i32 to vector<16xi32>
      %broadcast_in_dim3A_920 = vector.broadcast %jit3A_918 : i32 to vector<16xi32>
      %select_n3A_921 = arith.select %eq3A, %broadcast_in_dim3A_919, %broadcast_in_dim3A_920 : vector<16xi1>, vector<16xi32>
      %broadcast_in_dim3A_922 = arith.constant true
      %broadcast_in_dim3A_923 = vector.broadcast %broadcast_in_dim3A_922 : i1 to vector<16xi1>
      %masked_cumsum3A_924 = tpu.scan <sum>, %select_n3A_921 masked %broadcast_in_dim3A_923 : vector<16xi32>, vector<16xi1> -> vector<16xi32>
      %add3A_925 = arith.addi %scan3A_891, %masked_cumsum3A_924 : vector<16xi32>
      %sub3A_926 = arith.constant 1 : i32
      %sub3A_927 = vector.broadcast %sub3A_926 : i32 to vector<16xi32>
      %sub3A_928 = arith.subi %add3A_925, %sub3A_927 : vector<16xi32>
      %lt3A = arith.cmpi slt, %sub3A_928, %sub3A_878 : vector<16xi32>
      %and3A = arith.andi %eq3A, %lt3A : vector<16xi1>
      %broadcast_in_dim3A_929 = arith.constant 256 : i32
      %broadcast_in_dim3A_930 = vector.broadcast %broadcast_in_dim3A_929 : i32 to vector<16xi32>
      %sub3A_931 = arith.subi %broadcast_in_dim3A_930, %sub3A_878 : vector<16xi32>
      %add3A_932 = arith.addi %sub3A_931, %scan3A_891 : vector<16xi32>
      %add3A_933 = arith.addi %add3A_932, %masked_cumsum3A_924 : vector<16xi32>
      %sub3A_934 = arith.constant 1 : i32
      %sub3A_935 = vector.broadcast %sub3A_934 : i32 to vector<16xi32>
      %sub3A_936 = arith.subi %add3A_933, %sub3A_935 : vector<16xi32>
      %jit3A_937 = arith.constant 0 : i32
      %broadcast_in_dim3A_938 = vector.broadcast %jit3A_937 : i32 to vector<16xi32>
      %select_n3A_939 = arith.select %and3A, %sub3A_936, %broadcast_in_dim3A_938 : vector<16xi1>, vector<16xi32>
      tpu.vector_store_idx %arg7[%select_n3A_939], %get3A_899 masked %and3A : memref<256xf32, #tpu.memory_space<vmem>>[vector<16xi32>], vector<16xf32>, vector<16xi1>
      tpu.vector_store_idx %arg8[%select_n3A_939], %add3A_903 masked %and3A : memref<256xi32, #tpu.memory_space<vmem>>[vector<16xi32>], vector<16xi32>, vector<16xi1>
      %all_reduce_population_count3A_940 = tpu.all_reduce %gt3A {dim = 0 : i64, kind = #tpu.reduction_kind<sum>} : vector<16xi1> -> vector<16xi32>
      %add3A_941 = arith.addi %scan3A_890, %all_reduce_population_count3A_940 : vector<16xi32>
      %all_reduce_population_count3A_942 = tpu.all_reduce %eq3A {dim = 0 : i64, kind = #tpu.reduction_kind<sum>} : vector<16xi1> -> vector<16xi32>
      %add3A_943 = arith.addi %scan3A_891, %all_reduce_population_count3A_942 : vector<16xi32>
      %mul3A_944 = arith.constant 2 : i32
      %mul3A_945 = arith.muli %scan3A_889, %mul3A_944 : i32
      %add3A_946 = arith.constant 1 : i32
      %add3A_947 = arith.addi %mul3A_945, %add3A_946 : i32
      %mul3A_948 = arith.constant 16 : i32
      %mul3A_949 = arith.muli %add3A_947, %mul3A_948 : i32
      %get3A_950 = arith.index_cast %mul3A_949 : i32 to index
      %get3A_951 = tpu.vector_load %arg5[%get3A_950] {strides = array<i32>} : memref<4096xf32, #tpu.memory_space<vmem>>, vector<16xf32>,
      %bitcast3A_952 = vector.bitcast %get3A_951 : vector<16xf32> to vector<16xi32>
      %mul3A_953 = arith.constant 16 : i32
      %mul3A_954 = arith.muli %add3A_947, %mul3A_953 : i32
      %broadcast_in_dim3A_955 = vector.broadcast %mul3A_954 : i32 to vector<16xi32>
      %add3A_956 = arith.addi %broadcast_in_dim3A_955, %iota3A : vector<16xi32>
      %gt3A_957 = arith.cmpi sgt, %bitcast3A_952, %or3A_882 : vector<16xi32>
      %jit3A_958 = arith.constant 1 : i32
      %jit3A_959 = arith.constant 0 : i32
      %broadcast_in_dim3A_960 = vector.broadcast %jit3A_958 : i32 to vector<16xi32>
      %broadcast_in_dim3A_961 = vector.broadcast %jit3A_959 : i32 to vector<16xi32>
      %select_n3A_962 = arith.select %gt3A_957, %broadcast_in_dim3A_960, %broadcast_in_dim3A_961 : vector<16xi1>, vector<16xi32>
      %broadcast_in_dim3A_963 = arith.constant true
      %broadcast_in_dim3A_964 = vector.broadcast %broadcast_in_dim3A_963 : i1 to vector<16xi1>
      %masked_cumsum3A_965 = tpu.scan <sum>, %select_n3A_962 masked %broadcast_in_dim3A_964 : vector<16xi32>, vector<16xi1> -> vector<16xi32>
      %add3A_966 = arith.addi %add3A_941, %masked_cumsum3A_965 : vector<16xi32>
      %sub3A_967 = arith.constant 1 : i32
      %sub3A_968 = vector.broadcast %sub3A_967 : i32 to vector<16xi32>
      %sub3A_969 = arith.subi %add3A_966, %sub3A_968 : vector<16xi32>
      %jit3A_970 = arith.constant 0 : i32
      %broadcast_in_dim3A_971 = vector.broadcast %jit3A_970 : i32 to vector<16xi32>
      %select_n3A_972 = arith.select %gt3A_957, %sub3A_969, %broadcast_in_dim3A_971 : vector<16xi1>, vector<16xi32>
      tpu.vector_store_idx %arg7[%select_n3A_972], %get3A_951 masked %gt3A_957 : memref<256xf32, #tpu.memory_space<vmem>>[vector<16xi32>], vector<16xf32>, vector<16xi1>
      tpu.vector_store_idx %arg8[%select_n3A_972], %add3A_956 masked %gt3A_957 : memref<256xi32, #tpu.memory_space<vmem>>[vector<16xi32>], vector<16xi32>, vector<16xi1>
      %eq3A_973 = arith.cmpi eq, %bitcast3A_952, %or3A_882 : vector<16xi32>
      %jit3A_974 = arith.constant 1 : i32
      %jit3A_975 = arith.constant 0 : i32
      %broadcast_in_dim3A_976 = vector.broadcast %jit3A_974 : i32 to vector<16xi32>
      %broadcast_in_dim3A_977 = vector.broadcast %jit3A_975 : i32 to vector<16xi32>
      %select_n3A_978 = arith.select %eq3A_973, %broadcast_in_dim3A_976, %broadcast_in_dim3A_977 : vector<16xi1>, vector<16xi32>
      %broadcast_in_dim3A_979 = arith.constant true
      %broadcast_in_dim3A_980 = vector.broadcast %broadcast_in_dim3A_979 : i1 to vector<16xi1>
      %masked_cumsum3A_981 = tpu.scan <sum>, %select_n3A_978 masked %broadcast_in_dim3A_980 : vector<16xi32>, vector<16xi1> -> vector<16xi32>
      %add3A_982 = arith.addi %add3A_943, %masked_cumsum3A_981 : vector<16xi32>
      %sub3A_983 = arith.constant 1 : i32
      %sub3A_984 = vector.broadcast %sub3A_983 : i32 to vector<16xi32>
      %sub3A_985 = arith.subi %add3A_982, %sub3A_984 : vector<16xi32>
      %lt3A_986 = arith.cmpi slt, %sub3A_985, %sub3A_878 : vector<16xi32>
      %and3A_987 = arith.andi %eq3A_973, %lt3A_986 : vector<16xi1>
      %broadcast_in_dim3A_988 = arith.constant 256 : i32
      %broadcast_in_dim3A_989 = vector.broadcast %broadcast_in_dim3A_988 : i32 to vector<16xi32>
      %sub3A_990 = arith.subi %broadcast_in_dim3A_989, %sub3A_878 : vector<16xi32>
      %add3A_991 = arith.addi %sub3A_990, %add3A_943 : vector<16xi32>
      %add3A_992 = arith.addi %add3A_991, %masked_cumsum3A_981 : vector<16xi32>
      %sub3A_993 = arith.constant 1 : i32
      %sub3A_994 = vector.broadcast %sub3A_993 : i32 to vector<16xi32>
      %sub3A_995 = arith.subi %add3A_992, %sub3A_994 : vector<16xi32>
      %jit3A_996 = arith.constant 0 : i32
      %broadcast_in_dim3A_997 = vector.broadcast %jit3A_996 : i32 to vector<16xi32>
      %select_n3A_998 = arith.select %and3A_987, %sub3A_995, %broadcast_in_dim3A_997 : vector<16xi1>, vector<16xi32>
      tpu.vector_store_idx %arg7[%select_n3A_998], %get3A_951 masked %and3A_987 : memref<256xf32, #tpu.memory_space<vmem>>[vector<16xi32>], vector<16xf32>, vector<16xi1>
      tpu.vector_store_idx %arg8[%select_n3A_998], %add3A_956 masked %and3A_987 : memref<256xi32, #tpu.memory_space<vmem>>[vector<16xi32>], vector<16xi32>, vector<16xi1>
      %all_reduce_population_count3A_999 = tpu.all_reduce %gt3A_957 {dim = 0 : i64, kind = #tpu.reduction_kind<sum>} : vector<16xi1> -> vector<16xi32>
      %add3A_1000 = arith.addi %add3A_941, %all_reduce_population_count3A_999 : vector<16xi32>
      %all_reduce_population_count3A_1001 = tpu.all_reduce %eq3A_973 {dim = 0 : i64, kind = #tpu.reduction_kind<sum>} : vector<16xi1> -> vector<16xi32>
      %add3A_1002 = arith.addi %add3A_943, %all_reduce_population_count3A_1001 : vector<16xi32>
      scf.yield %add3A_1000, %add3A_1002 : vector<16xi32>, vector<16xi32>
    }
    %scan3A_888 = arith.constant 128 : i32
    "tpu.region"() ({
      %run_scoped3A = tpu.sem_alloc : memref<!tpu.dma_semaphore, #tpu.memory_space<semaphore_mem>>
      %dma_start3A = arith.constant 0 : i32
      %dma_start3A_889 = tpu.memref_slice %arg3[%add3A, %dma_start3A] : memref<32x256xf32, #tpu.memory_space<hbm>> -> memref<1x256xf32, #tpu.memory_space<hbm>>
      %dma_start3A_890 = tpu.memref_squeeze %dma_start3A_889 : memref<1x256xf32, #tpu.memory_space<hbm>> -> memref<256xf32, #tpu.memory_space<hbm>>
      %dma_start3A_891 = arith.constant 0 : i32
      %dma_start3A_892 = tpu.memref_slice %arg3[%add3A, %dma_start3A_891] : memref<32x256xf32, #tpu.memory_space<hbm>> -> memref<1x256xf32, #tpu.memory_space<hbm>>
      %dma_start3A_893 = tpu.memref_squeeze %dma_start3A_892 : memref<1x256xf32, #tpu.memory_space<hbm>> -> memref<256xf32, #tpu.memory_space<hbm>>
      tpu.enqueue_dma source(%arg7 : memref<256xf32, #tpu.memory_space<vmem>>) target(%dma_start3A_893 : memref<256xf32, #tpu.memory_space<hbm>>) target_semaphore(%run_scoped3A : memref<!tpu.dma_semaphore, #tpu.memory_space<semaphore_mem>>)
      %dma_wait3A = arith.constant 0 : i32
      %dma_wait3A_894 = tpu.memref_slice %arg3[%add3A, %dma_wait3A] : memref<32x256xf32, #tpu.memory_space<hbm>> -> memref<1x256xf32, #tpu.memory_space<hbm>>
      %dma_wait3A_895 = tpu.memref_squeeze %dma_wait3A_894 : memref<1x256xf32, #tpu.memory_space<hbm>> -> memref<256xf32, #tpu.memory_space<hbm>>
      %dma_wait3A_896 = arith.constant 0 : i32
      %dma_wait3A_897 = tpu.memref_slice %arg3[%add3A, %dma_wait3A_896] : memref<32x256xf32, #tpu.memory_space<hbm>> -> memref<1x256xf32, #tpu.memory_space<hbm>>
      %dma_wait3A_898 = tpu.memref_squeeze %dma_wait3A_897 : memref<1x256xf32, #tpu.memory_space<hbm>> -> memref<256xf32, #tpu.memory_space<hbm>>
      tpu.wait_dma2 semaphore(%run_scoped3A : memref<!tpu.dma_semaphore, #tpu.memory_space<semaphore_mem>>) src(%arg7 : memref<256xf32, #tpu.memory_space<vmem>>) dst(%dma_wait3A_898 : memref<256xf32, #tpu.memory_space<hbm>>)
      tpu.yield
    }) : () -> ()
    "tpu.region"() ({
      %run_scoped3A = tpu.sem_alloc : memref<!tpu.dma_semaphore, #tpu.memory_space<semaphore_mem>>
      %dma_start3A = arith.constant 0 : i32
      %dma_start3A_889 = tpu.memref_slice %arg4[%add3A, %dma_start3A] : memref<32x256xi32, #tpu.memory_space<hbm>> -> memref<1x256xi32, #tpu.memory_space<hbm>>
      %dma_start3A_890 = tpu.memref_squeeze %dma_start3A_889 : memref<1x256xi32, #tpu.memory_space<hbm>> -> memref<256xi32, #tpu.memory_space<hbm>>
      %dma_start3A_891 = arith.constant 0 : i32
      %dma_start3A_892 = tpu.memref_slice %arg4[%add3A, %dma_start3A_891] : memref<32x256xi32, #tpu.memory_space<hbm>> -> memref<1x256xi32, #tpu.memory_space<hbm>>
      %dma_start3A_893 = tpu.memref_squeeze %dma_start3A_892 : memref<1x256xi32, #tpu.memory_space<hbm>> -> memref<256xi32, #tpu.memory_space<hbm>>
      tpu.enqueue_dma source(%arg8 : memref<256xi32, #tpu.memory_space<vmem>>) target(%dma_start3A_893 : memref<256xi32, #tpu.memory_space<hbm>>) target_semaphore(%run_scoped3A : memref<!tpu.dma_semaphore, #tpu.memory_space<semaphore_mem>>)
      %dma_wait3A = arith.constant 0 : i32
      %dma_wait3A_894 = tpu.memref_slice %arg4[%add3A, %dma_wait3A] : memref<32x256xi32, #tpu.memory_space<hbm>> -> memref<1x256xi32, #tpu.memory_space<hbm>>
      %dma_wait3A_895 = tpu.memref_squeeze %dma_wait3A_894 : memref<1x256xi32, #tpu.memory_space<hbm>> -> memref<256xi32, #tpu.memory_space<hbm>>
      %dma_wait3A_896 = arith.constant 0 : i32
      %dma_wait3A_897 = tpu.memref_slice %arg4[%add3A, %dma_wait3A_896] : memref<32x256xi32, #tpu.memory_space<hbm>> -> memref<1x256xi32, #tpu.memory_space<hbm>>
      %dma_wait3A_898 = tpu.memref_squeeze %dma_wait3A_897 : memref<1x256xi32, #tpu.memory_space<hbm>> -> memref<256xi32, #tpu.memory_space<hbm>>
      tpu.wait_dma2 semaphore(%run_scoped3A : memref<!tpu.dma_semaphore, #tpu.memory_space<semaphore_mem>>) src(%arg8 : memref<256xi32, #tpu.memory_space<vmem>>) dst(%dma_wait3A_898 : memref<256xi32, #tpu.memory_space<hbm>>)
      tpu.yield
    }) : () -> ()
    return
  }
}

module attributes {stable_mosaic.version = 14 : i64} {
  func.func @_matvec_body(%arg0: i32, %arg1: memref<4x96x4096xf32, #tpu.memory_space<vmem>>, %arg2: memref<1x96xf32, #tpu.memory_space<vmem>>, %arg3: memref<1x1xf32, #tpu.memory_space<smem>>, %arg4: memref<4x1x4096xf32, #tpu.memory_space<vmem>>) attributes {dimension_semantics = [#tpu.dimension_semantics<arbitrary>], iteration_bounds = array<i64: 8>, scalar_prefetch = 0 : i64, scratch_operands = 0 : i64, tpu.core_type = #tpu.core_type<tc>, window_params = [{transform_indices = @transform_0, window_bounds = array<i64: 4, 96, 4096>}, {pipeline_mode = #tpu.pipeline_mode<synchronous>, transform_indices = @transform_1, window_bounds = array<i64: 1, 96>}, {transform_indices = @transform_2, window_bounds = array<i64: 1, 1>}, {transform_indices = @transform_3, window_bounds = array<i64: 4, 1, 4096>}]} {
    %get3A = arith.constant 0 : index
    %get3A_0 = arith.constant 0 : index
    %get3A_1 = vector.load %arg2[%get3A, %get3A_0] : memref<1x96xf32, #tpu.memory_space<vmem>>, vector<1x96xf32>
    %get3A_2 = arith.constant 0 : index
    %get3A_3 = arith.constant 0 : index
    %get3A_4 = memref.load %arg3[%get3A_2, %get3A_3] : memref<1x1xf32, #tpu.memory_space<smem>>
    %get3A_5 = arith.constant 0 : index
    %get3A_6 = arith.constant 0 : index
    %get3A_7 = arith.constant 0 : index
    %get3A_8 = vector.load %arg1[%get3A_5, %get3A_6, %get3A_7] : memref<4x96x4096xf32, #tpu.memory_space<vmem>>, vector<1x96x4096xf32>
    %get3A_9 = vector.shape_cast %get3A_8 : vector<1x96x4096xf32> to vector<96x4096xf32>
    %dot_general3A = arith.constant dense<0.000000e+00> : vector<1x4096xf32>
    %dot_general3A_10 = tpu.matmul %get3A_1, %get3A_9, %dot_general3A {dimension_numbers = #tpu.dot_dimension_numbers<[1], [0], [0], [1], [0, 0, 1, 1], [], []>, transpose_lhs_hint = false} : vector<1x96xf32>, vector<96x4096xf32>, vector<1x4096xf32> -> vector<1x4096xf32>
    %add3A = vector.broadcast %get3A_4 : f32 to vector<1x4096xf32>
    %add3A_11 = arith.addf %dot_general3A_10, %add3A : vector<1x4096xf32>
    %logistic3A = arith.negf %add3A_11 : vector<1x4096xf32>
    %logistic3A_12 = math.exp %logistic3A : vector<1x4096xf32>
    %logistic3A_13 = arith.constant 1.000000e+00 : f32
    %logistic3A_14 = vector.broadcast %logistic3A_13 : f32 to vector<1x4096xf32>
    %logistic3A_15 = arith.addf %logistic3A_14, %logistic3A_12 : vector<1x4096xf32>
    %logistic3A_16 = arith.divf %logistic3A_14, %logistic3A_15 : vector<1x4096xf32>
    %swap3A = arith.constant 0 : index
    %swap3A_17 = arith.constant 0 : index
    %swap3A_18 = arith.constant 0 : index
    %swap3A_19 = vector.load %arg4[%swap3A, %swap3A_17, %swap3A_18] : memref<4x1x4096xf32, #tpu.memory_space<vmem>>, vector<1x1x4096xf32>
    %swap3A_20 = vector.shape_cast %swap3A_19 : vector<1x1x4096xf32> to vector<1x4096xf32>
    %swap3A_21 = vector.shape_cast %logistic3A_16 : vector<1x4096xf32> to vector<1x1x4096xf32>
    tpu.vector_store %arg4[%swap3A, %swap3A_17, %swap3A_18], %swap3A_21 {strides = array<i32>} : memref<4x1x4096xf32, #tpu.memory_space<vmem>>, vector<1x1x4096xf32>,
    %get3A_22 = arith.constant 1 : index
    %get3A_23 = arith.constant 0 : index
    %get3A_24 = arith.constant 0 : index
    %get3A_25 = vector.load %arg1[%get3A_22, %get3A_23, %get3A_24] : memref<4x96x4096xf32, #tpu.memory_space<vmem>>, vector<1x96x4096xf32>
    %get3A_26 = vector.shape_cast %get3A_25 : vector<1x96x4096xf32> to vector<96x4096xf32>
    %dot_general3A_27 = arith.constant dense<0.000000e+00> : vector<1x4096xf32>
    %dot_general3A_28 = tpu.matmul %get3A_1, %get3A_26, %dot_general3A_27 {dimension_numbers = #tpu.dot_dimension_numbers<[1], [0], [0], [1], [0, 0, 1, 1], [], []>, transpose_lhs_hint = false} : vector<1x96xf32>, vector<96x4096xf32>, vector<1x4096xf32> -> vector<1x4096xf32>
    %add3A_29 = vector.broadcast %get3A_4 : f32 to vector<1x4096xf32>
    %add3A_30 = arith.addf %dot_general3A_28, %add3A_29 : vector<1x4096xf32>
    %logistic3A_31 = arith.negf %add3A_30 : vector<1x4096xf32>
    %logistic3A_32 = math.exp %logistic3A_31 : vector<1x4096xf32>
    %logistic3A_33 = arith.constant 1.000000e+00 : f32
    %logistic3A_34 = vector.broadcast %logistic3A_33 : f32 to vector<1x4096xf32>
    %logistic3A_35 = arith.addf %logistic3A_34, %logistic3A_32 : vector<1x4096xf32>
    %logistic3A_36 = arith.divf %logistic3A_34, %logistic3A_35 : vector<1x4096xf32>
    %swap3A_37 = arith.constant 1 : index
    %swap3A_38 = arith.constant 0 : index
    %swap3A_39 = arith.constant 0 : index
    %swap3A_40 = vector.load %arg4[%swap3A_37, %swap3A_38, %swap3A_39] : memref<4x1x4096xf32, #tpu.memory_space<vmem>>, vector<1x1x4096xf32>
    %swap3A_41 = vector.shape_cast %swap3A_40 : vector<1x1x4096xf32> to vector<1x4096xf32>
    %swap3A_42 = vector.shape_cast %logistic3A_36 : vector<1x4096xf32> to vector<1x1x4096xf32>
    tpu.vector_store %arg4[%swap3A_37, %swap3A_38, %swap3A_39], %swap3A_42 {strides = array<i32>} : memref<4x1x4096xf32, #tpu.memory_space<vmem>>, vector<1x1x4096xf32>,
    %get3A_43 = arith.constant 2 : index
    %get3A_44 = arith.constant 0 : index
    %get3A_45 = arith.constant 0 : index
    %get3A_46 = vector.load %arg1[%get3A_43, %get3A_44, %get3A_45] : memref<4x96x4096xf32, #tpu.memory_space<vmem>>, vector<1x96x4096xf32>
    %get3A_47 = vector.shape_cast %get3A_46 : vector<1x96x4096xf32> to vector<96x4096xf32>
    %dot_general3A_48 = arith.constant dense<0.000000e+00> : vector<1x4096xf32>
    %dot_general3A_49 = tpu.matmul %get3A_1, %get3A_47, %dot_general3A_48 {dimension_numbers = #tpu.dot_dimension_numbers<[1], [0], [0], [1], [0, 0, 1, 1], [], []>, transpose_lhs_hint = false} : vector<1x96xf32>, vector<96x4096xf32>, vector<1x4096xf32> -> vector<1x4096xf32>
    %add3A_50 = vector.broadcast %get3A_4 : f32 to vector<1x4096xf32>
    %add3A_51 = arith.addf %dot_general3A_49, %add3A_50 : vector<1x4096xf32>
    %logistic3A_52 = arith.negf %add3A_51 : vector<1x4096xf32>
    %logistic3A_53 = math.exp %logistic3A_52 : vector<1x4096xf32>
    %logistic3A_54 = arith.constant 1.000000e+00 : f32
    %logistic3A_55 = vector.broadcast %logistic3A_54 : f32 to vector<1x4096xf32>
    %logistic3A_56 = arith.addf %logistic3A_55, %logistic3A_53 : vector<1x4096xf32>
    %logistic3A_57 = arith.divf %logistic3A_55, %logistic3A_56 : vector<1x4096xf32>
    %swap3A_58 = arith.constant 2 : index
    %swap3A_59 = arith.constant 0 : index
    %swap3A_60 = arith.constant 0 : index
    %swap3A_61 = vector.load %arg4[%swap3A_58, %swap3A_59, %swap3A_60] : memref<4x1x4096xf32, #tpu.memory_space<vmem>>, vector<1x1x4096xf32>
    %swap3A_62 = vector.shape_cast %swap3A_61 : vector<1x1x4096xf32> to vector<1x4096xf32>
    %swap3A_63 = vector.shape_cast %logistic3A_57 : vector<1x4096xf32> to vector<1x1x4096xf32>
    tpu.vector_store %arg4[%swap3A_58, %swap3A_59, %swap3A_60], %swap3A_63 {strides = array<i32>} : memref<4x1x4096xf32, #tpu.memory_space<vmem>>, vector<1x1x4096xf32>,
    %get3A_64 = arith.constant 3 : index
    %get3A_65 = arith.constant 0 : index
    %get3A_66 = arith.constant 0 : index
    %get3A_67 = vector.load %arg1[%get3A_64, %get3A_65, %get3A_66] : memref<4x96x4096xf32, #tpu.memory_space<vmem>>, vector<1x96x4096xf32>
    %get3A_68 = vector.shape_cast %get3A_67 : vector<1x96x4096xf32> to vector<96x4096xf32>
    %dot_general3A_69 = arith.constant dense<0.000000e+00> : vector<1x4096xf32>
    %dot_general3A_70 = tpu.matmul %get3A_1, %get3A_68, %dot_general3A_69 {dimension_numbers = #tpu.dot_dimension_numbers<[1], [0], [0], [1], [0, 0, 1, 1], [], []>, transpose_lhs_hint = false} : vector<1x96xf32>, vector<96x4096xf32>, vector<1x4096xf32> -> vector<1x4096xf32>
    %add3A_71 = vector.broadcast %get3A_4 : f32 to vector<1x4096xf32>
    %add3A_72 = arith.addf %dot_general3A_70, %add3A_71 : vector<1x4096xf32>
    %logistic3A_73 = arith.negf %add3A_72 : vector<1x4096xf32>
    %logistic3A_74 = math.exp %logistic3A_73 : vector<1x4096xf32>
    %logistic3A_75 = arith.constant 1.000000e+00 : f32
    %logistic3A_76 = vector.broadcast %logistic3A_75 : f32 to vector<1x4096xf32>
    %logistic3A_77 = arith.addf %logistic3A_76, %logistic3A_74 : vector<1x4096xf32>
    %logistic3A_78 = arith.divf %logistic3A_76, %logistic3A_77 : vector<1x4096xf32>
    %swap3A_79 = arith.constant 3 : index
    %swap3A_80 = arith.constant 0 : index
    %swap3A_81 = arith.constant 0 : index
    %swap3A_82 = vector.load %arg4[%swap3A_79, %swap3A_80, %swap3A_81] : memref<4x1x4096xf32, #tpu.memory_space<vmem>>, vector<1x1x4096xf32>
    %swap3A_83 = vector.shape_cast %swap3A_82 : vector<1x1x4096xf32> to vector<1x4096xf32>
    %swap3A_84 = vector.shape_cast %logistic3A_78 : vector<1x4096xf32> to vector<1x1x4096xf32>
    tpu.vector_store %arg4[%swap3A_79, %swap3A_80, %swap3A_81], %swap3A_84 {strides = array<i32>} : memref<4x1x4096xf32, #tpu.memory_space<vmem>>, vector<1x1x4096xf32>,
    return
  }
  func.func @transform_0(%arg0: i32) -> (i32, i32, i32) {
    %c0_i32 = arith.constant 0 : i32
    %c0_i32_0 = arith.constant 0 : i32
    %c0_i32_1 = arith.constant 0 : i32
    return %arg0, %c0_i32, %c0_i32_0 : i32, i32, i32
  }
  func.func @transform_1(%arg0: i32) -> (i32, i32) {
    %c0_i32 = arith.constant 0 : i32
    %c0_i32_0 = arith.constant 0 : i32
    %c0_i32_1 = arith.constant 0 : i32
    return %c0_i32, %c0_i32_0 : i32, i32
  }
  func.func @transform_2(%arg0: i32) -> (i32, i32) {
    %c0_i32 = arith.constant 0 : i32
    %c0_i32_0 = arith.constant 0 : i32
    %c0_i32_1 = arith.constant 0 : i32
    return %c0_i32, %c0_i32_0 : i32, i32
  }
  func.func @transform_3(%arg0: i32) -> (i32, i32, i32) {
    %c0_i32 = arith.constant 0 : i32
    %c0_i32_0 = arith.constant 0 : i32
    %c0_i32_1 = arith.constant 0 : i32
    return %arg0, %c0_i32, %c0_i32_0 : i32, i32, i32
  }
}

module attributes {stable_mosaic.version = 14 : i64} {
  func.func @_rank_body(%arg0: i32, %arg1: memref<4x1x256xf32, #tpu.memory_space<vmem>>, %arg2: memref<4x1x256xi32, #tpu.memory_space<vmem>>, %arg3: memref<1x1xf32, #tpu.memory_space<smem>>, %arg4: memref<1x1xf32, #tpu.memory_space<smem>>, %arg5: memref<4x1x256xf32, #tpu.memory_space<vmem>>, %arg6: memref<4x1x256xf32, #tpu.memory_space<vmem>>, %arg7: memref<4x1x256xf32, #tpu.memory_space<vmem>>, %arg8: memref<4x1x256xf32, #tpu.memory_space<vmem>>, %arg9: memref<4x1x256xf32, #tpu.memory_space<vmem>>) attributes {dimension_semantics = [#tpu.dimension_semantics<arbitrary>], iteration_bounds = array<i64: 8>, scalar_prefetch = 0 : i64, scratch_operands = 0 : i64, tpu.core_type = #tpu.core_type<tc>, window_params = [{transform_indices = @transform_0, window_bounds = array<i64: 4, 1, 256>}, {transform_indices = @transform_1, window_bounds = array<i64: 4, 1, 256>}, {transform_indices = @transform_2, window_bounds = array<i64: 1, 1>}, {transform_indices = @transform_3, window_bounds = array<i64: 1, 1>}, {transform_indices = @transform_4, window_bounds = array<i64: 4, 1, 256>}, {transform_indices = @transform_5, window_bounds = array<i64: 4, 1, 256>}, {transform_indices = @transform_6, window_bounds = array<i64: 4, 1, 256>}, {transform_indices = @transform_7, window_bounds = array<i64: 4, 1, 256>}, {transform_indices = @transform_8, window_bounds = array<i64: 4, 1, 256>}]} {
    %get3A = arith.constant 0 : index
    %get3A_0 = arith.constant 0 : index
    %get3A_1 = arith.constant 0 : index
    %get3A_2 = vector.load %arg1[%get3A, %get3A_0, %get3A_1] : memref<4x1x256xf32, #tpu.memory_space<vmem>>, vector<1x1x256xf32>
    %get3A_3 = vector.shape_cast %get3A_2 : vector<1x1x256xf32> to vector<1x256xf32>
    %get3A_4 = arith.constant 0 : index
    %get3A_5 = arith.constant 0 : index
    %get3A_6 = arith.constant 0 : index
    %get3A_7 = vector.load %arg2[%get3A_4, %get3A_5, %get3A_6] : memref<4x1x256xi32, #tpu.memory_space<vmem>>, vector<1x1x256xi32>
    %get3A_8 = vector.shape_cast %get3A_7 : vector<1x1x256xi32> to vector<1x256xi32>
    %transpose3A = tpu.transpose %get3A_3, [1, 0] : vector<1x256xf32> -> vector<256x1xf32>
    %transpose3A_9 = tpu.transpose %get3A_8, [1, 0] : vector<1x256xi32> -> vector<256x1xi32>
    %gt3A = vector.broadcast %transpose3A : vector<256x1xf32> to vector<256x256xf32>
    %gt3A_10 = vector.broadcast %get3A_3 : vector<1x256xf32> to vector<256x256xf32>
    %gt3A_11 = arith.cmpf ogt, %gt3A, %gt3A_10 : vector<256x256xf32>
    %eq3A = vector.broadcast %transpose3A : vector<256x1xf32> to vector<256x256xf32>
    %eq3A_12 = vector.broadcast %get3A_3 : vector<1x256xf32> to vector<256x256xf32>
    %eq3A_13 = arith.cmpf oeq, %eq3A, %eq3A_12 : vector<256x256xf32>
    %lt3A = vector.broadcast %transpose3A_9 : vector<256x1xi32> to vector<256x256xi32>
    %lt3A_14 = vector.broadcast %get3A_8 : vector<1x256xi32> to vector<256x256xi32>
    %lt3A_15 = arith.cmpi slt, %lt3A, %lt3A_14 : vector<256x256xi32>
    %and3A = arith.andi %eq3A_13, %lt3A_15 : vector<256x256xi1>
    %or3A = arith.ori %gt3A_11, %and3A : vector<256x256xi1>
    %jit3A = arith.constant 1.000000e+00 : f32
    %jit3A_16 = arith.constant 0.000000e+00 : f32
    %broadcast_in_dim3A = vector.broadcast %jit3A : f32 to vector<256x256xf32>
    %broadcast_in_dim3A_17 = vector.broadcast %jit3A_16 : f32 to vector<256x256xf32>
    %select_n3A = arith.select %or3A, %broadcast_in_dim3A, %broadcast_in_dim3A_17 : vector<256x256xi1>, vector<256x256xf32>
    %reduce_sum3A = arith.constant dense<0.000000e+00> : vector<256xf32>
    %reduce_sum3A_18 = vector.multi_reduction <add>, %select_n3A, %reduce_sum3A [0] : vector<256x256xf32> to vector<256xf32>
    %broadcast_in_dim3A_19 = vector.shape_cast %reduce_sum3A_18 : vector<256xf32> to vector<1x256xf32>
    %iota3A = tpu.iota {dimensions = array<i32: 1>} : vector<1x256xi32>
    %convert_element_type3A = arith.sitofp %iota3A : vector<1x256xi32> to vector<1x256xf32>
    %transpose3A_20 = tpu.transpose %broadcast_in_dim3A_19, [1, 0] : vector<1x256xf32> -> vector<256x1xf32>
    %eq3A_21 = vector.broadcast %transpose3A_20 : vector<256x1xf32> to vector<256x256xf32>
    %eq3A_22 = vector.broadcast %convert_element_type3A : vector<1x256xf32> to vector<256x256xf32>
    %eq3A_23 = arith.cmpf oeq, %eq3A_21, %eq3A_22 : vector<256x256xf32>
    %jit3A_24 = arith.constant 0.000000e+00 : f32
    %broadcast_in_dim3A_25 = vector.shape_cast %transpose3A : vector<256x1xf32> to vector<256x1xf32>
    %broadcast_in_dim3A_26 = vector.broadcast %broadcast_in_dim3A_25 : vector<256x1xf32> to vector<256x256xf32>
    %broadcast_in_dim3A_27 = vector.broadcast %jit3A_24 : f32 to vector<256x256xf32>
    %select_n3A_28 = arith.select %eq3A_23, %broadcast_in_dim3A_26, %broadcast_in_dim3A_27 : vector<256x256xi1>, vector<256x256xf32>
    %reduce_sum3A_29 = arith.constant dense<0.000000e+00> : vector<256xf32>
    %reduce_sum3A_30 = vector.multi_reduction <add>, %select_n3A_28, %reduce_sum3A_29 [0] : vector<256x256xf32> to vector<256xf32>
    %broadcast_in_dim3A_31 = vector.shape_cast %reduce_sum3A_30 : vector<256xf32> to vector<1x256xf32>
    %convert_element_type3A_32 = arith.sitofp %transpose3A_9 : vector<256x1xi32> to vector<256x1xf32>
    %jit3A_33 = arith.constant 0.000000e+00 : f32
    %broadcast_in_dim3A_34 = vector.shape_cast %convert_element_type3A_32 : vector<256x1xf32> to vector<256x1xf32>
    %broadcast_in_dim3A_35 = vector.broadcast %broadcast_in_dim3A_34 : vector<256x1xf32> to vector<256x256xf32>
    %broadcast_in_dim3A_36 = vector.broadcast %jit3A_33 : f32 to vector<256x256xf32>
    %select_n3A_37 = arith.select %eq3A_23, %broadcast_in_dim3A_35, %broadcast_in_dim3A_36 : vector<256x256xi1>, vector<256x256xf32>
    %reduce_sum3A_38 = arith.constant dense<0.000000e+00> : vector<256xf32>
    %reduce_sum3A_39 = vector.multi_reduction <add>, %select_n3A_37, %reduce_sum3A_38 [0] : vector<256x256xf32> to vector<256xf32>
    %broadcast_in_dim3A_40 = vector.shape_cast %reduce_sum3A_39 : vector<256xf32> to vector<1x256xf32>
    %mul3A = arith.constant 1.562500e-02 : f32
    %mul3A_41 = vector.broadcast %mul3A : f32 to vector<1x256xf32>
    %mul3A_42 = arith.mulf %broadcast_in_dim3A_40, %mul3A_41 : vector<1x256xf32>
    %floor3A = math.floor %mul3A_42 : vector<1x256xf32>
    %mul3A_43 = arith.constant 6.400000e+01 : f32
    %mul3A_44 = vector.broadcast %mul3A_43 : f32 to vector<1x256xf32>
    %mul3A_45 = arith.mulf %floor3A, %mul3A_44 : vector<1x256xf32>
    %sub3A = arith.subf %broadcast_in_dim3A_40, %mul3A_45 : vector<1x256xf32>
    %get3A_46 = arith.constant 0 : index
    %get3A_47 = arith.constant 0 : index
    %get3A_48 = memref.load %arg3[%get3A_46, %get3A_47] : memref<1x1xf32, #tpu.memory_space<smem>>
    %mul3A_49 = vector.broadcast %get3A_48 : f32 to vector<1x256xf32>
    %mul3A_50 = arith.mulf %floor3A, %mul3A_49 : vector<1x256xf32>
    %get3A_51 = arith.constant 0 : index
    %get3A_52 = arith.constant 0 : index
    %get3A_53 = memref.load %arg4[%get3A_51, %get3A_52] : memref<1x1xf32, #tpu.memory_space<smem>>
    %mul3A_54 = vector.broadcast %get3A_53 : f32 to vector<1x256xf32>
    %mul3A_55 = arith.mulf %sub3A, %mul3A_54 : vector<1x256xf32>
    %swap3A = arith.constant 0 : index
    %swap3A_56 = arith.constant 0 : index
    %swap3A_57 = arith.constant 0 : index
    %swap3A_58 = vector.load %arg5[%swap3A, %swap3A_56, %swap3A_57] : memref<4x1x256xf32, #tpu.memory_space<vmem>>, vector<1x1x256xf32>
    %swap3A_59 = vector.shape_cast %swap3A_58 : vector<1x1x256xf32> to vector<1x256xf32>
    %swap3A_60 = vector.shape_cast %broadcast_in_dim3A_31 : vector<1x256xf32> to vector<1x1x256xf32>
    tpu.vector_store %arg5[%swap3A, %swap3A_56, %swap3A_57], %swap3A_60 {strides = array<i32>} : memref<4x1x256xf32, #tpu.memory_space<vmem>>, vector<1x1x256xf32>,
    %sub3A_61 = arith.constant 1.600000e+01 : f32
    %sub3A_62 = vector.broadcast %sub3A_61 : f32 to vector<1x256xf32>
    %sub3A_63 = arith.subf %mul3A_55, %sub3A_62 : vector<1x256xf32>
    %swap3A_64 = arith.constant 0 : index
    %swap3A_65 = arith.constant 0 : index
    %swap3A_66 = arith.constant 0 : index
    %swap3A_67 = vector.load %arg6[%swap3A_64, %swap3A_65, %swap3A_66] : memref<4x1x256xf32, #tpu.memory_space<vmem>>, vector<1x1x256xf32>
    %swap3A_68 = vector.shape_cast %swap3A_67 : vector<1x1x256xf32> to vector<1x256xf32>
    %swap3A_69 = vector.shape_cast %sub3A_63 : vector<1x256xf32> to vector<1x1x256xf32>
    tpu.vector_store %arg6[%swap3A_64, %swap3A_65, %swap3A_66], %swap3A_69 {strides = array<i32>} : memref<4x1x256xf32, #tpu.memory_space<vmem>>, vector<1x1x256xf32>,
    %sub3A_70 = arith.constant 1.600000e+01 : f32
    %sub3A_71 = vector.broadcast %sub3A_70 : f32 to vector<1x256xf32>
    %sub3A_72 = arith.subf %mul3A_50, %sub3A_71 : vector<1x256xf32>
    %swap3A_73 = arith.constant 0 : index
    %swap3A_74 = arith.constant 0 : index
    %swap3A_75 = arith.constant 0 : index
    %swap3A_76 = vector.load %arg7[%swap3A_73, %swap3A_74, %swap3A_75] : memref<4x1x256xf32, #tpu.memory_space<vmem>>, vector<1x1x256xf32>
    %swap3A_77 = vector.shape_cast %swap3A_76 : vector<1x1x256xf32> to vector<1x256xf32>
    %swap3A_78 = vector.shape_cast %sub3A_72 : vector<1x256xf32> to vector<1x1x256xf32>
    tpu.vector_store %arg7[%swap3A_73, %swap3A_74, %swap3A_75], %swap3A_78 {strides = array<i32>} : memref<4x1x256xf32, #tpu.memory_space<vmem>>, vector<1x1x256xf32>,
    %add3A = arith.constant 1.600000e+01 : f32
    %add3A_79 = vector.broadcast %add3A : f32 to vector<1x256xf32>
    %add3A_80 = arith.addf %mul3A_55, %add3A_79 : vector<1x256xf32>
    %swap3A_81 = arith.constant 0 : index
    %swap3A_82 = arith.constant 0 : index
    %swap3A_83 = arith.constant 0 : index
    %swap3A_84 = vector.load %arg8[%swap3A_81, %swap3A_82, %swap3A_83] : memref<4x1x256xf32, #tpu.memory_space<vmem>>, vector<1x1x256xf32>
    %swap3A_85 = vector.shape_cast %swap3A_84 : vector<1x1x256xf32> to vector<1x256xf32>
    %swap3A_86 = vector.shape_cast %add3A_80 : vector<1x256xf32> to vector<1x1x256xf32>
    tpu.vector_store %arg8[%swap3A_81, %swap3A_82, %swap3A_83], %swap3A_86 {strides = array<i32>} : memref<4x1x256xf32, #tpu.memory_space<vmem>>, vector<1x1x256xf32>,
    %add3A_87 = arith.constant 1.600000e+01 : f32
    %add3A_88 = vector.broadcast %add3A_87 : f32 to vector<1x256xf32>
    %add3A_89 = arith.addf %mul3A_50, %add3A_88 : vector<1x256xf32>
    %swap3A_90 = arith.constant 0 : index
    %swap3A_91 = arith.constant 0 : index
    %swap3A_92 = arith.constant 0 : index
    %swap3A_93 = vector.load %arg9[%swap3A_90, %swap3A_91, %swap3A_92] : memref<4x1x256xf32, #tpu.memory_space<vmem>>, vector<1x1x256xf32>
    %swap3A_94 = vector.shape_cast %swap3A_93 : vector<1x1x256xf32> to vector<1x256xf32>
    %swap3A_95 = vector.shape_cast %add3A_89 : vector<1x256xf32> to vector<1x1x256xf32>
    tpu.vector_store %arg9[%swap3A_90, %swap3A_91, %swap3A_92], %swap3A_95 {strides = array<i32>} : memref<4x1x256xf32, #tpu.memory_space<vmem>>, vector<1x1x256xf32>,
    %get3A_96 = arith.constant 1 : index
    %get3A_97 = arith.constant 0 : index
    %get3A_98 = arith.constant 0 : index
    %get3A_99 = vector.load %arg1[%get3A_96, %get3A_97, %get3A_98] : memref<4x1x256xf32, #tpu.memory_space<vmem>>, vector<1x1x256xf32>
    %get3A_100 = vector.shape_cast %get3A_99 : vector<1x1x256xf32> to vector<1x256xf32>
    %get3A_101 = arith.constant 1 : index
    %get3A_102 = arith.constant 0 : index
    %get3A_103 = arith.constant 0 : index
    %get3A_104 = vector.load %arg2[%get3A_101, %get3A_102, %get3A_103] : memref<4x1x256xi32, #tpu.memory_space<vmem>>, vector<1x1x256xi32>
    %get3A_105 = vector.shape_cast %get3A_104 : vector<1x1x256xi32> to vector<1x256xi32>
    %transpose3A_106 = tpu.transpose %get3A_100, [1, 0] : vector<1x256xf32> -> vector<256x1xf32>
    %transpose3A_107 = tpu.transpose %get3A_105, [1, 0] : vector<1x256xi32> -> vector<256x1xi32>
    %gt3A_108 = vector.broadcast %transpose3A_106 : vector<256x1xf32> to vector<256x256xf32>
    %gt3A_109 = vector.broadcast %get3A_100 : vector<1x256xf32> to vector<256x256xf32>
    %gt3A_110 = arith.cmpf ogt, %gt3A_108, %gt3A_109 : vector<256x256xf32>
    %eq3A_111 = vector.broadcast %transpose3A_106 : vector<256x1xf32> to vector<256x256xf32>
    %eq3A_112 = vector.broadcast %get3A_100 : vector<1x256xf32> to vector<256x256xf32>
    %eq3A_113 = arith.cmpf oeq, %eq3A_111, %eq3A_112 : vector<256x256xf32>
    %lt3A_114 = vector.broadcast %transpose3A_107 : vector<256x1xi32> to vector<256x256xi32>
    %lt3A_115 = vector.broadcast %get3A_105 : vector<1x256xi32> to vector<256x256xi32>
    %lt3A_116 = arith.cmpi slt, %lt3A_114, %lt3A_115 : vector<256x256xi32>
    %and3A_117 = arith.andi %eq3A_113, %lt3A_116 : vector<256x256xi1>
    %or3A_118 = arith.ori %gt3A_110, %and3A_117 : vector<256x256xi1>
    %jit3A_119 = arith.constant 1.000000e+00 : f32
    %jit3A_120 = arith.constant 0.000000e+00 : f32
    %broadcast_in_dim3A_121 = vector.broadcast %jit3A_119 : f32 to vector<256x256xf32>
    %broadcast_in_dim3A_122 = vector.broadcast %jit3A_120 : f32 to vector<256x256xf32>
    %select_n3A_123 = arith.select %or3A_118, %broadcast_in_dim3A_121, %broadcast_in_dim3A_122 : vector<256x256xi1>, vector<256x256xf32>
    %reduce_sum3A_124 = arith.constant dense<0.000000e+00> : vector<256xf32>
    %reduce_sum3A_125 = vector.multi_reduction <add>, %select_n3A_123, %reduce_sum3A_124 [0] : vector<256x256xf32> to vector<256xf32>
    %broadcast_in_dim3A_126 = vector.shape_cast %reduce_sum3A_125 : vector<256xf32> to vector<1x256xf32>
    %iota3A_127 = tpu.iota {dimensions = array<i32: 1>} : vector<1x256xi32>
    %convert_element_type3A_128 = arith.sitofp %iota3A_127 : vector<1x256xi32> to vector<1x256xf32>
    %transpose3A_129 = tpu.transpose %broadcast_in_dim3A_126, [1, 0] : vector<1x256xf32> -> vector<256x1xf32>
    %eq3A_130 = vector.broadcast %transpose3A_129 : vector<256x1xf32> to vector<256x256xf32>
    %eq3A_131 = vector.broadcast %convert_element_type3A_128 : vector<1x256xf32> to vector<256x256xf32>
    %eq3A_132 = arith.cmpf oeq, %eq3A_130, %eq3A_131 : vector<256x256xf32>
    %jit3A_133 = arith.constant 0.000000e+00 : f32
    %broadcast_in_dim3A_134 = vector.shape_cast %transpose3A_106 : vector<256x1xf32> to vector<256x1xf32>
    %broadcast_in_dim3A_135 = vector.broadcast %broadcast_in_dim3A_134 : vector<256x1xf32> to vector<256x256xf32>
    %broadcast_in_dim3A_136 = vector.broadcast %jit3A_133 : f32 to vector<256x256xf32>
    %select_n3A_137 = arith.select %eq3A_132, %broadcast_in_dim3A_135, %broadcast_in_dim3A_136 : vector<256x256xi1>, vector<256x256xf32>
    %reduce_sum3A_138 = arith.constant dense<0.000000e+00> : vector<256xf32>
    %reduce_sum3A_139 = vector.multi_reduction <add>, %select_n3A_137, %reduce_sum3A_138 [0] : vector<256x256xf32> to vector<256xf32>
    %broadcast_in_dim3A_140 = vector.shape_cast %reduce_sum3A_139 : vector<256xf32> to vector<1x256xf32>
    %convert_element_type3A_141 = arith.sitofp %transpose3A_107 : vector<256x1xi32> to vector<256x1xf32>
    %jit3A_142 = arith.constant 0.000000e+00 : f32
    %broadcast_in_dim3A_143 = vector.shape_cast %convert_element_type3A_141 : vector<256x1xf32> to vector<256x1xf32>
    %broadcast_in_dim3A_144 = vector.broadcast %broadcast_in_dim3A_143 : vector<256x1xf32> to vector<256x256xf32>
    %broadcast_in_dim3A_145 = vector.broadcast %jit3A_142 : f32 to vector<256x256xf32>
    %select_n3A_146 = arith.select %eq3A_132, %broadcast_in_dim3A_144, %broadcast_in_dim3A_145 : vector<256x256xi1>, vector<256x256xf32>
    %reduce_sum3A_147 = arith.constant dense<0.000000e+00> : vector<256xf32>
    %reduce_sum3A_148 = vector.multi_reduction <add>, %select_n3A_146, %reduce_sum3A_147 [0] : vector<256x256xf32> to vector<256xf32>
    %broadcast_in_dim3A_149 = vector.shape_cast %reduce_sum3A_148 : vector<256xf32> to vector<1x256xf32>
    %mul3A_150 = arith.constant 1.562500e-02 : f32
    %mul3A_151 = vector.broadcast %mul3A_150 : f32 to vector<1x256xf32>
    %mul3A_152 = arith.mulf %broadcast_in_dim3A_149, %mul3A_151 : vector<1x256xf32>
    %floor3A_153 = math.floor %mul3A_152 : vector<1x256xf32>
    %mul3A_154 = arith.constant 6.400000e+01 : f32
    %mul3A_155 = vector.broadcast %mul3A_154 : f32 to vector<1x256xf32>
    %mul3A_156 = arith.mulf %floor3A_153, %mul3A_155 : vector<1x256xf32>
    %sub3A_157 = arith.subf %broadcast_in_dim3A_149, %mul3A_156 : vector<1x256xf32>
    %get3A_158 = arith.constant 0 : index
    %get3A_159 = arith.constant 0 : index
    %get3A_160 = memref.load %arg3[%get3A_158, %get3A_159] : memref<1x1xf32, #tpu.memory_space<smem>>
    %mul3A_161 = vector.broadcast %get3A_160 : f32 to vector<1x256xf32>
    %mul3A_162 = arith.mulf %floor3A_153, %mul3A_161 : vector<1x256xf32>
    %get3A_163 = arith.constant 0 : index
    %get3A_164 = arith.constant 0 : index
    %get3A_165 = memref.load %arg4[%get3A_163, %get3A_164] : memref<1x1xf32, #tpu.memory_space<smem>>
    %mul3A_166 = vector.broadcast %get3A_165 : f32 to vector<1x256xf32>
    %mul3A_167 = arith.mulf %sub3A_157, %mul3A_166 : vector<1x256xf32>
    %swap3A_168 = arith.constant 1 : index
    %swap3A_169 = arith.constant 0 : index
    %swap3A_170 = arith.constant 0 : index
    %swap3A_171 = vector.load %arg5[%swap3A_168, %swap3A_169, %swap3A_170] : memref<4x1x256xf32, #tpu.memory_space<vmem>>, vector<1x1x256xf32>
    %swap3A_172 = vector.shape_cast %swap3A_171 : vector<1x1x256xf32> to vector<1x256xf32>
    %swap3A_173 = vector.shape_cast %broadcast_in_dim3A_140 : vector<1x256xf32> to vector<1x1x256xf32>
    tpu.vector_store %arg5[%swap3A_168, %swap3A_169, %swap3A_170], %swap3A_173 {strides = array<i32>} : memref<4x1x256xf32, #tpu.memory_space<vmem>>, vector<1x1x256xf32>,
    %sub3A_174 = arith.constant 1.600000e+01 : f32
    %sub3A_175 = vector.broadcast %sub3A_174 : f32 to vector<1x256xf32>
    %sub3A_176 = arith.subf %mul3A_167, %sub3A_175 : vector<1x256xf32>
    %swap3A_177 = arith.constant 1 : index
    %swap3A_178 = arith.constant 0 : index
    %swap3A_179 = arith.constant 0 : index
    %swap3A_180 = vector.load %arg6[%swap3A_177, %swap3A_178, %swap3A_179] : memref<4x1x256xf32, #tpu.memory_space<vmem>>, vector<1x1x256xf32>
    %swap3A_181 = vector.shape_cast %swap3A_180 : vector<1x1x256xf32> to vector<1x256xf32>
    %swap3A_182 = vector.shape_cast %sub3A_176 : vector<1x256xf32> to vector<1x1x256xf32>
    tpu.vector_store %arg6[%swap3A_177, %swap3A_178, %swap3A_179], %swap3A_182 {strides = array<i32>} : memref<4x1x256xf32, #tpu.memory_space<vmem>>, vector<1x1x256xf32>,
    %sub3A_183 = arith.constant 1.600000e+01 : f32
    %sub3A_184 = vector.broadcast %sub3A_183 : f32 to vector<1x256xf32>
    %sub3A_185 = arith.subf %mul3A_162, %sub3A_184 : vector<1x256xf32>
    %swap3A_186 = arith.constant 1 : index
    %swap3A_187 = arith.constant 0 : index
    %swap3A_188 = arith.constant 0 : index
    %swap3A_189 = vector.load %arg7[%swap3A_186, %swap3A_187, %swap3A_188] : memref<4x1x256xf32, #tpu.memory_space<vmem>>, vector<1x1x256xf32>
    %swap3A_190 = vector.shape_cast %swap3A_189 : vector<1x1x256xf32> to vector<1x256xf32>
    %swap3A_191 = vector.shape_cast %sub3A_185 : vector<1x256xf32> to vector<1x1x256xf32>
    tpu.vector_store %arg7[%swap3A_186, %swap3A_187, %swap3A_188], %swap3A_191 {strides = array<i32>} : memref<4x1x256xf32, #tpu.memory_space<vmem>>, vector<1x1x256xf32>,
    %add3A_192 = arith.constant 1.600000e+01 : f32
    %add3A_193 = vector.broadcast %add3A_192 : f32 to vector<1x256xf32>
    %add3A_194 = arith.addf %mul3A_167, %add3A_193 : vector<1x256xf32>
    %swap3A_195 = arith.constant 1 : index
    %swap3A_196 = arith.constant 0 : index
    %swap3A_197 = arith.constant 0 : index
    %swap3A_198 = vector.load %arg8[%swap3A_195, %swap3A_196, %swap3A_197] : memref<4x1x256xf32, #tpu.memory_space<vmem>>, vector<1x1x256xf32>
    %swap3A_199 = vector.shape_cast %swap3A_198 : vector<1x1x256xf32> to vector<1x256xf32>
    %swap3A_200 = vector.shape_cast %add3A_194 : vector<1x256xf32> to vector<1x1x256xf32>
    tpu.vector_store %arg8[%swap3A_195, %swap3A_196, %swap3A_197], %swap3A_200 {strides = array<i32>} : memref<4x1x256xf32, #tpu.memory_space<vmem>>, vector<1x1x256xf32>,
    %add3A_201 = arith.constant 1.600000e+01 : f32
    %add3A_202 = vector.broadcast %add3A_201 : f32 to vector<1x256xf32>
    %add3A_203 = arith.addf %mul3A_162, %add3A_202 : vector<1x256xf32>
    %swap3A_204 = arith.constant 1 : index
    %swap3A_205 = arith.constant 0 : index
    %swap3A_206 = arith.constant 0 : index
    %swap3A_207 = vector.load %arg9[%swap3A_204, %swap3A_205, %swap3A_206] : memref<4x1x256xf32, #tpu.memory_space<vmem>>, vector<1x1x256xf32>
    %swap3A_208 = vector.shape_cast %swap3A_207 : vector<1x1x256xf32> to vector<1x256xf32>
    %swap3A_209 = vector.shape_cast %add3A_203 : vector<1x256xf32> to vector<1x1x256xf32>
    tpu.vector_store %arg9[%swap3A_204, %swap3A_205, %swap3A_206], %swap3A_209 {strides = array<i32>} : memref<4x1x256xf32, #tpu.memory_space<vmem>>, vector<1x1x256xf32>,
    %get3A_210 = arith.constant 2 : index
    %get3A_211 = arith.constant 0 : index
    %get3A_212 = arith.constant 0 : index
    %get3A_213 = vector.load %arg1[%get3A_210, %get3A_211, %get3A_212] : memref<4x1x256xf32, #tpu.memory_space<vmem>>, vector<1x1x256xf32>
    %get3A_214 = vector.shape_cast %get3A_213 : vector<1x1x256xf32> to vector<1x256xf32>
    %get3A_215 = arith.constant 2 : index
    %get3A_216 = arith.constant 0 : index
    %get3A_217 = arith.constant 0 : index
    %get3A_218 = vector.load %arg2[%get3A_215, %get3A_216, %get3A_217] : memref<4x1x256xi32, #tpu.memory_space<vmem>>, vector<1x1x256xi32>
    %get3A_219 = vector.shape_cast %get3A_218 : vector<1x1x256xi32> to vector<1x256xi32>
    %transpose3A_220 = tpu.transpose %get3A_214, [1, 0] : vector<1x256xf32> -> vector<256x1xf32>
    %transpose3A_221 = tpu.transpose %get3A_219, [1, 0] : vector<1x256xi32> -> vector<256x1xi32>
    %gt3A_222 = vector.broadcast %transpose3A_220 : vector<256x1xf32> to vector<256x256xf32>
    %gt3A_223 = vector.broadcast %get3A_214 : vector<1x256xf32> to vector<256x256xf32>
    %gt3A_224 = arith.cmpf ogt, %gt3A_222, %gt3A_223 : vector<256x256xf32>
    %eq3A_225 = vector.broadcast %transpose3A_220 : vector<256x1xf32> to vector<256x256xf32>
    %eq3A_226 = vector.broadcast %get3A_214 : vector<1x256xf32> to vector<256x256xf32>
    %eq3A_227 = arith.cmpf oeq, %eq3A_225, %eq3A_226 : vector<256x256xf32>
    %lt3A_228 = vector.broadcast %transpose3A_221 : vector<256x1xi32> to vector<256x256xi32>
    %lt3A_229 = vector.broadcast %get3A_219 : vector<1x256xi32> to vector<256x256xi32>
    %lt3A_230 = arith.cmpi slt, %lt3A_228, %lt3A_229 : vector<256x256xi32>
    %and3A_231 = arith.andi %eq3A_227, %lt3A_230 : vector<256x256xi1>
    %or3A_232 = arith.ori %gt3A_224, %and3A_231 : vector<256x256xi1>
    %jit3A_233 = arith.constant 1.000000e+00 : f32
    %jit3A_234 = arith.constant 0.000000e+00 : f32
    %broadcast_in_dim3A_235 = vector.broadcast %jit3A_233 : f32 to vector<256x256xf32>
    %broadcast_in_dim3A_236 = vector.broadcast %jit3A_234 : f32 to vector<256x256xf32>
    %select_n3A_237 = arith.select %or3A_232, %broadcast_in_dim3A_235, %broadcast_in_dim3A_236 : vector<256x256xi1>, vector<256x256xf32>
    %reduce_sum3A_238 = arith.constant dense<0.000000e+00> : vector<256xf32>
    %reduce_sum3A_239 = vector.multi_reduction <add>, %select_n3A_237, %reduce_sum3A_238 [0] : vector<256x256xf32> to vector<256xf32>
    %broadcast_in_dim3A_240 = vector.shape_cast %reduce_sum3A_239 : vector<256xf32> to vector<1x256xf32>
    %iota3A_241 = tpu.iota {dimensions = array<i32: 1>} : vector<1x256xi32>
    %convert_element_type3A_242 = arith.sitofp %iota3A_241 : vector<1x256xi32> to vector<1x256xf32>
    %transpose3A_243 = tpu.transpose %broadcast_in_dim3A_240, [1, 0] : vector<1x256xf32> -> vector<256x1xf32>
    %eq3A_244 = vector.broadcast %transpose3A_243 : vector<256x1xf32> to vector<256x256xf32>
    %eq3A_245 = vector.broadcast %convert_element_type3A_242 : vector<1x256xf32> to vector<256x256xf32>
    %eq3A_246 = arith.cmpf oeq, %eq3A_244, %eq3A_245 : vector<256x256xf32>
    %jit3A_247 = arith.constant 0.000000e+00 : f32
    %broadcast_in_dim3A_248 = vector.shape_cast %transpose3A_220 : vector<256x1xf32> to vector<256x1xf32>
    %broadcast_in_dim3A_249 = vector.broadcast %broadcast_in_dim3A_248 : vector<256x1xf32> to vector<256x256xf32>
    %broadcast_in_dim3A_250 = vector.broadcast %jit3A_247 : f32 to vector<256x256xf32>
    %select_n3A_251 = arith.select %eq3A_246, %broadcast_in_dim3A_249, %broadcast_in_dim3A_250 : vector<256x256xi1>, vector<256x256xf32>
    %reduce_sum3A_252 = arith.constant dense<0.000000e+00> : vector<256xf32>
    %reduce_sum3A_253 = vector.multi_reduction <add>, %select_n3A_251, %reduce_sum3A_252 [0] : vector<256x256xf32> to vector<256xf32>
    %broadcast_in_dim3A_254 = vector.shape_cast %reduce_sum3A_253 : vector<256xf32> to vector<1x256xf32>
    %convert_element_type3A_255 = arith.sitofp %transpose3A_221 : vector<256x1xi32> to vector<256x1xf32>
    %jit3A_256 = arith.constant 0.000000e+00 : f32
    %broadcast_in_dim3A_257 = vector.shape_cast %convert_element_type3A_255 : vector<256x1xf32> to vector<256x1xf32>
    %broadcast_in_dim3A_258 = vector.broadcast %broadcast_in_dim3A_257 : vector<256x1xf32> to vector<256x256xf32>
    %broadcast_in_dim3A_259 = vector.broadcast %jit3A_256 : f32 to vector<256x256xf32>
    %select_n3A_260 = arith.select %eq3A_246, %broadcast_in_dim3A_258, %broadcast_in_dim3A_259 : vector<256x256xi1>, vector<256x256xf32>
    %reduce_sum3A_261 = arith.constant dense<0.000000e+00> : vector<256xf32>
    %reduce_sum3A_262 = vector.multi_reduction <add>, %select_n3A_260, %reduce_sum3A_261 [0] : vector<256x256xf32> to vector<256xf32>
    %broadcast_in_dim3A_263 = vector.shape_cast %reduce_sum3A_262 : vector<256xf32> to vector<1x256xf32>
    %mul3A_264 = arith.constant 1.562500e-02 : f32
    %mul3A_265 = vector.broadcast %mul3A_264 : f32 to vector<1x256xf32>
    %mul3A_266 = arith.mulf %broadcast_in_dim3A_263, %mul3A_265 : vector<1x256xf32>
    %floor3A_267 = math.floor %mul3A_266 : vector<1x256xf32>
    %mul3A_268 = arith.constant 6.400000e+01 : f32
    %mul3A_269 = vector.broadcast %mul3A_268 : f32 to vector<1x256xf32>
    %mul3A_270 = arith.mulf %floor3A_267, %mul3A_269 : vector<1x256xf32>
    %sub3A_271 = arith.subf %broadcast_in_dim3A_263, %mul3A_270 : vector<1x256xf32>
    %get3A_272 = arith.constant 0 : index
    %get3A_273 = arith.constant 0 : index
    %get3A_274 = memref.load %arg3[%get3A_272, %get3A_273] : memref<1x1xf32, #tpu.memory_space<smem>>
    %mul3A_275 = vector.broadcast %get3A_274 : f32 to vector<1x256xf32>
    %mul3A_276 = arith.mulf %floor3A_267, %mul3A_275 : vector<1x256xf32>
    %get3A_277 = arith.constant 0 : index
    %get3A_278 = arith.constant 0 : index
    %get3A_279 = memref.load %arg4[%get3A_277, %get3A_278] : memref<1x1xf32, #tpu.memory_space<smem>>
    %mul3A_280 = vector.broadcast %get3A_279 : f32 to vector<1x256xf32>
    %mul3A_281 = arith.mulf %sub3A_271, %mul3A_280 : vector<1x256xf32>
    %swap3A_282 = arith.constant 2 : index
    %swap3A_283 = arith.constant 0 : index
    %swap3A_284 = arith.constant 0 : index
    %swap3A_285 = vector.load %arg5[%swap3A_282, %swap3A_283, %swap3A_284] : memref<4x1x256xf32, #tpu.memory_space<vmem>>, vector<1x1x256xf32>
    %swap3A_286 = vector.shape_cast %swap3A_285 : vector<1x1x256xf32> to vector<1x256xf32>
    %swap3A_287 = vector.shape_cast %broadcast_in_dim3A_254 : vector<1x256xf32> to vector<1x1x256xf32>
    tpu.vector_store %arg5[%swap3A_282, %swap3A_283, %swap3A_284], %swap3A_287 {strides = array<i32>} : memref<4x1x256xf32, #tpu.memory_space<vmem>>, vector<1x1x256xf32>,
    %sub3A_288 = arith.constant 1.600000e+01 : f32
    %sub3A_289 = vector.broadcast %sub3A_288 : f32 to vector<1x256xf32>
    %sub3A_290 = arith.subf %mul3A_281, %sub3A_289 : vector<1x256xf32>
    %swap3A_291 = arith.constant 2 : index
    %swap3A_292 = arith.constant 0 : index
    %swap3A_293 = arith.constant 0 : index
    %swap3A_294 = vector.load %arg6[%swap3A_291, %swap3A_292, %swap3A_293] : memref<4x1x256xf32, #tpu.memory_space<vmem>>, vector<1x1x256xf32>
    %swap3A_295 = vector.shape_cast %swap3A_294 : vector<1x1x256xf32> to vector<1x256xf32>
    %swap3A_296 = vector.shape_cast %sub3A_290 : vector<1x256xf32> to vector<1x1x256xf32>
    tpu.vector_store %arg6[%swap3A_291, %swap3A_292, %swap3A_293], %swap3A_296 {strides = array<i32>} : memref<4x1x256xf32, #tpu.memory_space<vmem>>, vector<1x1x256xf32>,
    %sub3A_297 = arith.constant 1.600000e+01 : f32
    %sub3A_298 = vector.broadcast %sub3A_297 : f32 to vector<1x256xf32>
    %sub3A_299 = arith.subf %mul3A_276, %sub3A_298 : vector<1x256xf32>
    %swap3A_300 = arith.constant 2 : index
    %swap3A_301 = arith.constant 0 : index
    %swap3A_302 = arith.constant 0 : index
    %swap3A_303 = vector.load %arg7[%swap3A_300, %swap3A_301, %swap3A_302] : memref<4x1x256xf32, #tpu.memory_space<vmem>>, vector<1x1x256xf32>
    %swap3A_304 = vector.shape_cast %swap3A_303 : vector<1x1x256xf32> to vector<1x256xf32>
    %swap3A_305 = vector.shape_cast %sub3A_299 : vector<1x256xf32> to vector<1x1x256xf32>
    tpu.vector_store %arg7[%swap3A_300, %swap3A_301, %swap3A_302], %swap3A_305 {strides = array<i32>} : memref<4x1x256xf32, #tpu.memory_space<vmem>>, vector<1x1x256xf32>,
    %add3A_306 = arith.constant 1.600000e+01 : f32
    %add3A_307 = vector.broadcast %add3A_306 : f32 to vector<1x256xf32>
    %add3A_308 = arith.addf %mul3A_281, %add3A_307 : vector<1x256xf32>
    %swap3A_309 = arith.constant 2 : index
    %swap3A_310 = arith.constant 0 : index
    %swap3A_311 = arith.constant 0 : index
    %swap3A_312 = vector.load %arg8[%swap3A_309, %swap3A_310, %swap3A_311] : memref<4x1x256xf32, #tpu.memory_space<vmem>>, vector<1x1x256xf32>
    %swap3A_313 = vector.shape_cast %swap3A_312 : vector<1x1x256xf32> to vector<1x256xf32>
    %swap3A_314 = vector.shape_cast %add3A_308 : vector<1x256xf32> to vector<1x1x256xf32>
    tpu.vector_store %arg8[%swap3A_309, %swap3A_310, %swap3A_311], %swap3A_314 {strides = array<i32>} : memref<4x1x256xf32, #tpu.memory_space<vmem>>, vector<1x1x256xf32>,
    %add3A_315 = arith.constant 1.600000e+01 : f32
    %add3A_316 = vector.broadcast %add3A_315 : f32 to vector<1x256xf32>
    %add3A_317 = arith.addf %mul3A_276, %add3A_316 : vector<1x256xf32>
    %swap3A_318 = arith.constant 2 : index
    %swap3A_319 = arith.constant 0 : index
    %swap3A_320 = arith.constant 0 : index
    %swap3A_321 = vector.load %arg9[%swap3A_318, %swap3A_319, %swap3A_320] : memref<4x1x256xf32, #tpu.memory_space<vmem>>, vector<1x1x256xf32>
    %swap3A_322 = vector.shape_cast %swap3A_321 : vector<1x1x256xf32> to vector<1x256xf32>
    %swap3A_323 = vector.shape_cast %add3A_317 : vector<1x256xf32> to vector<1x1x256xf32>
    tpu.vector_store %arg9[%swap3A_318, %swap3A_319, %swap3A_320], %swap3A_323 {strides = array<i32>} : memref<4x1x256xf32, #tpu.memory_space<vmem>>, vector<1x1x256xf32>,
    %get3A_324 = arith.constant 3 : index
    %get3A_325 = arith.constant 0 : index
    %get3A_326 = arith.constant 0 : index
    %get3A_327 = vector.load %arg1[%get3A_324, %get3A_325, %get3A_326] : memref<4x1x256xf32, #tpu.memory_space<vmem>>, vector<1x1x256xf32>
    %get3A_328 = vector.shape_cast %get3A_327 : vector<1x1x256xf32> to vector<1x256xf32>
    %get3A_329 = arith.constant 3 : index
    %get3A_330 = arith.constant 0 : index
    %get3A_331 = arith.constant 0 : index
    %get3A_332 = vector.load %arg2[%get3A_329, %get3A_330, %get3A_331] : memref<4x1x256xi32, #tpu.memory_space<vmem>>, vector<1x1x256xi32>
    %get3A_333 = vector.shape_cast %get3A_332 : vector<1x1x256xi32> to vector<1x256xi32>
    %transpose3A_334 = tpu.transpose %get3A_328, [1, 0] : vector<1x256xf32> -> vector<256x1xf32>
    %transpose3A_335 = tpu.transpose %get3A_333, [1, 0] : vector<1x256xi32> -> vector<256x1xi32>
    %gt3A_336 = vector.broadcast %transpose3A_334 : vector<256x1xf32> to vector<256x256xf32>
    %gt3A_337 = vector.broadcast %get3A_328 : vector<1x256xf32> to vector<256x256xf32>
    %gt3A_338 = arith.cmpf ogt, %gt3A_336, %gt3A_337 : vector<256x256xf32>
    %eq3A_339 = vector.broadcast %transpose3A_334 : vector<256x1xf32> to vector<256x256xf32>
    %eq3A_340 = vector.broadcast %get3A_328 : vector<1x256xf32> to vector<256x256xf32>
    %eq3A_341 = arith.cmpf oeq, %eq3A_339, %eq3A_340 : vector<256x256xf32>
    %lt3A_342 = vector.broadcast %transpose3A_335 : vector<256x1xi32> to vector<256x256xi32>
    %lt3A_343 = vector.broadcast %get3A_333 : vector<1x256xi32> to vector<256x256xi32>
    %lt3A_344 = arith.cmpi slt, %lt3A_342, %lt3A_343 : vector<256x256xi32>
    %and3A_345 = arith.andi %eq3A_341, %lt3A_344 : vector<256x256xi1>
    %or3A_346 = arith.ori %gt3A_338, %and3A_345 : vector<256x256xi1>
    %jit3A_347 = arith.constant 1.000000e+00 : f32
    %jit3A_348 = arith.constant 0.000000e+00 : f32
    %broadcast_in_dim3A_349 = vector.broadcast %jit3A_347 : f32 to vector<256x256xf32>
    %broadcast_in_dim3A_350 = vector.broadcast %jit3A_348 : f32 to vector<256x256xf32>
    %select_n3A_351 = arith.select %or3A_346, %broadcast_in_dim3A_349, %broadcast_in_dim3A_350 : vector<256x256xi1>, vector<256x256xf32>
    %reduce_sum3A_352 = arith.constant dense<0.000000e+00> : vector<256xf32>
    %reduce_sum3A_353 = vector.multi_reduction <add>, %select_n3A_351, %reduce_sum3A_352 [0] : vector<256x256xf32> to vector<256xf32>
    %broadcast_in_dim3A_354 = vector.shape_cast %reduce_sum3A_353 : vector<256xf32> to vector<1x256xf32>
    %iota3A_355 = tpu.iota {dimensions = array<i32: 1>} : vector<1x256xi32>
    %convert_element_type3A_356 = arith.sitofp %iota3A_355 : vector<1x256xi32> to vector<1x256xf32>
    %transpose3A_357 = tpu.transpose %broadcast_in_dim3A_354, [1, 0] : vector<1x256xf32> -> vector<256x1xf32>
    %eq3A_358 = vector.broadcast %transpose3A_357 : vector<256x1xf32> to vector<256x256xf32>
    %eq3A_359 = vector.broadcast %convert_element_type3A_356 : vector<1x256xf32> to vector<256x256xf32>
    %eq3A_360 = arith.cmpf oeq, %eq3A_358, %eq3A_359 : vector<256x256xf32>
    %jit3A_361 = arith.constant 0.000000e+00 : f32
    %broadcast_in_dim3A_362 = vector.shape_cast %transpose3A_334 : vector<256x1xf32> to vector<256x1xf32>
    %broadcast_in_dim3A_363 = vector.broadcast %broadcast_in_dim3A_362 : vector<256x1xf32> to vector<256x256xf32>
    %broadcast_in_dim3A_364 = vector.broadcast %jit3A_361 : f32 to vector<256x256xf32>
    %select_n3A_365 = arith.select %eq3A_360, %broadcast_in_dim3A_363, %broadcast_in_dim3A_364 : vector<256x256xi1>, vector<256x256xf32>
    %reduce_sum3A_366 = arith.constant dense<0.000000e+00> : vector<256xf32>
    %reduce_sum3A_367 = vector.multi_reduction <add>, %select_n3A_365, %reduce_sum3A_366 [0] : vector<256x256xf32> to vector<256xf32>
    %broadcast_in_dim3A_368 = vector.shape_cast %reduce_sum3A_367 : vector<256xf32> to vector<1x256xf32>
    %convert_element_type3A_369 = arith.sitofp %transpose3A_335 : vector<256x1xi32> to vector<256x1xf32>
    %jit3A_370 = arith.constant 0.000000e+00 : f32
    %broadcast_in_dim3A_371 = vector.shape_cast %convert_element_type3A_369 : vector<256x1xf32> to vector<256x1xf32>
    %broadcast_in_dim3A_372 = vector.broadcast %broadcast_in_dim3A_371 : vector<256x1xf32> to vector<256x256xf32>
    %broadcast_in_dim3A_373 = vector.broadcast %jit3A_370 : f32 to vector<256x256xf32>
    %select_n3A_374 = arith.select %eq3A_360, %broadcast_in_dim3A_372, %broadcast_in_dim3A_373 : vector<256x256xi1>, vector<256x256xf32>
    %reduce_sum3A_375 = arith.constant dense<0.000000e+00> : vector<256xf32>
    %reduce_sum3A_376 = vector.multi_reduction <add>, %select_n3A_374, %reduce_sum3A_375 [0] : vector<256x256xf32> to vector<256xf32>
    %broadcast_in_dim3A_377 = vector.shape_cast %reduce_sum3A_376 : vector<256xf32> to vector<1x256xf32>
    %mul3A_378 = arith.constant 1.562500e-02 : f32
    %mul3A_379 = vector.broadcast %mul3A_378 : f32 to vector<1x256xf32>
    %mul3A_380 = arith.mulf %broadcast_in_dim3A_377, %mul3A_379 : vector<1x256xf32>
    %floor3A_381 = math.floor %mul3A_380 : vector<1x256xf32>
    %mul3A_382 = arith.constant 6.400000e+01 : f32
    %mul3A_383 = vector.broadcast %mul3A_382 : f32 to vector<1x256xf32>
    %mul3A_384 = arith.mulf %floor3A_381, %mul3A_383 : vector<1x256xf32>
    %sub3A_385 = arith.subf %broadcast_in_dim3A_377, %mul3A_384 : vector<1x256xf32>
    %get3A_386 = arith.constant 0 : index
    %get3A_387 = arith.constant 0 : index
    %get3A_388 = memref.load %arg3[%get3A_386, %get3A_387] : memref<1x1xf32, #tpu.memory_space<smem>>
    %mul3A_389 = vector.broadcast %get3A_388 : f32 to vector<1x256xf32>
    %mul3A_390 = arith.mulf %floor3A_381, %mul3A_389 : vector<1x256xf32>
    %get3A_391 = arith.constant 0 : index
    %get3A_392 = arith.constant 0 : index
    %get3A_393 = memref.load %arg4[%get3A_391, %get3A_392] : memref<1x1xf32, #tpu.memory_space<smem>>
    %mul3A_394 = vector.broadcast %get3A_393 : f32 to vector<1x256xf32>
    %mul3A_395 = arith.mulf %sub3A_385, %mul3A_394 : vector<1x256xf32>
    %swap3A_396 = arith.constant 3 : index
    %swap3A_397 = arith.constant 0 : index
    %swap3A_398 = arith.constant 0 : index
    %swap3A_399 = vector.load %arg5[%swap3A_396, %swap3A_397, %swap3A_398] : memref<4x1x256xf32, #tpu.memory_space<vmem>>, vector<1x1x256xf32>
    %swap3A_400 = vector.shape_cast %swap3A_399 : vector<1x1x256xf32> to vector<1x256xf32>
    %swap3A_401 = vector.shape_cast %broadcast_in_dim3A_368 : vector<1x256xf32> to vector<1x1x256xf32>
    tpu.vector_store %arg5[%swap3A_396, %swap3A_397, %swap3A_398], %swap3A_401 {strides = array<i32>} : memref<4x1x256xf32, #tpu.memory_space<vmem>>, vector<1x1x256xf32>,
    %sub3A_402 = arith.constant 1.600000e+01 : f32
    %sub3A_403 = vector.broadcast %sub3A_402 : f32 to vector<1x256xf32>
    %sub3A_404 = arith.subf %mul3A_395, %sub3A_403 : vector<1x256xf32>
    %swap3A_405 = arith.constant 3 : index
    %swap3A_406 = arith.constant 0 : index
    %swap3A_407 = arith.constant 0 : index
    %swap3A_408 = vector.load %arg6[%swap3A_405, %swap3A_406, %swap3A_407] : memref<4x1x256xf32, #tpu.memory_space<vmem>>, vector<1x1x256xf32>
    %swap3A_409 = vector.shape_cast %swap3A_408 : vector<1x1x256xf32> to vector<1x256xf32>
    %swap3A_410 = vector.shape_cast %sub3A_404 : vector<1x256xf32> to vector<1x1x256xf32>
    tpu.vector_store %arg6[%swap3A_405, %swap3A_406, %swap3A_407], %swap3A_410 {strides = array<i32>} : memref<4x1x256xf32, #tpu.memory_space<vmem>>, vector<1x1x256xf32>,
    %sub3A_411 = arith.constant 1.600000e+01 : f32
    %sub3A_412 = vector.broadcast %sub3A_411 : f32 to vector<1x256xf32>
    %sub3A_413 = arith.subf %mul3A_390, %sub3A_412 : vector<1x256xf32>
    %swap3A_414 = arith.constant 3 : index
    %swap3A_415 = arith.constant 0 : index
    %swap3A_416 = arith.constant 0 : index
    %swap3A_417 = vector.load %arg7[%swap3A_414, %swap3A_415, %swap3A_416] : memref<4x1x256xf32, #tpu.memory_space<vmem>>, vector<1x1x256xf32>
    %swap3A_418 = vector.shape_cast %swap3A_417 : vector<1x1x256xf32> to vector<1x256xf32>
    %swap3A_419 = vector.shape_cast %sub3A_413 : vector<1x256xf32> to vector<1x1x256xf32>
    tpu.vector_store %arg7[%swap3A_414, %swap3A_415, %swap3A_416], %swap3A_419 {strides = array<i32>} : memref<4x1x256xf32, #tpu.memory_space<vmem>>, vector<1x1x256xf32>,
    %add3A_420 = arith.constant 1.600000e+01 : f32
    %add3A_421 = vector.broadcast %add3A_420 : f32 to vector<1x256xf32>
    %add3A_422 = arith.addf %mul3A_395, %add3A_421 : vector<1x256xf32>
    %swap3A_423 = arith.constant 3 : index
    %swap3A_424 = arith.constant 0 : index
    %swap3A_425 = arith.constant 0 : index
    %swap3A_426 = vector.load %arg8[%swap3A_423, %swap3A_424, %swap3A_425] : memref<4x1x256xf32, #tpu.memory_space<vmem>>, vector<1x1x256xf32>
    %swap3A_427 = vector.shape_cast %swap3A_426 : vector<1x1x256xf32> to vector<1x256xf32>
    %swap3A_428 = vector.shape_cast %add3A_422 : vector<1x256xf32> to vector<1x1x256xf32>
    tpu.vector_store %arg8[%swap3A_423, %swap3A_424, %swap3A_425], %swap3A_428 {strides = array<i32>} : memref<4x1x256xf32, #tpu.memory_space<vmem>>, vector<1x1x256xf32>,
    %add3A_429 = arith.constant 1.600000e+01 : f32
    %add3A_430 = vector.broadcast %add3A_429 : f32 to vector<1x256xf32>
    %add3A_431 = arith.addf %mul3A_390, %add3A_430 : vector<1x256xf32>
    %swap3A_432 = arith.constant 3 : index
    %swap3A_433 = arith.constant 0 : index
    %swap3A_434 = arith.constant 0 : index
    %swap3A_435 = vector.load %arg9[%swap3A_432, %swap3A_433, %swap3A_434] : memref<4x1x256xf32, #tpu.memory_space<vmem>>, vector<1x1x256xf32>
    %swap3A_436 = vector.shape_cast %swap3A_435 : vector<1x1x256xf32> to vector<1x256xf32>
    %swap3A_437 = vector.shape_cast %add3A_431 : vector<1x256xf32> to vector<1x1x256xf32>
    tpu.vector_store %arg9[%swap3A_432, %swap3A_433, %swap3A_434], %swap3A_437 {strides = array<i32>} : memref<4x1x256xf32, #tpu.memory_space<vmem>>, vector<1x1x256xf32>,
    return
  }
  func.func @transform_0(%arg0: i32) -> (i32, i32, i32) {
    %c0_i32 = arith.constant 0 : i32
    %c0_i32_0 = arith.constant 0 : i32
    %c0_i32_1 = arith.constant 0 : i32
    return %arg0, %c0_i32, %c0_i32_0 : i32, i32, i32
  }
  func.func @transform_1(%arg0: i32) -> (i32, i32, i32) {
    %c0_i32 = arith.constant 0 : i32
    %c0_i32_0 = arith.constant 0 : i32
    %c0_i32_1 = arith.constant 0 : i32
    return %arg0, %c0_i32, %c0_i32_0 : i32, i32, i32
  }
  func.func @transform_2(%arg0: i32) -> (i32, i32) {
    %c0_i32 = arith.constant 0 : i32
    %c0_i32_0 = arith.constant 0 : i32
    %c0_i32_1 = arith.constant 0 : i32
    return %c0_i32, %c0_i32_0 : i32, i32
  }
  func.func @transform_3(%arg0: i32) -> (i32, i32) {
    %c0_i32 = arith.constant 0 : i32
    %c0_i32_0 = arith.constant 0 : i32
    %c0_i32_1 = arith.constant 0 : i32
    return %c0_i32, %c0_i32_0 : i32, i32
  }
  func.func @transform_4(%arg0: i32) -> (i32, i32, i32) {
    %c0_i32 = arith.constant 0 : i32
    %c0_i32_0 = arith.constant 0 : i32
    %c0_i32_1 = arith.constant 0 : i32
    return %arg0, %c0_i32, %c0_i32_0 : i32, i32, i32
  }
  func.func @transform_5(%arg0: i32) -> (i32, i32, i32) {
    %c0_i32 = arith.constant 0 : i32
    %c0_i32_0 = arith.constant 0 : i32
    %c0_i32_1 = arith.constant 0 : i32
    return %arg0, %c0_i32, %c0_i32_0 : i32, i32, i32
  }
  func.func @transform_6(%arg0: i32) -> (i32, i32, i32) {
    %c0_i32 = arith.constant 0 : i32
    %c0_i32_0 = arith.constant 0 : i32
    %c0_i32_1 = arith.constant 0 : i32
    return %arg0, %c0_i32, %c0_i32_0 : i32, i32, i32
  }
  func.func @transform_7(%arg0: i32) -> (i32, i32, i32) {
    %c0_i32 = arith.constant 0 : i32
    %c0_i32_0 = arith.constant 0 : i32
    %c0_i32_1 = arith.constant 0 : i32
    return %arg0, %c0_i32, %c0_i32_0 : i32, i32, i32
  }
  func.func @transform_8(%arg0: i32) -> (i32, i32, i32) {
    %c0_i32 = arith.constant 0 : i32
    %c0_i32_0 = arith.constant 0 : i32
    %c0_i32_1 = arith.constant 0 : i32
    return %arg0, %c0_i32, %c0_i32_0 : i32, i32, i32
  }
}

</mosaic_0001>

<sc_bundles>
// kernel: kernel.5.cloned.1.call-start
scs
__scs_entry_jumppad:
0x0: {  	(pc) =	sbr.rel $0x88, $3  }
0x1: {  	(tag) =	ssettag $0x0;
	lr =	simm.s32 $0x1  }
0x2: {  	[smem:$0x3F9C] =	sst lr;
	_ =	strace $0xD0000000  }
0x3: {  	_ = 	snop  }
0x4: {  	_ = 	snop  }
0x5: {  	_ = 	snop  }
0x6: {  	_ = 	snop  }
0x7: {  	_ = 	snop  }
__scs_overlays_trampoline_lowered:
0x8: {  	[smem:$0x3FAB] =	sst s0  }
0x9: {  	[smem:$0x3FAC] =	sst s1  }
0xa: {  	[smem:$0x3FAD] =	sst s2  }
0xb: {  	[smem:$0x3FAE] =	sst s3  }
0xc: {  	[smem:$0x3FAF] =	sst s4  }
0xd: {  	[smem:$0x3FB0] =	sst s5  }
0xe: {  	[smem:$0x3FB1] =	sst s6  }
0xf: {  	[smem:$0x3FB2] =	sst s7  }
0x10: {  	[smem:$0x3FB3] =	sst s8  }
0x11: {  	[smem:$0x3FB4] =	sst s9;
	s0 =	simm.s32 @!p0 $0x0  }
0x12: {  	s1 =	sld [smem:$0x3F9A];
	s0 =	simm.s32 @p0 $0x1  }
0x13: {  	[smem:$0x3FB5] =	sst s0;
	s0 =	simm.s32 @!p1 $0x0  }
0x14: {  	s2 =	sld [smem:$0x3F99];
	s0 =	simm.s32 @p1 $0x1  }
0x15: {  	[smem:$0x3FB6] =	sst s0;
	s0 =	simm.s32 @!p2 $0x0  }
0x16: {  	s3 =	sld [smem:$0x3FDB];
	s0 =	simm.s32 @p2 $0x1  }
0x17: {  	s4 =	simm.s32 $0x1BF5;
	[smem:$0x3FB8] =	sst s0  }
0x18: {  	s0 =	sld [smem:$0x3F9B];
	_ =	swait.ge [sflag:s4], $0x0  }
0x19: {  	s7 =	sld [smem:$0x3F9C]  }
0x1a: {  	s8 =	sadd.s32 $0xFFFFE003, lr  }
0x1b: {  	s9 =	sadd.s32 $0xFFFFFEF7, lr;
	s5 =	simm.s32 $0xFFFFFFFF;
	p2 =	slt.u32 s8, $0xFFFFF086  }
0x1c: {  	p1 =	slt.u32 s9, $0xF7A;
	s5 =	simm.s32 @!p2 $0x0  }
0x1d: {  	s5 =	simm.s32 @p1 $0x1;
	p0 =	seq.s32 s7, s2  }
0x1e: {  	s7 =	smul.u32 @!p0 $0xF7A, s2;
	p2 =	seq.s32 @!p0 s5, $0x0  }
0x1f: {  	s9 =	smul.u32 $0xF7A, s1;
	s8 =	simm.s32 @!p0 $0x1BF5;
	p2 =	por !p2, p0  }
0x20: {  	[sflag:s8] =	ssyncset.s32 @!p0 $0xFFFFF086;
	s6 =	sadd.s32 @!p0 s3, s7;
	s7 =	simm.s32 @!p0 $0x108  }
0x21: {  	s3 =	sadd.s32 s3, s9;
	s6 =	sadd.s32 @!p0 $0x88, s6;
	s7 =	simm.s32 @p2 $0x1082  }
0x22: {  	[simem:s7], [sflag:s8] =	dma.local @!p0 [hbm:s6], $0xF7A  }
0x23: {  	s9 =	sor.u32 $0xD0000000, s2;
	s6 =	simm.s32 $0x108;
	_ =	swait.ge @!p0 [sflag:s8], $0x0  }
0x24: {  	s3 =	sadd.s32 $0x88, s3;
	s6 =	simm.s32 @!p1 $0x1082;
	[sflag:s4] =	ssyncset.s32 $0xFFFFF086  }
0x25: {  	[simem:s6], [sflag:s4] =	dma.local [hbm:s3], $0xF7A  }
0x26: {  	[smem:$0x3F9C] =	sst s1;
	(tag) =	ssettag s2;
	_ =	strace s9  }
0x27: {  	s1 =	sld [smem:$0x3FAC]  }
0x28: {  	s2 =	sld [smem:$0x3FAD]  }
0x29: {  	s4 =	sld [smem:$0x3FAF]  }
0x2a: {  	p0 =	seq.s32 s5, $0x0;
	s5 =	sld [smem:$0x3FB0]  }
0x2b: {  	s6 =	sld [smem:$0x3FB1]  }
0x2c: {  	s7 =	sld [smem:$0x3FB2]  }
0x2d: {  	s3 =	simm.s32 $0x108;
	s8 =	sld [smem:$0x3FB3]  }
0x2e: {  	s3 =	simm.s32 @!p0 $0x1082;
	s9 =	sld [smem:$0x3FB4]  }
0x2f: {  	lr =	sadd.s32 s0, s3;
	s0 =	sld [smem:$0x3FAB]  }
0x30: {  	s3 =	sld [smem:$0x3FAE]  }
0x31: {  	[smem:$0x3FB7] =	sst s10  }
0x32: {  	s10 =	sld [smem:$0x3FB5];
	_ =	sdelay $0x3  }
0x33: {  	p0 =	seq.s32 s10, $0x1;
	s10 =	sld [smem:$0x3FB7];
	_ =	sdelay $0x3  }
0x34: {  	[smem:$0x3FB7] =	sst s10  }
0x35: {  	s10 =	sld [smem:$0x3FB6];
	_ =	sdelay $0x3  }
0x36: {  	p1 =	seq.s32 s10, $0x1;
	s10 =	sld [smem:$0x3FB7];
	_ =	sdelay $0x3  }
0x37: {  	[smem:$0x3FB7] =	sst s10  }
0x38: {  	s10 =	sld [smem:$0x3FB8]  }
0x39: {  	_ = 	snop;
	(pc) =	sbr.ind lr, $3  }
0x3a: {  	_ = 	snop  }
0x3b: {  	_ = 	snop  }
0x3c: {  	p2 =	seq.s32 s10, $0x1;
	s10 =	sld [smem:$0x3FB7]  }
0x3d: {  	_ =	shalt  }
0x3e: {  	_ =	shalt  }
0x3f: {  	_ =	shalt  }
0x40: {  	_ =	shalt  }
0x41: {  	_ =	shalt  }
0x42: {  	_ =	shalt  }
0x43: {  	_ =	shalt  }
0x44: {  	_ =	shalt  }
0x45: {  	_ =	shalt  }
0x46: {  	_ =	shalt  }
0x47: {  	_ =	shalt  }
0x48: {  	_ =	shalt  }
0x49: {  	_ =	shalt  }
0x4a: {  	_ =	shalt  }
0x4b: {  	_ =	shalt  }
0x4c: {  	_ =	shalt  }
0x4d: {  	_ =	shalt  }
0x4e: {  	_ =	shalt  }
0x4f: {  	_ =	shalt  }
0x50: {  	_ =	shalt  }
0x51: {  	_ =	shalt  }
0x52: {  	_ =	shalt  }
0x53: {  	_ =	shalt  }
0x54: {  	_ =	shalt  }
0x55: {  	_ =	shalt  }
0x56: {  	_ =	shalt  }
0x57: {  	_ =	shalt  }
0x58: {  	_ =	shalt  }
0x59: {  	_ =	shalt  }
0x5a: {  	_ =	shalt  }
0x5b: {  	_ =	shalt  }
0x5c: {  	_ =	shalt  }
0x5d: {  	_ =	shalt  }
0x5e: {  	_ =	shalt  }
0x5f: {  	_ =	shalt  }
0x60: {  	_ =	shalt  }
0x61: {  	_ =	shalt  }
0x62: {  	_ =	shalt  }
0x63: {  	_ =	shalt  }
0x64: {  	_ =	shalt  }
0x65: {  	_ =	shalt  }
0x66: {  	_ =	shalt  }
0x67: {  	_ =	shalt  }
0x68: {  	_ =	shalt  }
0x69: {  	_ =	shalt  }
0x6a: {  	_ =	shalt  }
0x6b: {  	_ =	shalt  }
0x6c: {  	_ =	shalt  }
0x6d: {  	_ =	shalt  }
0x6e: {  	_ =	shalt  }
0x6f: {  	_ =	shalt  }
0x70: {  	_ =	shalt  }
0x71: {  	_ =	shalt  }
0x72: {  	_ =	shalt  }
0x73: {  	_ =	shalt  }
0x74: {  	_ =	shalt  }
0x75: {  	_ =	shalt  }
0x76: {  	_ =	shalt  }
0x77: {  	_ =	shalt  }
0x78: {  	_ =	shalt  }
0x79: {  	_ =	shalt  }
0x7a: {  	_ =	shalt  }
0x7b: {  	_ =	shalt  }
0x7c: {  	_ =	shalt  }
0x7d: {  	_ =	shalt  }
0x7e: {  	_ =	shalt  }
0x7f: {  	_ =	shalt  }
0x80: {  	_ =	shalt  }
0x81: {  	_ =	shalt  }
0x82: {  	_ =	shalt  }
0x83: {  	_ =	shalt  }
0x84: {  	_ =	shalt  }
0x85: {  	_ =	shalt  }
0x86: {  	_ =	shalt  }
0x87: {  	_ =	shalt  }
.Lfunc_end0:
.L_simem_size_0:
called_computation_lowered:
.L_overlay_start_0:
0x88: {  	s2 =	sld [smem:$0x3FD9]  }
0x89: {  	s3 =	sld [smem:$0x3FFE];
	_ =	sdelay $0x1  }
0x8a: {  	s1 =	srdreg.scid  }
0x8b: {  	s0 =	sand.u32 $0x1, s1  }
0x8c: {  	s14 =	sshll.u32 s0, $0xA;
	s2 =	sadd.s32 s3, s2  }
0x8d: {  	s2 =	sadd.s32 s2, s14  }
0x8e: {  	[smem:$0x3FC3] =	sst s2  }
0x8f: {  	_ = 	snop  }
0x90: {  	s2 =	sld [smem:$0x3FD0];
	_ =	sdelay $0x2  }
0x91: {  	s15 =	simm.s32 $0xA;
	s4 =	simm.s32 $0x10  }
0x92: {  	[smem:s4], [sflag:s15] =	dma.local [hbm:s2], $0x1  }
0x93: {  	_ =	swait.eq [sflag:s15], $0x1  }
0x94: {  	[sflag:s15] =	ssyncset.done $0x0  }
0x95: {  	s16 =	sld [smem:$0x10];
	[sflag:s15] =	ssyncadd.s32 $0xFFFFFFFF  }
0x96: {  	s17 =	sld [smem:$0x11];
	(tm) =	ssettm $0x1  }
0x97: {  	s18 =	sld [smem:$0x3FFB];
	_ =	sdelay $0x3  }
0x98: {  	_ =	strace s18  }
0x99: {  	s4 =	sld [smem:$0x3FFC];
	_ =	sdelay $0x3  }
0x9a: {  	_ =	strace s4  }
0x9b: {  	s4 =	sld [smem:$0x3FFD];
	_ =	sdelay $0x3  }
0x9c: {  	_ =	strace s4  }
0x9d: {  	_ =	strace $0x8FFFFFFF  }
0x9e: {  	s19 =	sld [smem:$0x3FDB];
	_ =	sdelay $0x1  }
0x9f: {  	s5 =	simm.s32 $_scs_section_size  }
0xa0: {  	s6 =	simm.s32 $_size__tile_overlayer_lowered;
	s7 =	simm.s32 $_tile_overlayer_lowered  }
0xa1: {  	s22 =	simm.s32 $0x1BFF;
	s21 =	sshll.u32 s7, $0x1;
	s4 =	sadd.s32 s5, s19  }
0xa2: {  	s8 =	simm.s32 $0x0;
	s20 =	sshll.u32 s6, $0x1;
	s6 =	sadd.s32 s21, s4  }
0xa3: {  	[timem:s8], [sflag:s22] =	dma.local [hbm:s6], s20  }
0xa4: {  	_ =	swait.ge [sflag:s22], s20  }
0xa5: {  	s5 =	ssub.s32 $0x0, s20;
	[sflag:s22] =	ssyncset.done $0x0  }
0xa6: {  	[sflag:s22] =	ssyncadd.s32 s5;
	_ =	sdelay $0x1  }
0xa7: {  	s23 =	simm.s32 $0x1B8B  }
0xa8: {  	_ =	swait.ge [sflag:s23], $0x1  }
0xa9: {  	[sflag:s23] =	ssyncset.done $0x0  }
0xaa: {  	s25 =	simm.s32 $0x1B8E;
	s24 =	sld [smem:$0x3FFE];
	[sflag:s23] =	ssyncadd.s32 $0xFFFFFFFF  }
0xab: {  	s26 =	simm.s32 $execute0_lowered;
	[smem:$0x3FD2] =	sst s25  }
0xac: {  	s6 =	sshll.u32 s26, $0x1;
	_ =	strace $0x80000046;
	[dreg:$0x1] =	wrdreg $0xFFFFFFFF  }
0xad: {  	s28 =	simm.s32 $_size_execute0_lowered;
	s4 =	sadd.s32 s4, s6;
	[dreg:$0x0] =	wrdreg $0x0  }
0xae: {  	s6 =	sshll.u32 s28, $0x1;
	[dreg:$0x2] =	wrdreg s4  }
0xaf: {  	[dreg:$0x3] =	wrdreg s6  }
0xb0: {  	[dreg:$0x4] =	wrdreg $0xC0  }
0xb1: {  	_ =	task [dreg:s8], $0x5FFFF  }
0xb2: {  	[dreg:$0x1] =	wrdreg $0xFFFFFFFF  }
0xb3: {  	[dreg:$0x0] =	wrdreg $0x60  }
0xb4: {  	[dreg:$0x2] =	wrdreg s24  }
0xb5: {  	[dreg:$0x3] =	wrdreg s17  }
0xb6: {  	[dreg:$0x4] =	wrdreg s16  }
0xb7: {  	[dreg:$0x5] =	wrdreg $0x9  }
0xb8: {  	_ =	task.clear_ibuf [dreg:s8], $0x6FFFF;
	_ =	strace $0x90000046  }
0xb9: {  	s29 =	simm.s32 $0x9;
	_ =	strace $0x80000048  }
0xba: {  	_ =	swait.ge [sflag:s29], $0x1  }
0xbb: {  	[sflag:s29] =	ssyncadd.s32 $0xFFFFFFFF  }
0xbc: {  	_ =	strace $0x90000048  }
0xbd: {  	_ =	sfence  }
0xbe: {  	s30 =	sld [smem:$0x0];
	_ =	sdelay $0x2  }
0xbf: {  	s31 =	sshll.u32 s1, $0xD;
	s1 =	sshrl.u32 s1, $0x2  }
0xc0: {  	s3 =	sand.u32 $0x4000, s31;
	s1 =	sadd.s32 s1, s30  }
0xc1: {  	s0 =	sor.u32 s3, s0;
	s1 =	sshll.u32 s1, $0x11  }
0xc2: {  	s0 =	sor.u32 s1, s0  }
0xc3: {  	s0 =	sadd.s32 $0x8F2B, s0  }
0xc4: {  	[sflag:s0] =	ssyncadd.remote.s32 $0x1  }
0xc5: {  	_ =	sfence.sel $0xFFFF  }
0xc6: {  	[dreg:$0x0] =	wrdreg $0xFFFFFFFF;
	(pc) =	sbr.abs _section_cstart, $3  }
0xc7: {  	[dreg:$0x1] =	wrdreg $0xFFFFFFFF  }
0xc8: {  	_ =	task.clear_ibuf [dreg:s8], $0x2FFFF;
	_ =	strace $0x9FFFFFFF  }
0xc9: {  	(tm) =	ssettm $0x7FFFFFFF  }
tec
execute0_lowered:
.L_overlay_start_1:
0x0: {  	(tag) =	ssettag $0x1  }
0x1: {  	s3 =	rddreg [dreg:$0x0]  }
0x2: {  	s4 =	rddreg [dreg:$0x1]  }
0x3: {  	s5 =	rddreg [dreg:$0x2]  }
0x4: {  	s0 =	rddreg [dreg:$0x3]  }
0x5: {  	s6 =	srdreg.scid;
	s1 =	stileid.u32  }
0x6: {  	s2 =	simm.s32 $0x0;
	s10 =	simm.s32 $0x1000;
	s11 =	simm.s32 $0x1100  }
0x7: {  	s12 =	simm.s32 $0x1200;
	s13 =	simm.s32 $0x0;
	s6 =	sand.u32 $0x1, s6  }
0x8: {  	s7 =	sshll.u32 s1, $0x8;
	s8 =	sshrl.u32 s1, $0x2;
	[smem:$0x7FF] =	sst s2  }
0x9: {  	s9 =	sshll.u32 s6, $0x7;
	s7 =	sand.u32 $0x300, s7;
	s30 =	sshll.u32 s8, $0xF  }
0xa: {  	_ =	strace $0x80000047;
	s6 =	ssub.s32 $0x2, s6;
	s7 =	sor.u32 s9, s7  }
0xb: {  	s8 =	sshll.u32 s8, $0xB;
	s31 =	sshrl.u32 s6, $0x1;
	s9 =	sor.u32 s30, s7  }
0xc: {  	v0 =	vlaneseq.u32;
	s7 =	sor.u32 s8, s7;
	s6 =	ssub.s32 s6, s31;
	s8 =	simm.s32 $0x400  }
0xd: {  	v4 =	vmul.u32 $0xFFFFFFFF, v0;
	s9 =	sshrl.u32 s9, $0x3;
	s7 =	sshrl.u32 s7, $0x3;
	s6 =	smax.u32 s6, $0x1  }
0xe: {  	v1 =	vimm.s32 $0x0;
	s3 =	sadd.s32 s9, s3;
	s4 =	sadd.s32 s4, s7;
	s5 =	sadd.s32 s5, s7  }
0xf: {  	v3 =	vimm.s32 $0x1;
	v2 =	vmul.u32 $0x10, v0;
	v4 =	vadd.s32 $0xF, v4;
	s7 =	simm.s32 $0x80;
	s9 =	simm.s32 $0x1;
	s3 =	sadd.s32 $0xC00, s3  }
.LBB2_1:
0x10: {  	[tilespmem:s2], [sflag:$0x1] =	stream.strided.gather [hbm4b:s3+s7], $0x1000, s8, s7, $0x38;
	[tilespmem:$0x1300] =	vst v63  }
0x11: {  	_ =	swait.ge [sflag:s9], $0x1000  }
0x12: {  	[sflag:s9] =	ssyncset.done $0x0  }
0x13: {  	[sflag:s9] =	ssyncadd.s32 $0xFFFFF000  }
0x14: {  	[tilespmem:$0x1000] =	vst v1  }
0x15: {  	[tilespmem:$0x1010] =	vst v1  }
0x16: {  	[tilespmem:$0x1020] =	vst v1  }
0x17: {  	[tilespmem:$0x1030] =	vst v1  }
0x18: {  	[tilespmem:$0x1040] =	vst v1  }
0x19: {  	[tilespmem:$0x1050] =	vst v1  }
0x1a: {  	[tilespmem:$0x1060] =	vst v1  }
0x1b: {  	[tilespmem:$0x1070] =	vst v1  }
0x1c: {  	[tilespmem:$0x1080] =	vst v1  }
0x1d: {  	[tilespmem:$0x1090] =	vst v1  }
0x1e: {  	[tilespmem:$0x10A0] =	vst v1  }
0x1f: {  	[tilespmem:$0x10B0] =	vst v1  }
0x20: {  	[tilespmem:$0x10C0] =	vst v1  }
0x21: {  	[tilespmem:$0x10D0] =	vst v1  }
0x22: {  	[tilespmem:$0x10E0] =	vst v1  }
0x23: {  	s14 =	simm.s32 $0x0;
	[tilespmem:$0x10F0] =	vst v1  }
.LBB2_2:
0x24: {  	s15 =	sshra.s32 s14, $0x2  }
0x25: {  	v5 =	vld [tilespmem:s15+$0x0];
	_ =	sdelay $0x4  }
0x26: {  	v5 =	vshrl.u32 v5, $0x1C  }
0x27: {  	v5 =	vor.u32 v2, v5;
	_ =	sdelay $0x4  }
0x28: {  	[tilespmem:v5+s10+$0x0] =	vst.idx.add.s32.msk $0xffff, v3  }
0x29: {  	v5 =	vld [tilespmem:s15+$0x10];
	_ =	sdelay $0x4  }
0x2a: {  	v5 =	vshrl.u32 v5, $0x1C  }
0x2b: {  	v5 =	vor.u32 v2, v5;
	_ =	sdelay $0x4  }
0x2c: {  	[tilespmem:v5+s10+$0x0] =	vst.idx.add.s32.msk $0xffff, v3  }
0x2d: {  	v5 =	vld [tilespmem:s15+$0x20];
	_ =	sdelay $0x4  }
0x2e: {  	v5 =	vshrl.u32 v5, $0x1C  }
0x2f: {  	v5 =	vor.u32 v2, v5;
	_ =	sdelay $0x4  }
0x30: {  	[tilespmem:v5+s10+$0x0] =	vst.idx.add.s32.msk $0xffff, v3  }
0x31: {  	v5 =	vld [tilespmem:s15+$0x30];
	_ =	sdelay $0x4  }
0x32: {  	v5 =	vshrl.u32 v5, $0x1C  }
0x33: {  	p0 =	sne.s32 s14, $0x3F00;
	v5 =	vor.u32 v2, v5  }
.Ltmp0:
0x34: {  	_ = 	snop;
	(pc) =	sbr.rel @p0 .LBB2_2-.Ltmp0, $2  }
0x35: {  	_ =	sdelay $0x2  }
0x36: {  	s14 =	sadd.s32 $0x100, s14;
	[tilespmem:v5+s10+$0x0] =	vst.idx.add.s32.msk $0xffff, v3  }
0x37: {  	v5 =	vld [tilespmem:$0x1000]  }
0x38: {  	v6 =	vld [tilespmem:$0x1010]  }
0x39: {  	v7 =	vld [tilespmem:$0x1020]  }
0x3a: {  	v8 =	vld [tilespmem:$0x1030]  }
0x3b: {  	v9 =	vld [tilespmem:$0x1040]  }
0x3c: {  	v10 =	vld [tilespmem:$0x1050]  }
0x3d: {  	v5 =	vadd.s32 v5, v6;
	v6 =	vld [tilespmem:$0x1060]  }
0x3e: {  	v5 =	vadd.s32 v7, v5;
	v7 =	vld [tilespmem:$0x1070]  }
0x3f: {  	v5 =	vadd.s32 v8, v5;
	v8 =	vld [tilespmem:$0x1080]  }
0x40: {  	v60 =	vld [tilespmem:$0x1090];
	v5 =	vadd.s32 v9, v5  }
0x41: {  	v61 =	vld [tilespmem:$0x10A0];
	v5 =	vadd.s32 v10, v5  }
0x42: {  	v5 =	vadd.s32 v6, v5;
	v6 =	vld [tilespmem:$0x10B0]  }
0x43: {  	v5 =	vadd.s32 v7, v5;
	v7 =	vld [tilespmem:$0x10C0]  }
0x44: {  	v5 =	vadd.s32 v8, v5;
	v8 =	vld [tilespmem:$0x10D0]  }
0x45: {  	v62 =	vld [tilespmem:$0x10E0];
	v5 =	vadd.s32 v60, v5  }
0x46: {  	v63 =	vld [tilespmem:$0x10F0];
	v5 =	vadd.s32 v61, v5  }
0x47: {  	v5 =	vadd.s32 v6, v5  }
0x48: {  	v5 =	vadd.s32 v7, v5  }
0x49: {  	v5 =	vadd.s32 v8, v5  }
0x4a: {  	v5 =	vadd.s32 v62, v5  }
0x4b: {  	[tilespmem:$0x1000] =	vst v1;
	v5 =	vadd.s32 v63, v5  }
0x4c: {  	[tilespmem:$0x1010] =	vst v1;
	v5 =	vperm.xlane v5, v4  }
0x4d: {  	[tilespmem:$0x1020] =	vst v1  }
0x4e: {  	[tilespmem:$0x1030] =	vst v1;
	(xrf0) =	vadd.scan.msk.s32 $0xffff, v5  }
0x4f: {  	[tilespmem:$0x1040] =	vst v1  }
0x50: {  	[tilespmem:$0x1050] =	vst v1  }
0x51: {  	[tilespmem:$0x1090] =	vst v1  }
0x52: {  	[tilespmem:$0x10A0] =	vst v1  }
0x53: {  	[tilespmem:$0x10E0] =	vst v1  }
0x54: {  	[tilespmem:$0x10F0] =	vst v1;
	v6, _, _ =	vpop (xrf0)  }
0x55: {  	[tilespmem:$0x1060] =	vst v1;
	vm0 =	vgt.s32 v6, $0xFF  }
0x56: {  	[tilespmem:$0x1070] =	vst v1;
	v7 =	vmpcnt.ones.xlane vm0  }
0x57: {  	[tilespmem:$0x1080] =	vst v1  }
0x58: {  	[tilespmem:$0x10B0] =	vst v1;
	v8 =	vshll.u32 v7, $0x1C  }
0x59: {  	[tilespmem:$0x10C0] =	vst v1;
	v6 =	vsub.s32 v6, v5;
	v7 =	vsub.s32 $0x10, v7;
	v5 =	vadd.s32 $0xF0000000, v8  }
0x5a: {  	s14 =	simm.s32 $0x0;
	[tilespmem:$0x10D0] =	vst v1;
	v6 =	vperm.xlane v6, v7;
	v7 =	vshrl.u32 v5, $0x1C  }
.LBB2_4:
0x5b: {  	s15 =	sshra.s32 s14, $0x2  }
0x5c: {  	v8 =	vld [tilespmem:s15+$0x0];
	_ =	sdelay $0x4  }
0x5d: {  	v9 =	vshrl.u32 v8, $0x18;
	v8 =	vshrl.u32 v8, $0x1C  }
0x5e: {  	v9 =	vand.u32 $0xF, v9;
	vm0 =	veq.s32 v8, v7  }
0x5f: {  	v8 =	vor.u32 v2, v9;
	_ =	sdelay $0x4  }
0x60: {  	[tilespmem:v8+s10+$0x0] =	vst.idx.add.s32.msk vm0, v3  }
0x61: {  	v8 =	vld [tilespmem:s15+$0x10];
	_ =	sdelay $0x4  }
0x62: {  	v61 =	vshrl.u32 v8, $0x18;
	v8 =	vshrl.u32 v8, $0x1C  }
0x63: {  	v9 =	vand.u32 $0xF, v61;
	vm13 =	veq.s32 v8, v7  }
0x64: {  	v8 =	vor.u32 v2, v9;
	_ =	sdelay $0x4  }
0x65: {  	[tilespmem:v8+s10+$0x0] =	vst.idx.add.s32.msk vm13, v3  }
0x66: {  	v8 =	vld [tilespmem:s15+$0x20];
	_ =	sdelay $0x4  }
0x67: {  	v62 =	vshrl.u32 v8, $0x18;
	v8 =	vshrl.u32 v8, $0x1C  }
0x68: {  	v9 =	vand.u32 $0xF, v62;
	vm14 =	veq.s32 v8, v7  }
0x69: {  	v8 =	vor.u32 v2, v9;
	_ =	sdelay $0x4  }
0x6a: {  	[tilespmem:v8+s10+$0x0] =	vst.idx.add.s32.msk vm14, v3  }
0x6b: {  	v8 =	vld [tilespmem:s15+$0x30];
	_ =	sdelay $0x4  }
0x6c: {  	v63 =	vshrl.u32 v8, $0x18;
	v8 =	vshrl.u32 v8, $0x1C  }
0x6d: {  	v9 =	vand.u32 $0xF, v63;
	vm15 =	veq.s32 v8, v7  }
0x6e: {  	p0 =	sne.s32 s14, $0x3F00;
	v8 =	vor.u32 v2, v9  }
.Ltmp1:
0x6f: {  	_ = 	snop;
	(pc) =	sbr.rel @p0 .LBB2_4-.Ltmp1, $2  }
0x70: {  	_ =	sdelay $0x2  }
0x71: {  	s14 =	sadd.s32 $0x100, s14;
	[tilespmem:v8+s10+$0x0] =	vst.idx.add.s32.msk vm15, v3  }
0x72: {  	v7 =	vld [tilespmem:$0x1000]  }
0x73: {  	v8 =	vld [tilespmem:$0x1010]  }
0x74: {  	v9 =	vld [tilespmem:$0x1020]  }
0x75: {  	v10 =	vld [tilespmem:$0x1030]  }
0x76: {  	v11 =	vld [tilespmem:$0x1040]  }
0x77: {  	v12 =	vld [tilespmem:$0x1050]  }
0x78: {  	v7 =	vadd.s32 v7, v8;
	v8 =	vld [tilespmem:$0x1060]  }
0x79: {  	v7 =	vadd.s32 v9, v7;
	v9 =	vld [tilespmem:$0x1070]  }
0x7a: {  	v7 =	vadd.s32 v10, v7;
	v10 =	vld [tilespmem:$0x1080]  }
0x7b: {  	v7 =	vadd.s32 v11, v7;
	v11 =	vld [tilespmem:$0x1090]  }
0x7c: {  	v62 =	vld [tilespmem:$0x10A0];
	v7 =	vadd.s32 v12, v7  }
0x7d: {  	v7 =	vadd.s32 v8, v7;
	v8 =	vld [tilespmem:$0x10B0]  }
0x7e: {  	v7 =	vadd.s32 v9, v7;
	v9 =	vld [tilespmem:$0x10C0]  }
0x7f: {  	v7 =	vadd.s32 v10, v7;
	v10 =	vld [tilespmem:$0x10D0]  }
0x80: {  	v7 =	vadd.s32 v11, v7;
	v11 =	vld [tilespmem:$0x10E0]  }
0x81: {  	v63 =	vld [tilespmem:$0x10F0];
	v7 =	vadd.s32 v62, v7  }
0x82: {  	v7 =	vadd.s32 v8, v7  }
0x83: {  	v7 =	vadd.s32 v9, v7  }
0x84: {  	v7 =	vadd.s32 v10, v7  }
0x85: {  	v7 =	vadd.s32 v11, v7  }
0x86: {  	v7 =	vadd.s32 v63, v7  }
0x87: {  	[tilespmem:$0x1000] =	vst v1;
	v7 =	vperm.xlane v7, v4  }
0x88: {  	[tilespmem:$0x1010] =	vst v1  }
0x89: {  	[tilespmem:$0x1020] =	vst v1;
	(xrf0) =	vadd.scan.msk.s32 $0xffff, v7  }
0x8a: {  	[tilespmem:$0x1030] =	vst v1  }
0x8b: {  	[tilespmem:$0x1040] =	vst v1  }
0x8c: {  	[tilespmem:$0x1050] =	vst v1  }
0x8d: {  	[tilespmem:$0x10A0] =	vst v1  }
0x8e: {  	[tilespmem:$0x10F0] =	vst v1  }
0x8f: {  	v6 =	vsub.s32 $0x100, v6;
	[tilespmem:$0x1060] =	vst v1;
	v8, _, _ =	vpop (xrf0)  }
0x90: {  	[tilespmem:$0x1070] =	vst v1;
	vm0 =	vge.s32 v8, v6  }
0x91: {  	[tilespmem:$0x1080] =	vst v1;
	v9 =	vmpcnt.ones.xlane vm0  }
0x92: {  	[tilespmem:$0x1090] =	vst v1  }
0x93: {  	[tilespmem:$0x10B0] =	vst v1;
	v10 =	vshll.u32 v9, $0x18  }
0x94: {  	[tilespmem:$0x10C0] =	vst v1;
	v10 =	vadd.s32 $0xFF000000, v10  }
0x95: {  	[tilespmem:$0x10D0] =	vst v1;
	v7 =	vsub.s32 v8, v7;
	v8 =	vsub.s32 $0x10, v9;
	v5 =	vor.u32 v5, v10  }
0x96: {  	s14 =	simm.s32 $0x0;
	[tilespmem:$0x10E0] =	vst v1;
	v7 =	vperm.xlane v7, v8;
	v8 =	vshrl.u32 v5, $0x18  }
.LBB2_6:
0x97: {  	s15 =	sshra.s32 s14, $0x2  }
0x98: {  	v9 =	vld [tilespmem:s15+$0x0];
	_ =	sdelay $0x4  }
0x99: {  	v10 =	vshrl.u32 v9, $0x14;
	v9 =	vshrl.u32 v9, $0x18  }
0x9a: {  	v10 =	vand.u32 $0xF, v10;
	vm0 =	veq.s32 v9, v8  }
0x9b: {  	v9 =	vor.u32 v2, v10;
	_ =	sdelay $0x4  }
0x9c: {  	[tilespmem:v9+s10+$0x0] =	vst.idx.add.s32.msk vm0, v3  }
0x9d: {  	v9 =	vld [tilespmem:s15+$0x10];
	_ =	sdelay $0x4  }
0x9e: {  	v10 =	vshrl.u32 v9, $0x14;
	v9 =	vshrl.u32 v9, $0x18  }
0x9f: {  	v10 =	vand.u32 $0xF, v10;
	vm13 =	veq.s32 v9, v8  }
0xa0: {  	v9 =	vor.u32 v2, v10;
	_ =	sdelay $0x4  }
0xa1: {  	[tilespmem:v9+s10+$0x0] =	vst.idx.add.s32.msk vm13, v3  }
0xa2: {  	v9 =	vld [tilespmem:s15+$0x20];
	_ =	sdelay $0x4  }
0xa3: {  	v10 =	vshrl.u32 v9, $0x14;
	v9 =	vshrl.u32 v9, $0x18  }
0xa4: {  	v10 =	vand.u32 $0xF, v10;
	vm14 =	veq.s32 v9, v8  }
0xa5: {  	v9 =	vor.u32 v2, v10;
	_ =	sdelay $0x4  }
0xa6: {  	[tilespmem:v9+s10+$0x0] =	vst.idx.add.s32.msk vm14, v3  }
0xa7: {  	v9 =	vld [tilespmem:s15+$0x30];
	_ =	sdelay $0x4  }
0xa8: {  	v10 =	vshrl.u32 v9, $0x14;
	v9 =	vshrl.u32 v9, $0x18  }
0xa9: {  	v10 =	vand.u32 $0xF, v10;
	vm15 =	veq.s32 v9, v8  }
0xaa: {  	p0 =	sne.s32 s14, $0x3F00;
	v9 =	vor.u32 v2, v10  }
.Ltmp2:
0xab: {  	_ = 	snop;
	(pc) =	sbr.rel @p0 .LBB2_6-.Ltmp2, $2  }
0xac: {  	_ =	sdelay $0x2  }
0xad: {  	s14 =	sadd.s32 $0x100, s14;
	[tilespmem:v9+s10+$0x0] =	vst.idx.add.s32.msk vm15, v3  }
0xae: {  	v8 =	vld [tilespmem:$0x1000]  }
0xaf: {  	v9 =	vld [tilespmem:$0x1010]  }
0xb0: {  	v10 =	vld [tilespmem:$0x1020]  }
0xb1: {  	v11 =	vld [tilespmem:$0x1030]  }
0xb2: {  	v12 =	vld [tilespmem:$0x1040]  }
0xb3: {  	v13 =	vld [tilespmem:$0x1050]  }
0xb4: {  	v8 =	vadd.s32 v8, v9;
	v9 =	vld [tilespmem:$0x1060]  }
0xb5: {  	v8 =	vadd.s32 v10, v8;
	v10 =	vld [tilespmem:$0x1070]  }
0xb6: {  	v8 =	vadd.s32 v11, v8;
	v11 =	vld [tilespmem:$0x1080]  }
0xb7: {  	v60 =	vld [tilespmem:$0x1090];
	v8 =	vadd.s32 v12, v8  }
0xb8: {  	v61 =	vld [tilespmem:$0x10A0];
	v8 =	vadd.s32 v13, v8  }
0xb9: {  	v8 =	vadd.s32 v9, v8;
	v9 =	vld [tilespmem:$0x10B0]  }
0xba: {  	v8 =	vadd.s32 v10, v8;
	v10 =	vld [tilespmem:$0x10C0]  }
0xbb: {  	v8 =	vadd.s32 v11, v8;
	v11 =	vld [tilespmem:$0x10D0]  }
0xbc: {  	v62 =	vld [tilespmem:$0x10E0];
	v8 =	vadd.s32 v60, v8  }
0xbd: {  	v63 =	vld [tilespmem:$0x10F0];
	v8 =	vadd.s32 v61, v8  }
0xbe: {  	v8 =	vadd.s32 v9, v8  }
0xbf: {  	v8 =	vadd.s32 v10, v8  }
0xc0: {  	v8 =	vadd.s32 v11, v8  }
0xc1: {  	v8 =	vadd.s32 v62, v8  }
0xc2: {  	v8 =	vadd.s32 v63, v8  }
0xc3: {  	[tilespmem:$0x1000] =	vst v1;
	v8 =	vperm.xlane v8, v4  }
0xc4: {  	[tilespmem:$0x1010] =	vst v1  }
0xc5: {  	[tilespmem:$0x1020] =	vst v1;
	(xrf0) =	vadd.scan.msk.s32 $0xffff, v8  }
0xc6: {  	[tilespmem:$0x1030] =	vst v1  }
0xc7: {  	[tilespmem:$0x1040] =	vst v1  }
0xc8: {  	[tilespmem:$0x1050] =	vst v1  }
0xc9: {  	[tilespmem:$0x1090] =	vst v1  }
0xca: {  	[tilespmem:$0x10A0] =	vst v1  }
0xcb: {  	v6 =	vsub.s32 v6, v7;
	[tilespmem:$0x10E0] =	vst v1;
	v7, _, _ =	vpop (xrf0)  }
0xcc: {  	[tilespmem:$0x10F0] =	vst v1;
	vm0 =	vge.s32 v7, v6  }
0xcd: {  	[tilespmem:$0x1060] =	vst v1;
	v9 =	vmpcnt.ones.xlane vm0  }
0xce: {  	[tilespmem:$0x1070] =	vst v1  }
0xcf: {  	[tilespmem:$0x1080] =	vst v1;
	v10 =	vshll.u32 v9, $0x14  }
0xd0: {  	[tilespmem:$0x10B0] =	vst v1;
	v10 =	vadd.s32 $0xFFF00000, v10  }
0xd1: {  	[tilespmem:$0x10C0] =	vst v1;
	v7 =	vsub.s32 v7, v8;
	v8 =	vsub.s32 $0x10, v9;
	v5 =	vor.u32 v5, v10  }
0xd2: {  	s14 =	simm.s32 $0x0;
	[tilespmem:$0x10D0] =	vst v1;
	v7 =	vperm.xlane v7, v8;
	v8 =	vshrl.u32 v5, $0x14  }
.LBB2_8:
0xd3: {  	s15 =	sshra.s32 s14, $0x2  }
0xd4: {  	v9 =	vld [tilespmem:s15+$0x0];
	_ =	sdelay $0x4  }
0xd5: {  	v10 =	vshrl.u32 v9, $0x10;
	v9 =	vshrl.u32 v9, $0x14  }
0xd6: {  	v10 =	vand.u32 $0xF, v10;
	vm0 =	veq.s32 v9, v8  }
0xd7: {  	v9 =	vor.u32 v2, v10;
	_ =	sdelay $0x4  }
0xd8: {  	[tilespmem:v9+s10+$0x0] =	vst.idx.add.s32.msk vm0, v3  }
0xd9: {  	v9 =	vld [tilespmem:s15+$0x10];
	_ =	sdelay $0x4  }
0xda: {  	v10 =	vshrl.u32 v9, $0x10;
	v9 =	vshrl.u32 v9, $0x14  }
0xdb: {  	v10 =	vand.u32 $0xF, v10;
	vm13 =	veq.s32 v9, v8  }
0xdc: {  	v9 =	vor.u32 v2, v10;
	_ =	sdelay $0x4  }
0xdd: {  	[tilespmem:v9+s10+$0x0] =	vst.idx.add.s32.msk vm13, v3  }
0xde: {  	v9 =	vld [tilespmem:s15+$0x20];
	_ =	sdelay $0x4  }
0xdf: {  	v10 =	vshrl.u32 v9, $0x10;
	v9 =	vshrl.u32 v9, $0x14  }
0xe0: {  	v10 =	vand.u32 $0xF, v10;
	vm14 =	veq.s32 v9, v8  }
0xe1: {  	v9 =	vor.u32 v2, v10;
	_ =	sdelay $0x4  }
0xe2: {  	[tilespmem:v9+s10+$0x0] =	vst.idx.add.s32.msk vm14, v3  }
0xe3: {  	v9 =	vld [tilespmem:s15+$0x30];
	_ =	sdelay $0x4  }
0xe4: {  	v10 =	vshrl.u32 v9, $0x10;
	v9 =	vshrl.u32 v9, $0x14  }
0xe5: {  	v10 =	vand.u32 $0xF, v10;
	vm15 =	veq.s32 v9, v8  }
0xe6: {  	p0 =	sne.s32 s14, $0x3F00;
	v9 =	vor.u32 v2, v10  }
.Ltmp3:
0xe7: {  	_ = 	snop;
	(pc) =	sbr.rel @p0 .LBB2_8-.Ltmp3, $2  }
0xe8: {  	_ =	sdelay $0x2  }
0xe9: {  	s14 =	sadd.s32 $0x100, s14;
	[tilespmem:v9+s10+$0x0] =	vst.idx.add.s32.msk vm15, v3  }
0xea: {  	v8 =	vld [tilespmem:$0x1000]  }
0xeb: {  	v9 =	vld [tilespmem:$0x1010]  }
0xec: {  	v10 =	vld [tilespmem:$0x1020]  }
0xed: {  	v11 =	vld [tilespmem:$0x1030]  }
0xee: {  	v12 =	vld [tilespmem:$0x1040]  }
0xef: {  	v13 =	vld [tilespmem:$0x1050]  }
0xf0: {  	v8 =	vadd.s32 v8, v9;
	v9 =	vld [tilespmem:$0x1060]  }
0xf1: {  	v8 =	vadd.s32 v10, v8;
	v10 =	vld [tilespmem:$0x1070]  }
0xf2: {  	v8 =	vadd.s32 v11, v8;
	v11 =	vld [tilespmem:$0x1080]  }
0xf3: {  	v60 =	vld [tilespmem:$0x1090];
	v8 =	vadd.s32 v12, v8  }
0xf4: {  	v61 =	vld [tilespmem:$0x10A0];
	v8 =	vadd.s32 v13, v8  }
0xf5: {  	v8 =	vadd.s32 v9, v8;
	v9 =	vld [tilespmem:$0x10B0]  }
0xf6: {  	v8 =	vadd.s32 v10, v8;
	v10 =	vld [tilespmem:$0x10C0]  }
0xf7: {  	v8 =	vadd.s32 v11, v8;
	v11 =	vld [tilespmem:$0x10D0]  }
0xf8: {  	v62 =	vld [tilespmem:$0x10E0];
	v8 =	vadd.s32 v60, v8  }
0xf9: {  	v63 =	vld [tilespmem:$0x10F0];
	v8 =	vadd.s32 v61, v8  }
0xfa: {  	v8 =	vadd.s32 v9, v8  }
0xfb: {  	v8 =	vadd.s32 v10, v8  }
0xfc: {  	v8 =	vadd.s32 v11, v8  }
0xfd: {  	v8 =	vadd.s32 v62, v8  }
0xfe: {  	v8 =	vadd.s32 v63, v8  }
0xff: {  	[tilespmem:$0x1000] =	vst v1;
	v8 =	vperm.xlane v8, v4  }
0x100: {  	[tilespmem:$0x1010] =	vst v1  }
0x101: {  	[tilespmem:$0x1020] =	vst v1;
	(xrf0) =	vadd.scan.msk.s32 $0xffff, v8  }
0x102: {  	[tilespmem:$0x1030] =	vst v1  }
0x103: {  	[tilespmem:$0x1040] =	vst v1  }
0x104: {  	[tilespmem:$0x1050] =	vst v1  }
0x105: {  	[tilespmem:$0x1090] =	vst v1  }
0x106: {  	[tilespmem:$0x10A0] =	vst v1  }
0x107: {  	v6 =	vsub.s32 v6, v7;
	[tilespmem:$0x10E0] =	vst v1;
	v7, _, _ =	vpop (xrf0)  }
0x108: {  	[tilespmem:$0x10F0] =	vst v1;
	vm0 =	vge.s32 v7, v6  }
0x109: {  	[tilespmem:$0x1060] =	vst v1;
	v9 =	vmpcnt.ones.xlane vm0  }
0x10a: {  	[tilespmem:$0x1070] =	vst v1  }
0x10b: {  	[tilespmem:$0x1080] =	vst v1;
	v10 =	vshll.u32 v9, $0x10  }
0x10c: {  	[tilespmem:$0x10B0] =	vst v1;
	v10 =	vadd.s32 $0xFFFF0000, v10  }
0x10d: {  	[tilespmem:$0x10C0] =	vst v1;
	v7 =	vsub.s32 v7, v8;
	v8 =	vsub.s32 $0x10, v9;
	v5 =	vor.u32 v5, v10  }
0x10e: {  	s14 =	simm.s32 $0x0;
	[tilespmem:$0x10D0] =	vst v1;
	v7 =	vperm.xlane v7, v8;
	v8 =	vshrl.u32 v5, $0x10  }
.LBB2_10:
0x10f: {  	s15 =	sshra.s32 s14, $0x2  }
0x110: {  	v9 =	vld [tilespmem:s15+$0x0];
	_ =	sdelay $0x4  }
0x111: {  	v10 =	vshrl.u32 v9, $0xC;
	v9 =	vshrl.u32 v9, $0x10  }
0x112: {  	v10 =	vand.u32 $0xF, v10;
	vm0 =	veq.s32 v9, v8  }
0x113: {  	v9 =	vor.u32 v2, v10;
	_ =	sdelay $0x4  }
0x114: {  	[tilespmem:v9+s10+$0x0] =	vst.idx.add.s32.msk vm0, v3  }
0x115: {  	v9 =	vld [tilespmem:s15+$0x10];
	_ =	sdelay $0x4  }
0x116: {  	v10 =	vshrl.u32 v9, $0xC;
	v9 =	vshrl.u32 v9, $0x10  }
0x117: {  	v10 =	vand.u32 $0xF, v10;
	vm13 =	veq.s32 v9, v8  }
0x118: {  	v9 =	vor.u32 v2, v10;
	_ =	sdelay $0x4  }
0x119: {  	[tilespmem:v9+s10+$0x0] =	vst.idx.add.s32.msk vm13, v3  }
0x11a: {  	v9 =	vld [tilespmem:s15+$0x20];
	_ =	sdelay $0x4  }
0x11b: {  	v10 =	vshrl.u32 v9, $0xC;
	v9 =	vshrl.u32 v9, $0x10  }
0x11c: {  	v10 =	vand.u32 $0xF, v10;
	vm14 =	veq.s32 v9, v8  }
0x11d: {  	v9 =	vor.u32 v2, v10;
	_ =	sdelay $0x4  }
0x11e: {  	[tilespmem:v9+s10+$0x0] =	vst.idx.add.s32.msk vm14, v3  }
0x11f: {  	v9 =	vld [tilespmem:s15+$0x30];
	_ =	sdelay $0x4  }
0x120: {  	v10 =	vshrl.u32 v9, $0xC;
	v9 =	vshrl.u32 v9, $0x10  }
0x121: {  	v10 =	vand.u32 $0xF, v10;
	vm15 =	veq.s32 v9, v8  }
0x122: {  	p0 =	sne.s32 s14, $0x3F00;
	v9 =	vor.u32 v2, v10  }
.Ltmp4:
0x123: {  	_ = 	snop;
	(pc) =	sbr.rel @p0 .LBB2_10-.Ltmp4, $2  }
0x124: {  	_ =	sdelay $0x2  }
0x125: {  	s14 =	sadd.s32 $0x100, s14;
	[tilespmem:v9+s10+$0x0] =	vst.idx.add.s32.msk vm15, v3  }
0x126: {  	v8 =	vld [tilespmem:$0x1000]  }
0x127: {  	v9 =	vld [tilespmem:$0x1010]  }
0x128: {  	v10 =	vld [tilespmem:$0x1020]  }
0x129: {  	v11 =	vld [tilespmem:$0x1030]  }
0x12a: {  	v12 =	vld [tilespmem:$0x1040]  }
0x12b: {  	v13 =	vld [tilespmem:$0x1050]  }
0x12c: {  	v8 =	vadd.s32 v8, v9;
	v9 =	vld [tilespmem:$0x1060]  }
0x12d: {  	v8 =	vadd.s32 v10, v8;
	v10 =	vld [tilespmem:$0x1070]  }
0x12e: {  	v8 =	vadd.s32 v11, v8;
	v11 =	vld [tilespmem:$0x1080]  }
0x12f: {  	v60 =	vld [tilespmem:$0x1090];
	v8 =	vadd.s32 v12, v8  }
0x130: {  	v61 =	vld [tilespmem:$0x10A0];
	v8 =	vadd.s32 v13, v8  }
0x131: {  	v8 =	vadd.s32 v9, v8;
	v9 =	vld [tilespmem:$0x10B0]  }
0x132: {  	v8 =	vadd.s32 v10, v8;
	v10 =	vld [tilespmem:$0x10C0]  }
0x133: {  	v8 =	vadd.s32 v11, v8;
	v11 =	vld [tilespmem:$0x10D0]  }
0x134: {  	v62 =	vld [tilespmem:$0x10E0];
	v8 =	vadd.s32 v60, v8  }
0x135: {  	v63 =	vld [tilespmem:$0x10F0];
	v8 =	vadd.s32 v61, v8  }
0x136: {  	v8 =	vadd.s32 v9, v8  }
0x137: {  	v8 =	vadd.s32 v10, v8  }
0x138: {  	v8 =	vadd.s32 v11, v8  }
0x139: {  	v8 =	vadd.s32 v62, v8  }
0x13a: {  	v8 =	vadd.s32 v63, v8  }
0x13b: {  	[tilespmem:$0x1000] =	vst v1;
	v8 =	vperm.xlane v8, v4  }
0x13c: {  	[tilespmem:$0x1010] =	vst v1  }
0x13d: {  	[tilespmem:$0x1020] =	vst v1;
	(xrf0) =	vadd.scan.msk.s32 $0xffff, v8  }
0x13e: {  	[tilespmem:$0x1030] =	vst v1  }
0x13f: {  	[tilespmem:$0x1040] =	vst v1  }
0x140: {  	[tilespmem:$0x1050] =	vst v1  }
0x141: {  	[tilespmem:$0x1090] =	vst v1  }
0x142: {  	[tilespmem:$0x10A0] =	vst v1  }
0x143: {  	v6 =	vsub.s32 v6, v7;
	[tilespmem:$0x10E0] =	vst v1;
	v7, _, _ =	vpop (xrf0)  }
0x144: {  	[tilespmem:$0x10F0] =	vst v1;
	vm0 =	vge.s32 v7, v6  }
0x145: {  	[tilespmem:$0x1060] =	vst v1;
	v9 =	vmpcnt.ones.xlane vm0  }
0x146: {  	[tilespmem:$0x1070] =	vst v1  }
0x147: {  	[tilespmem:$0x1080] =	vst v1;
	v10 =	vshll.u32 v9, $0xC  }
0x148: {  	[tilespmem:$0x10B0] =	vst v1;
	v10 =	vadd.s32 $0xFFFFF000, v10  }
0x149: {  	[tilespmem:$0x10C0] =	vst v1;
	v7 =	vsub.s32 v7, v8;
	v8 =	vsub.s32 $0x10, v9;
	v5 =	vor.u32 v5, v10  }
0x14a: {  	s14 =	simm.s32 $0x0;
	[tilespmem:$0x10D0] =	vst v1;
	v7 =	vperm.xlane v7, v8;
	v8 =	vshrl.u32 v5, $0xC  }
.LBB2_12:
0x14b: {  	s15 =	sshra.s32 s14, $0x2  }
0x14c: {  	v9 =	vld [tilespmem:s15+$0x0];
	_ =	sdelay $0x4  }
0x14d: {  	v10 =	vshrl.u32 v9, $0x8;
	v9 =	vshrl.u32 v9, $0xC  }
0x14e: {  	v10 =	vand.u32 $0xF, v10;
	vm0 =	veq.s32 v9, v8  }
0x14f: {  	v9 =	vor.u32 v2, v10;
	_ =	sdelay $0x4  }
0x150: {  	[tilespmem:v9+s10+$0x0] =	vst.idx.add.s32.msk vm0, v3  }
0x151: {  	v9 =	vld [tilespmem:s15+$0x10];
	_ =	sdelay $0x4  }
0x152: {  	v10 =	vshrl.u32 v9, $0x8;
	v9 =	vshrl.u32 v9, $0xC  }
0x153: {  	v10 =	vand.u32 $0xF, v10;
	vm13 =	veq.s32 v9, v8  }
0x154: {  	v9 =	vor.u32 v2, v10;
	_ =	sdelay $0x4  }
0x155: {  	[tilespmem:v9+s10+$0x0] =	vst.idx.add.s32.msk vm13, v3  }
0x156: {  	v9 =	vld [tilespmem:s15+$0x20];
	_ =	sdelay $0x4  }
0x157: {  	v10 =	vshrl.u32 v9, $0x8;
	v9 =	vshrl.u32 v9, $0xC  }
0x158: {  	v10 =	vand.u32 $0xF, v10;
	vm14 =	veq.s32 v9, v8  }
0x159: {  	v9 =	vor.u32 v2, v10;
	_ =	sdelay $0x4  }
0x15a: {  	[tilespmem:v9+s10+$0x0] =	vst.idx.add.s32.msk vm14, v3  }
0x15b: {  	v9 =	vld [tilespmem:s15+$0x30];
	_ =	sdelay $0x4  }
0x15c: {  	v10 =	vshrl.u32 v9, $0x8;
	v9 =	vshrl.u32 v9, $0xC  }
0x15d: {  	v10 =	vand.u32 $0xF, v10;
	vm15 =	veq.s32 v9, v8  }
0x15e: {  	p0 =	sne.s32 s14, $0x3F00;
	v9 =	vor.u32 v2, v10  }
.Ltmp5:
0x15f: {  	_ = 	snop;
	(pc) =	sbr.rel @p0 .LBB2_12-.Ltmp5, $2  }
0x160: {  	_ =	sdelay $0x2  }
0x161: {  	s14 =	sadd.s32 $0x100, s14;
	[tilespmem:v9+s10+$0x0] =	vst.idx.add.s32.msk vm15, v3  }
0x162: {  	v8 =	vld [tilespmem:$0x1000]  }
0x163: {  	v9 =	vld [tilespmem:$0x1010]  }
0x164: {  	v10 =	vld [tilespmem:$0x1020]  }
0x165: {  	v11 =	vld [tilespmem:$0x1030]  }
0x166: {  	v12 =	vld [tilespmem:$0x1040]  }
0x167: {  	v13 =	vld [tilespmem:$0x1050]  }
0x168: {  	v8 =	vadd.s32 v8, v9;
	v9 =	vld [tilespmem:$0x1060]  }
0x169: {  	v8 =	vadd.s32 v10, v8;
	v10 =	vld [tilespmem:$0x1070]  }
0x16a: {  	v8 =	vadd.s32 v11, v8;
	v11 =	vld [tilespmem:$0x1080]  }
0x16b: {  	v60 =	vld [tilespmem:$0x1090];
	v8 =	vadd.s32 v12, v8  }
0x16c: {  	v61 =	vld [tilespmem:$0x10A0];
	v8 =	vadd.s32 v13, v8  }
0x16d: {  	v8 =	vadd.s32 v9, v8;
	v9 =	vld [tilespmem:$0x10B0]  }
0x16e: {  	v8 =	vadd.s32 v10, v8;
	v10 =	vld [tilespmem:$0x10C0]  }
0x16f: {  	v8 =	vadd.s32 v11, v8;
	v11 =	vld [tilespmem:$0x10D0]  }
0x170: {  	v62 =	vld [tilespmem:$0x10E0];
	v8 =	vadd.s32 v60, v8  }
0x171: {  	v63 =	vld [tilespmem:$0x10F0];
	v8 =	vadd.s32 v61, v8  }
0x172: {  	v8 =	vadd.s32 v9, v8  }
0x173: {  	v8 =	vadd.s32 v10, v8  }
0x174: {  	v8 =	vadd.s32 v11, v8  }
0x175: {  	v8 =	vadd.s32 v62, v8  }
0x176: {  	v8 =	vadd.s32 v63, v8  }
0x177: {  	[tilespmem:$0x1000] =	vst v1;
	v8 =	vperm.xlane v8, v4  }
0x178: {  	[tilespmem:$0x1010] =	vst v1  }
0x179: {  	[tilespmem:$0x1020] =	vst v1;
	(xrf0) =	vadd.scan.msk.s32 $0xffff, v8  }
0x17a: {  	[tilespmem:$0x1030] =	vst v1  }
0x17b: {  	[tilespmem:$0x1040] =	vst v1  }
0x17c: {  	[tilespmem:$0x1050] =	vst v1  }
0x17d: {  	[tilespmem:$0x1090] =	vst v1  }
0x17e: {  	[tilespmem:$0x10A0] =	vst v1  }
0x17f: {  	v6 =	vsub.s32 v6, v7;
	[tilespmem:$0x10E0] =	vst v1;
	v7, _, _ =	vpop (xrf0)  }
0x180: {  	[tilespmem:$0x10F0] =	vst v1;
	vm0 =	vge.s32 v7, v6  }
0x181: {  	[tilespmem:$0x1060] =	vst v1;
	v9 =	vmpcnt.ones.xlane vm0  }
0x182: {  	[tilespmem:$0x1070] =	vst v1  }
0x183: {  	[tilespmem:$0x1080] =	vst v1;
	v10 =	vshll.u32 v9, $0x8  }
0x184: {  	[tilespmem:$0x10B0] =	vst v1;
	v10 =	vadd.s32 $0xFFFFFF00, v10  }
0x185: {  	[tilespmem:$0x10C0] =	vst v1;
	v7 =	vsub.s32 v7, v8;
	v8 =	vsub.s32 $0x10, v9;
	v5 =	vor.u32 v5, v10  }
0x186: {  	s14 =	simm.s32 $0x0;
	[tilespmem:$0x10D0] =	vst v1;
	v7 =	vperm.xlane v7, v8;
	v8 =	vshrl.u32 v5, $0x8  }
.LBB2_14:
0x187: {  	s15 =	sshra.s32 s14, $0x2  }
0x188: {  	v9 =	vld [tilespmem:s15+$0x0];
	_ =	sdelay $0x4  }
0x189: {  	v10 =	vshrl.u32 v9, $0x4;
	v9 =	vshrl.u32 v9, $0x8  }
0x18a: {  	v10 =	vand.u32 $0xF, v10;
	vm0 =	veq.s32 v9, v8  }
0x18b: {  	v9 =	vor.u32 v2, v10;
	_ =	sdelay $0x4  }
0x18c: {  	[tilespmem:v9+s10+$0x0] =	vst.idx.add.s32.msk vm0, v3  }
0x18d: {  	v9 =	vld [tilespmem:s15+$0x10];
	_ =	sdelay $0x4  }
0x18e: {  	v10 =	vshrl.u32 v9, $0x4;
	v9 =	vshrl.u32 v9, $0x8  }
0x18f: {  	v10 =	vand.u32 $0xF, v10;
	vm13 =	veq.s32 v9, v8  }
0x190: {  	v9 =	vor.u32 v2, v10;
	_ =	sdelay $0x4  }
0x191: {  	[tilespmem:v9+s10+$0x0] =	vst.idx.add.s32.msk vm13, v3  }
0x192: {  	v9 =	vld [tilespmem:s15+$0x20];
	_ =	sdelay $0x4  }
0x193: {  	v10 =	vshrl.u32 v9, $0x4;
	v9 =	vshrl.u32 v9, $0x8  }
0x194: {  	v10 =	vand.u32 $0xF, v10;
	vm14 =	veq.s32 v9, v8  }
0x195: {  	v9 =	vor.u32 v2, v10;
	_ =	sdelay $0x4  }
0x196: {  	[tilespmem:v9+s10+$0x0] =	vst.idx.add.s32.msk vm14, v3  }
0x197: {  	v9 =	vld [tilespmem:s15+$0x30];
	_ =	sdelay $0x4  }
0x198: {  	v10 =	vshrl.u32 v9, $0x4;
	v9 =	vshrl.u32 v9, $0x8  }
0x199: {  	v10 =	vand.u32 $0xF, v10;
	vm15 =	veq.s32 v9, v8  }
0x19a: {  	p0 =	sne.s32 s14, $0x3F00;
	v9 =	vor.u32 v2, v10  }
.Ltmp6:
0x19b: {  	_ = 	snop;
	(pc) =	sbr.rel @p0 .LBB2_14-.Ltmp6, $2  }
0x19c: {  	_ =	sdelay $0x2  }
0x19d: {  	s14 =	sadd.s32 $0x100, s14;
	[tilespmem:v9+s10+$0x0] =	vst.idx.add.s32.msk vm15, v3  }
0x19e: {  	v8 =	vld [tilespmem:$0x1000]  }
0x19f: {  	v9 =	vld [tilespmem:$0x1010]  }
0x1a0: {  	v10 =	vld [tilespmem:$0x1020]  }
0x1a1: {  	v11 =	vld [tilespmem:$0x1030]  }
0x1a2: {  	v12 =	vld [tilespmem:$0x1040]  }
0x1a3: {  	v13 =	vld [tilespmem:$0x1050]  }
0x1a4: {  	v8 =	vadd.s32 v8, v9;
	v9 =	vld [tilespmem:$0x1060]  }
0x1a5: {  	v8 =	vadd.s32 v10, v8;
	v10 =	vld [tilespmem:$0x1070]  }
0x1a6: {  	v8 =	vadd.s32 v11, v8;
	v11 =	vld [tilespmem:$0x1080]  }
0x1a7: {  	v60 =	vld [tilespmem:$0x1090];
	v8 =	vadd.s32 v12, v8  }
0x1a8: {  	v61 =	vld [tilespmem:$0x10A0];
	v8 =	vadd.s32 v13, v8  }
0x1a9: {  	v8 =	vadd.s32 v9, v8;
	v9 =	vld [tilespmem:$0x10B0]  }
0x1aa: {  	v8 =	vadd.s32 v10, v8;
	v10 =	vld [tilespmem:$0x10C0]  }
0x1ab: {  	v8 =	vadd.s32 v11, v8;
	v11 =	vld [tilespmem:$0x10D0]  }
0x1ac: {  	v62 =	vld [tilespmem:$0x10E0];
	v8 =	vadd.s32 v60, v8  }
0x1ad: {  	v63 =	vld [tilespmem:$0x10F0];
	v8 =	vadd.s32 v61, v8  }
0x1ae: {  	v8 =	vadd.s32 v9, v8  }
0x1af: {  	v8 =	vadd.s32 v10, v8  }
0x1b0: {  	v8 =	vadd.s32 v11, v8  }
0x1b1: {  	v8 =	vadd.s32 v62, v8  }
0x1b2: {  	v8 =	vadd.s32 v63, v8  }
0x1b3: {  	[tilespmem:$0x1000] =	vst v1;
	v8 =	vperm.xlane v8, v4  }
0x1b4: {  	[tilespmem:$0x1010] =	vst v1  }
0x1b5: {  	[tilespmem:$0x1020] =	vst v1;
	(xrf0) =	vadd.scan.msk.s32 $0xffff, v8  }
0x1b6: {  	[tilespmem:$0x1030] =	vst v1  }
0x1b7: {  	[tilespmem:$0x1040] =	vst v1  }
0x1b8: {  	[tilespmem:$0x1050] =	vst v1  }
0x1b9: {  	[tilespmem:$0x1090] =	vst v1  }
0x1ba: {  	[tilespmem:$0x10A0] =	vst v1  }
0x1bb: {  	v6 =	vsub.s32 v6, v7;
	[tilespmem:$0x10E0] =	vst v1;
	v7, _, _ =	vpop (xrf0)  }
0x1bc: {  	[tilespmem:$0x10F0] =	vst v1;
	vm0 =	vge.s32 v7, v6  }
0x1bd: {  	[tilespmem:$0x1060] =	vst v1;
	v9 =	vmpcnt.ones.xlane vm0  }
0x1be: {  	[tilespmem:$0x1070] =	vst v1  }
0x1bf: {  	[tilespmem:$0x1080] =	vst v1;
	v10 =	vshll.u32 v9, $0x4  }
0x1c0: {  	[tilespmem:$0x10B0] =	vst v1;
	v10 =	vadd.s32 $0xFFFFFFF0, v10  }
0x1c1: {  	[tilespmem:$0x10C0] =	vst v1;
	v7 =	vsub.s32 v7, v8;
	v8 =	vsub.s32 $0x10, v9;
	v5 =	vor.u32 v5, v10  }
0x1c2: {  	s14 =	simm.s32 $0x0;
	[tilespmem:$0x10D0] =	vst v1;
	v7 =	vperm.xlane v7, v8;
	v8 =	vshrl.u32 v5, $0x4  }
.LBB2_16:
0x1c3: {  	s15 =	sshra.s32 s14, $0x2  }
0x1c4: {  	v9 =	vld [tilespmem:s15+$0x0];
	_ =	sdelay $0x4  }
0x1c5: {  	v10 =	vshrl.u32 v9, $0x4  }
0x1c6: {  	v9 =	vand.u32 $0xF, v9;
	vm0 =	veq.s32 v10, v8  }
0x1c7: {  	v9 =	vor.u32 v2, v9;
	_ =	sdelay $0x4  }
0x1c8: {  	[tilespmem:v9+s10+$0x0] =	vst.idx.add.s32.msk vm0, v3  }
0x1c9: {  	v9 =	vld [tilespmem:s15+$0x10];
	_ =	sdelay $0x4  }
0x1ca: {  	v10 =	vshrl.u32 v9, $0x4  }
0x1cb: {  	v9 =	vand.u32 $0xF, v9;
	vm13 =	veq.s32 v10, v8  }
0x1cc: {  	v9 =	vor.u32 v2, v9;
	_ =	sdelay $0x4  }
0x1cd: {  	[tilespmem:v9+s10+$0x0] =	vst.idx.add.s32.msk vm13, v3  }
0x1ce: {  	v9 =	vld [tilespmem:s15+$0x20];
	_ =	sdelay $0x4  }
0x1cf: {  	v10 =	vshrl.u32 v9, $0x4  }
0x1d0: {  	v9 =	vand.u32 $0xF, v9;
	vm14 =	veq.s32 v10, v8  }
0x1d1: {  	v9 =	vor.u32 v2, v9;
	_ =	sdelay $0x4  }
0x1d2: {  	[tilespmem:v9+s10+$0x0] =	vst.idx.add.s32.msk vm14, v3  }
0x1d3: {  	v9 =	vld [tilespmem:s15+$0x30];
	_ =	sdelay $0x4  }
0x1d4: {  	v10 =	vshrl.u32 v9, $0x4  }
0x1d5: {  	v9 =	vand.u32 $0xF, v9;
	vm15 =	veq.s32 v10, v8  }
0x1d6: {  	p0 =	sne.s32 s14, $0x3F00;
	v9 =	vor.u32 v2, v9  }
.Ltmp7:
0x1d7: {  	_ = 	snop;
	(pc) =	sbr.rel @p0 .LBB2_16-.Ltmp7, $2  }
0x1d8: {  	_ =	sdelay $0x2  }
0x1d9: {  	s14 =	sadd.s32 $0x100, s14;
	[tilespmem:v9+s10+$0x0] =	vst.idx.add.s32.msk vm15, v3  }
0x1da: {  	v8 =	vld [tilespmem:$0x1000]  }
0x1db: {  	v9 =	vld [tilespmem:$0x1010]  }
0x1dc: {  	v10 =	vld [tilespmem:$0x1020]  }
0x1dd: {  	v11 =	vld [tilespmem:$0x1030]  }
0x1de: {  	v12 =	vld [tilespmem:$0x1040]  }
0x1df: {  	v13 =	vld [tilespmem:$0x1050]  }
0x1e0: {  	v8 =	vadd.s32 v8, v9;
	v9 =	vld [tilespmem:$0x1060]  }
0x1e1: {  	v8 =	vadd.s32 v10, v8;
	v10 =	vld [tilespmem:$0x1070]  }
0x1e2: {  	v8 =	vadd.s32 v11, v8;
	v11 =	vld [tilespmem:$0x1080]  }
0x1e3: {  	v60 =	vld [tilespmem:$0x1090];
	v8 =	vadd.s32 v12, v8  }
0x1e4: {  	v61 =	vld [tilespmem:$0x10A0];
	v8 =	vadd.s32 v13, v8  }
0x1e5: {  	v8 =	vadd.s32 v9, v8;
	v9 =	vld [tilespmem:$0x10B0]  }
0x1e6: {  	v8 =	vadd.s32 v10, v8;
	v10 =	vld [tilespmem:$0x10C0]  }
0x1e7: {  	v8 =	vadd.s32 v11, v8;
	v11 =	vld [tilespmem:$0x10D0]  }
0x1e8: {  	v62 =	vld [tilespmem:$0x10E0];
	v8 =	vadd.s32 v60, v8  }
0x1e9: {  	v63 =	vld [tilespmem:$0x10F0];
	v8 =	vadd.s32 v61, v8  }
0x1ea: {  	v8 =	vadd.s32 v9, v8  }
0x1eb: {  	v8 =	vadd.s32 v10, v8  }
0x1ec: {  	v8 =	vadd.s32 v11, v8  }
0x1ed: {  	v8 =	vadd.s32 v62, v8  }
0x1ee: {  	v8 =	vadd.s32 v63, v8  }
0x1ef: {  	v8 =	vperm.xlane v8, v4;
	_ =	sdelay $0x1  }
0x1f0: {  	(xrf0) =	vadd.scan.msk.s32 $0xffff, v8;
	_ =	sdelay $0x5  }
0x1f1: {  	v6 =	vsub.s32 v6, v7;
	v7, _, _ =	vpop (xrf0)  }
0x1f2: {  	vm0 =	vge.s32 v7, v6  }
0x1f3: {  	v9 =	vmpcnt.ones.xlane vm0;
	_ =	sdelay $0x1  }
0x1f4: {  	v7 =	vsub.s32 v7, v8;
	v8 =	vsub.s32 $0x10, v9  }
0x1f5: {  	v7 =	vperm.xlane v7, v8;
	_ =	sdelay $0x1  }
0x1f6: {  	v8 =	vadd.s32 $0xFFFFFFFF, v9;
	v9 =	vimm.s32 $0x0;
	v6 =	vsub.s32 v6, v7  }
0x1f7: {  	s14 =	simm.s32 $0x0;
	s15 =	simm.s32 $0x10;
	v5 =	vor.u32 v5, v8;
	v8 =	vimm.s32 $0x0;
	v7 =	vsub.s32 $0xFF, v6  }
.LBB2_18:
0x1f8: {  	v10 =	vld [tilespmem:s15+$0xFFFFFFF0];
	_ =	sdelay $0x4  }
0x1f9: {  	vm0 =	vlt.s32 v5, v10  }
0x1fa: {  	vm1 =	veq.s32 v5, v10;
	v11 =	vsel vm0, $0x1, v1  }
0x1fb: {  	(xrf0) =	vadd.scan.msk.s32 $0xffff, v11;
	v11 =	vsel vm1, $0x1, v1  }
0x1fc: {  	(xrf0) =	vadd.scan.msk.s32 $0xffff, v11;
	_ =	sdelay $0x4  }
0x1fd: {  	v11, _, _ =	vpop (xrf0)  }
0x1fe: {  	v12, _, _ =	vpop (xrf0)  }
0x1ff: {  	v11 =	vadd.s32 v11, v9;
	v12 =	vadd.s32 v12, v8  }
0x200: {  	v11 =	vadd.s32 $0xFFFFFFFF, v11;
	v13 =	vadd.s32 $0xFFFFFFFF, v12  }
0x201: {  	v11 =	vnsel vm0, $0x0, v11;
	vm2 =	vlt.s32 v13, v6  }
0x202: {  	v12 =	vadd.s32 v7, v12;
	vm2 =	vmand vm1, vm2  }
0x203: {  	v12 =	vnsel vm2, $0x0, v12;
	_ =	sdelay $0x2  }
0x204: {  	v57 =	vor.u32 s14, v0;
	[tilespmem:v11+s11+$0x0] =	vst.idx.msk vm0, v10  }
0x205: {  	[tilespmem:v11+s12+$0x0] =	vst.idx.msk vm0, v57  }
0x206: {  	[tilespmem:v12+s11+$0x0] =	vst.idx.msk vm2, v10  }
0x207: {  	[tilespmem:v12+s12+$0x0] =	vst.idx.msk vm2, v57  }
0x208: {  	v10 =	vld [tilespmem:s15+$0x0];
	_ =	sdelay $0x4  }
0x209: {  	vm14 =	vlt.s32 v5, v10  }
0x20a: {  	vm3 =	veq.s32 v5, v10;
	v11 =	vsel vm14, $0x1, v1  }
0x20b: {  	(xrf0) =	vadd.scan.msk.s32 $0xffff, v11;
	v11 =	vsel vm3, $0x1, v1  }
0x20c: {  	(xrf0) =	vadd.scan.msk.s32 $0xffff, v11;
	_ =	sdelay $0x1  }
0x20d: {  	v11 =	vmpcnt.ones.xlane vm0;
	_ =	sdelay $0x1  }
0x20e: {  	v58 =	vmpcnt.ones.xlane vm1  }
0x20f: {  	v59, _, _ =	vpop (xrf0)  }
0x210: {  	v8 =	vadd.s32 v8, v58;
	v9 =	vadd.s32 v9, v11;
	v11, _, _ =	vpop (xrf0)  }
0x211: {  	v60 =	vadd.s32 v59, v9;
	v11 =	vadd.s32 v11, v8  }
0x212: {  	v12 =	vadd.s32 $0xFFFFFFFF, v60;
	v61 =	vadd.s32 $0xFFFFFFFF, v11  }
0x213: {  	v12 =	vnsel vm14, $0x0, v12;
	vm15 =	vlt.s32 v61, v6  }
0x214: {  	v11 =	vadd.s32 v7, v11;
	vm0 =	vmand vm3, vm15  }
0x215: {  	v11 =	vnsel vm0, $0x0, v11  }
0x216: {  	p0 =	sne.s32 s14, $0xFE0  }
.Ltmp8:
0x217: {  	s16 =	sadd.s32 $0x10, s14;
	(pc) =	sbr.rel @p0 .LBB2_18-.Ltmp8, $4  }
0x218: {  	v62 =	vor.u32 s16, v0;
	[tilespmem:v12+s11+$0x0] =	vst.idx.msk vm14, v10  }
0x219: {  	v63 =	vmpcnt.ones.xlane vm14;
	v14 =	vmpcnt.ones.xlane vm3;
	[tilespmem:v12+s12+$0x0] =	vst.idx.msk vm14, v62  }
0x21a: {  	[tilespmem:v11+s11+$0x0] =	vst.idx.msk vm0, v10  }
0x21b: {  	s14 =	sadd.s32 $0x20, s14;
	s15 =	sadd.s32 $0x20, s15;
	v9 =	vadd.s32 v9, v63;
	v8 =	vadd.s32 v8, v14;
	[tilespmem:v11+s12+$0x0] =	vst.idx.msk vm0, v62  }
0x21c: {  	[hbm4b:s4+s7] =	stream.strided.scatter [tilespmem:s11], [sflag:$0x1], $0x100, s8, s7, $0x38;
	[tilespmem:$0x1300] =	vst v63  }
0x21d: {  	s13 =	sadd.s32 $0x1, s13;
	_ =	swait.ge [sflag:s9], $0x100  }
0x21e: {  	p0 =	sne.s32 s13, s6;
	[sflag:s9] =	ssyncset.done $0x0  }
.Ltmp9:
0x21f: {  	[sflag:s9] =	ssyncadd.s32 $0xFFFFFF00;
	(pc) =	sbr.rel @p0 .LBB2_1-.Ltmp9, $4  }
0x220: {  	[hbm4b:s5+s7] =	stream.strided.scatter [tilespmem:s12], [sflag:$0x1], $0x100, s8, s7, $0x38;
	[tilespmem:$0x1300] =	vst v63  }
0x221: {  	_ =	swait.ge [sflag:s9], $0x100  }
0x222: {  	[sflag:s9] =	ssyncset.done $0x0  }
0x223: {  	[sflag:s9] =	ssyncadd.s32 $0xFFFFFF00  }
0x224: {  	_ =	sfence.sel $0x180000  }
0x225: {  	[bflag:$0x0] =	sbarrier.arrive $0xFFFF  }
0x226: {  	p0 =	sne.s32 s1, $0x0;
	_ =	strace $0x90000047  }
0x227: {  	s0 =	sadd.s32 @!p0 $0x100000, s0;
	[bflag:$0x2] =	sbarrier.arrive $0xFFFF  }
0x228: {  	[sflag:s0] =	ssyncadd.tile.s32 @!p0 $0x1;
	_ =	shalt  }
.Lfunc_end2:
_tile_overlayer_lowered:
.L_overlay_start_2:
0x229: {  	(tag) =	ssettag $0x2  }
0x22a: {  	s0 =	rddreg [dreg:$0x0];
	s2 =	stileid.u32  }
0x22b: {  	s1 =	rddreg [dreg:$0x1];
	p0 =	sne.s32 s2, $0x0  }
0x22c: {  	s3 =	rddreg [dreg:$0x2];
	[bflag:$0x3] =	sbarrier.arrive $0xFFFF;
	s2 =	simm.s32 @!p0 $0x1C01  }
0x22d: {  	[timem:s3], [sflag:s2] =	dma.local @!p0 [hbm:s0], s1  }
0x22e: {  	s0 =	simm.s32 @!p0 $0x1  }
0x22f: {  	_ =	swait.ge @!p0 [sflag:s0], s1  }
0x230: {  	s1 =	ssub.s32 @!p0 $0x0, s1;
	[sflag:s0] =	ssyncset.done @!p0 $0x0  }
0x231: {  	[sflag:s0] =	ssyncadd.s32 @!p0 s1  }
0x232: {  	[bflag:$0x3] =	sbarrier.arrive $0xFFFF  }
0x233: {  	_ =	shalt  }

</sc_bundles>
